<compile_context>
chip_gen: v7x
topology: tpu7x:2x2x1
jax: 0.10.2.dev20260603
libtpu: 0.0.44.dev20260713+nightly
codegen_flags: <defaults>
</compile_context>

<pallas_src>
import functools

import jax
import jax.numpy as jnp
from jax import lax
from jax.experimental import pallas as pl
from jax.experimental.pallas import tpu as pltpu
from jax.experimental.pallas import tpu_sc as plsc

N = 10000
E = 320000
DIN = 128
HID = 256
NCLS = 40
CPAD = 48

NC, NS, L = 2, 16, 16
NW = NC * NS
CH = 128
EPAD = 327680
RPT = EPAD // (NW * CH)
NPAD = 10240
RSUB = NPAD // NS
DEGW = 16

_mesh = plsc.VectorSubcoreMesh(core_axis_name="c", subcore_axis_name="s")
_cp_linear = pltpu.CompilerParams(use_tc_tiling_on_sc=False)



@functools.partial(
    pl.kernel,
    out_type=jax.ShapeDtypeStruct((NC, 2, NPAD, 128), jnp.float32),
    mesh=_mesh,
    scratch_types=[
        pltpu.VMEM((RPT, CH), jnp.int32),
        pltpu.VMEM((RPT, CH), jnp.int32),
        pltpu.VMEM((CH, DEGW), jnp.float32),
        pltpu.VMEM((CH, DEGW), jnp.float32),
        pltpu.VMEM_SHARED((NPAD, DEGW), jnp.float32),
        pltpu.VMEM_SHARED((NPAD, DEGW), jnp.float32),
        pltpu.SemaphoreType.DMA,
        pltpu.SemaphoreType.DMA,
    ],
    compiler_params=_cp_linear,
)
def _sc_degrees(src_hbm, dst_hbm, out_hbm, sidx, didx, ones_v, zeros_v,
                acc_o, acc_i, sem_o, sem_i):
    c = lax.axis_index("c")
    s = lax.axis_index("s")
    wid = c * NS + s

    @pl.loop(0, CH)
    def _(i):
        ones_v[i, pl.ds(0, L)] = jnp.ones((L,), jnp.float32)
        zeros_v[i, pl.ds(0, L)] = jnp.zeros((L,), jnp.float32)

    @pl.loop(0, RSUB, step=CH)
    def _(r):
        pltpu.sync_copy(zeros_v, acc_o.at[pl.ds(s * RSUB + r, CH)])
        pltpu.sync_copy(zeros_v, acc_i.at[pl.ds(s * RSUB + r, CH)])

    pltpu.sync_copy(src_hbm.at[pl.ds(wid * RPT, RPT)], sidx)
    pltpu.sync_copy(dst_hbm.at[pl.ds(wid * RPT, RPT)], didx)
    plsc.subcore_barrier()

    @pl.loop(0, RPT)
    def _(j):
        pltpu.async_copy(ones_v, acc_o.at[sidx.at[j]], sem_o, add=True)
        pltpu.async_copy(ones_v, acc_i.at[didx.at[j]], sem_i, add=True)
        pltpu.make_async_copy(ones_v, acc_o.at[sidx.at[j]], sem_o).wait()
        pltpu.make_async_copy(ones_v, acc_i.at[didx.at[j]], sem_i).wait()

    plsc.subcore_barrier()
    rsl = pl.ds(s * RSUB, RSUB)
    pltpu.sync_copy(acc_o.at[rsl],
                    out_hbm.at[c].at[0].at[rsl, pl.ds(0, DEGW)])
    pltpu.sync_copy(acc_i.at[rsl],
                    out_hbm.at[c].at[1].at[rsl, pl.ds(0, DEGW)])


def _make_sc_seg_sum(width, ib, split):
    cpt = (2 * RPT) if split else RPT
    assert cpt % ib == 0 and ib % 8 == 0

    @functools.partial(
        pl.kernel,
        out_type=jax.ShapeDtypeStruct((NC, NPAD, 128), jnp.float32),
        mesh=_mesh,
        scratch_types=[
            pltpu.VMEM((ib, CH), jnp.int32),
            pltpu.VMEM((ib, CH), jnp.int32),
            pltpu.VMEM((CH, width), jnp.float32),
            pltpu.VMEM((CH, width), jnp.float32),
            pltpu.VMEM_SHARED((NPAD, width), jnp.float32),
            pltpu.VMEM_SHARED((NPAD, width), jnp.float32),
            pltpu.SemaphoreType.DMA,
            pltpu.SemaphoreType.DMA,
            pltpu.SemaphoreType.DMA,
            pltpu.SemaphoreType.DMA,
        ],
        compiler_params=_cp_linear,
    )
    def seg(taba_hbm, tabb_hbm, src_hbm, dst_hbm, out_hbm, sidx, didx,
            rows0, rows1, tab, acc, gs0, gs1, ss0, ss1):
        c = lax.axis_index("c")
        s = lax.axis_index("s")
        off = s * cpt if split else (c * NS + s) * cpt
        bufs = ((rows0, gs0, ss0), (rows1, gs1, ss1))
        nb = len(bufs)

        @pl.loop(0, CH)
        def _(i):
            @pl.loop(0, width, step=L)
            def _(j):
                rows0[i, pl.ds(j, L)] = jnp.zeros((L,), jnp.float32)

        @pl.loop(0, RSUB, step=CH)
        def _(r):
            pltpu.sync_copy(rows0, acc.at[pl.ds(s * RSUB + r, CH)])

        rsl = pl.ds(s * RSUB, RSUB)
        if split:
            @pl.when(c == 0)
            def _():
                pltpu.sync_copy(taba_hbm.at[rsl, pl.ds(0, width)],
                                tab.at[rsl])

            @pl.when(c == 1)
            def _():
                pltpu.sync_copy(taba_hbm.at[rsl, pl.ds(width, width)],
                                tab.at[rsl])
        else:
            pltpu.sync_copy(taba_hbm.at[rsl, pl.ds(0, width)], tab.at[rsl])
        plsc.subcore_barrier()

        @pl.loop(0, cpt // ib)
        def _(g):
            base = off + g * ib
            pltpu.sync_copy(src_hbm.at[pl.ds(base, ib)], sidx)
            pltpu.sync_copy(dst_hbm.at[pl.ds(base, ib)], didx)

            for b, (rb, gs, _) in enumerate(bufs):
                pltpu.async_copy(tab.at[sidx.at[b]], rb, gs)

            @pl.loop(0, ib, step=nb)
            def _(j):
                for b, (rb, gs, ss) in enumerate(bufs):
                    i = j + b
                    pltpu.make_async_copy(tab.at[sidx.at[i]], rb, gs).wait()
                    pltpu.async_copy(rb, acc.at[didx.at[i]], ss, add=True)

                    @pl.when(i + nb < ib)
                    def _():
                        pltpu.make_async_copy(rb, acc.at[didx.at[i]],
                                              ss).wait()
                        pltpu.async_copy(tab.at[sidx.at[i + nb]], rb, gs)

            for b, (rb, _, ss) in enumerate(bufs):
                pltpu.make_async_copy(rb, acc.at[didx.at[ib - nb + b]],
                                      ss).wait()

        plsc.subcore_barrier()
        pltpu.sync_copy(acc.at[rsl], out_hbm.at[c].at[rsl, pl.ds(0, width)])

    return seg


_sc_seg_sum_h64 = _make_sc_seg_sum(DIN // 2, 16, True)
_sc_seg_sum_48 = _make_sc_seg_sum(CPAD, 16, False)



_RB = 2048
_GRID = NPAD // _RB
_RBF = 1000
_GRIDF = N // _RBF


def _norm(col):
    return lax.rsqrt(jnp.maximum(col, 1.0))


def _prep_body(deg_ref, x_ref, xn_ref, nrm_ref):
    n_out = _norm(deg_ref[0, 0, :, 0:1] + deg_ref[1, 0, :, 0:1])
    n_in = _norm(deg_ref[0, 1, :, 0:1] + deg_ref[1, 1, :, 0:1])
    nrm_ref[:, 0:1] = n_out
    nrm_ref[:, 1:2] = n_in
    xn_ref[...] = x_ref[...] * n_out


def _tc_prep(degp, x_pad):
    return pl.pallas_call(
        _prep_body,
        grid=(_GRID,),
        in_specs=[
            pl.BlockSpec((NC, 2, _RB, 128), lambda i: (0, 0, i, 0)),
            pl.BlockSpec((_RB, DIN), lambda i: (i, 0)),
        ],
        out_specs=[
            pl.BlockSpec((_RB, DIN), lambda i: (i, 0)),
            pl.BlockSpec((_RB, 2), lambda i: (i, 0)),
        ],
        out_shape=[
            jax.ShapeDtypeStruct((NPAD, DIN), jnp.float32),
            jax.ShapeDtypeStruct((NPAD, 2), jnp.float32),
        ],
    )(degp, x_pad)


def _mid_body(nrm_ref, p_ref, w1_ref, b1_ref, w2_ref, o_ref):
    n_in = nrm_ref[:, 1:2]
    n_out = nrm_ref[:, 0:1]
    m = jnp.concatenate([p_ref[0][:, : DIN // 2], p_ref[1][:, : DIN // 2]],
                        axis=1) * n_in
    h = jnp.dot(m, w1_ref[...], preferred_element_type=jnp.float32)
    h = jnp.maximum(h + b1_ref[...], 0.0)
    z = jnp.dot(h, w2_ref[...], preferred_element_type=jnp.float32)
    o_ref[...] = z * n_out


def _tc_mid(norms, p, w1, b1, w2p):
    return pl.pallas_call(
        _mid_body,
        grid=(_GRID,),
        in_specs=[
            pl.BlockSpec((_RB, 2), lambda i: (i, 0)),
            pl.BlockSpec((NC, _RB, 128), lambda i: (0, i, 0)),
            pl.BlockSpec((DIN, HID), lambda i: (0, 0)),
            pl.BlockSpec((1, HID), lambda i: (0, 0)),
            pl.BlockSpec((HID, DIN), lambda i: (0, 0)),
        ],
        out_specs=pl.BlockSpec((_RB, DIN), lambda i: (i, 0)),
        out_shape=jax.ShapeDtypeStruct((NPAD, DIN), jnp.float32),
    )(norms, p, w1, b1, w2p)


def _final_body(nrm_ref, q_ref, b2_ref, o_ref):
    n_in = nrm_ref[:, 1:2]
    o_ref[...] = ((q_ref[0][:, :NCLS] + q_ref[1][:, :NCLS]) * n_in
                  + b2_ref[...])


def _tc_final(norms, q, b2p):
    return pl.pallas_call(
        _final_body,
        grid=(_GRIDF,),
        in_specs=[
            pl.BlockSpec((_RBF, 2), lambda i: (i, 0)),
            pl.BlockSpec((NC, _RBF, 128), lambda i: (0, i, 0)),
            pl.BlockSpec((1, NCLS), lambda i: (0, 0)),
        ],
        out_specs=pl.BlockSpec((_RBF, NCLS), lambda i: (i, 0)),
        out_shape=jax.ShapeDtypeStruct((N, NCLS), jnp.float32),
    )(norms, q, b2p)



def kernel(x, edge_index, W1, b1, W2, b2):
    ei = edge_index.astype(jnp.int32)
    pad = jnp.full((2, EPAD - E), N, dtype=jnp.int32)
    ep = jnp.concatenate([ei, pad], axis=1)
    src_rows = ep[0].reshape(EPAD // CH, CH)
    dst_rows = ep[1].reshape(EPAD // CH, CH)

    degp = _sc_degrees(src_rows, dst_rows)
    x_pad = jnp.pad(x, ((0, NPAD - N), (0, 0)))
    xn, norms = _tc_prep(degp, x_pad)
    p = _sc_seg_sum_h64(xn, xn, src_rows, dst_rows)

    w2p = jnp.pad(W2, ((0, 0), (0, DIN - NCLS)))
    zn = _tc_mid(norms, p, W1, b1.reshape(1, HID), w2p)
    q = _sc_seg_sum_48(zn, zn, src_rows, dst_rows)

    return _tc_final(norms, q, b2.reshape(1, NCLS))

# --- scband reference (transcript-rebuilt; emitter-appended) ---
"""Pipeline reference for scband-gcn-88587995448099 (READ-ONLY COPY).

The authoritative reference and input builder live on the scoring server;
editing this copy changes nothing except your own understanding.
"""

import jax, jax.numpy as jnp
import numpy as np

N_NODES = 10000
N_EDGES = 320000
IN_FEATS = 128
H_FEATS = 256
NUM_CLASSES = 40


def setup_inputs(seed: int = 0) -> dict:
    key = jax.random.key(seed)
    k1, k2, k3, k4, k5, k6 = jax.random.split(key, 6)
    x = jax.random.normal(k1, (N_NODES, IN_FEATS), dtype=jnp.float32)
    edge_index = jax.random.randint(k2, (2, N_EDGES), 0, N_NODES, dtype=jnp.int64)
    # Glorot-initialized GraphConv weights (DGL default), zero bias
    s1 = float(np.sqrt(6.0 / (IN_FEATS + H_FEATS)))
    W1 = jax.random.uniform(k3, (IN_FEATS, H_FEATS), dtype=jnp.float32, minval=-s1, maxval=s1)
    b1 = jnp.zeros((H_FEATS,), dtype=jnp.float32)
    s2 = float(np.sqrt(6.0 / (H_FEATS + NUM_CLASSES)))
    W2 = jax.random.uniform(k4, (H_FEATS, NUM_CLASSES), dtype=jnp.float32, minval=-s2, maxval=s2)
    b2 = jnp.zeros((NUM_CLASSES,), dtype=jnp.float32)
    return {"x": x, "edge_index": edge_index, "W1": W1, "b1": b1, "W2": W2, "b2": b2}


def _graph_conv(x, src, dst, norm_src, norm_dst, W, b):
    # DGL GraphConv with norm='both': D_out^{-1/2} applied at src,
    # sum-aggregate messages to dst, then D_in^{-1/2}, then linear.
    h = x * norm_src[:, None]
    m = jax.ops.segment_sum(h[src], dst, num_segments=N_NODES)
    h = m * norm_dst[:, None]
    return h @ W + b


def reference(x, edge_index, W1, b1, W2, b2):
    src = edge_index[0]
    dst = edge_index[1]
    ones = jnp.ones((N_EDGES,), dtype=jnp.float32)
    deg_out = jax.ops.segment_sum(ones, src, num_segments=N_NODES)
    deg_in = jax.ops.segment_sum(ones, dst, num_segments=N_NODES)
    norm_src = jax.lax.rsqrt(jnp.clip(deg_out, 1.0, None))
    norm_dst = jax.lax.rsqrt(jnp.clip(deg_in, 1.0, None))
    h = _graph_conv(x, src, dst, norm_src, norm_dst, W1, b1)
    h = jax.nn.relu(h)
    # dropout with training=False -> identity
    out = _graph_conv(h, src, dst, norm_src, norm_dst, W2, b2)
    return out

if __name__ == "__main__":
    import jax
    _d = setup_inputs()
    print(jax.jit(kernel)(*tuple(_d.values())))

</pallas_src>

<mosaic_0001>
#map = affine_map<(d0, d1) -> (0, 0)>
#map1 = affine_map<(d0, d1) -> (0, 0, 0, 0)>
module attributes {stable_mosaic.version = 14 : i64} {
  func.func @_sc_degrees(%arg0: i32, %arg1: i32, %arg2: memref<2560x128xi32, #tpu.memory_space<hbm>>, %arg3: memref<2560x128xi32, #tpu.memory_space<hbm>>, %arg4: memref<2x2x10240x128xf32, #tpu.memory_space<hbm>>, %arg5: memref<80x128xi32, #tpu.memory_space<vmem>>, %arg6: memref<80x128xi32, #tpu.memory_space<vmem>>, %arg7: memref<128x16xf32, #tpu.memory_space<vmem>>, %arg8: memref<128x16xf32, #tpu.memory_space<vmem>>, %arg9: memref<10240x16xf32, #tpu.memory_space<vmem_shared>>, %arg10: memref<10240x16xf32, #tpu.memory_space<vmem_shared>>, %arg11: memref<!tpu.dma_semaphore, #tpu.memory_space<semaphore_mem>>, %arg12: memref<!tpu.dma_semaphore, #tpu.memory_space<semaphore_mem>>) attributes {dimension_semantics = [#tpu.dimension_semantics<core_parallel>, #tpu.dimension_semantics<subcore_parallel>], iteration_bounds = array<i64: 2, 16>, scalar_prefetch = 0 : i64, scratch_operands = 8 : i64, tpu.core_type = #tpu.core_type<sc_vector_subcore>, window_params = [{transform_indices = #map}, {transform_indices = #map}, {transform_indices = #map1}]} {
    %mul3A = arith.constant 16 : i32
    %mul3A_0 = arith.muli %arg0, %mul3A : i32
    %add3A = arith.addi %mul3A_0, %arg1 : i32
    %scan3A = arith.constant 0 : i32
    %scan3A_1 = arith.constant 128 : i32
    %scan3A_2 = arith.addi %scan3A, %scan3A_1 : i32
    %scan3A_3 = arith.constant 1 : i32
    scf.for %scan3A_23 = %scan3A to %scan3A_2 step %scan3A_3  : i32 {
      %mul3A_24 = arith.constant 1 : i32
      %mul3A_25 = arith.muli %scan3A_23, %mul3A_24 : i32
      %add3A_26 = arith.constant 0 : i32
      %add3A_27 = arith.addi %add3A_26, %mul3A_25 : i32
      %broadcast_in_dim3A = arith.constant 1.000000e+00 : f32
      %broadcast_in_dim3A_28 = vector.broadcast %broadcast_in_dim3A : f32 to vector<16xf32>
      %swap3A = arith.index_cast %add3A_27 : i32 to index
      %swap3A_29 = arith.constant 0 : index
      %swap3A_30 = tpu.vector_load %arg7[%swap3A, %swap3A_29] {strides = array<i32>} : memref<128x16xf32, #tpu.memory_space<vmem>>, vector<1x16xf32>,
      %swap3A_31 = vector.shape_cast %swap3A_30 : vector<1x16xf32> to vector<16xf32>
      %swap3A_32 = vector.shape_cast %broadcast_in_dim3A_28 : vector<16xf32> to vector<1x16xf32>
      tpu.vector_store %arg7[%swap3A, %swap3A_29], %swap3A_32 {strides = array<i32>} : memref<128x16xf32, #tpu.memory_space<vmem>>, vector<1x16xf32>,
      %broadcast_in_dim3A_33 = arith.constant 0.000000e+00 : f32
      %broadcast_in_dim3A_34 = vector.broadcast %broadcast_in_dim3A_33 : f32 to vector<16xf32>
      %swap3A_35 = arith.index_cast %add3A_27 : i32 to index
      %swap3A_36 = arith.constant 0 : index
      %swap3A_37 = tpu.vector_load %arg8[%swap3A_35, %swap3A_36] {strides = array<i32>} : memref<128x16xf32, #tpu.memory_space<vmem>>, vector<1x16xf32>,
      %swap3A_38 = vector.shape_cast %swap3A_37 : vector<1x16xf32> to vector<16xf32>
      %swap3A_39 = vector.shape_cast %broadcast_in_dim3A_34 : vector<16xf32> to vector<1x16xf32>
      tpu.vector_store %arg8[%swap3A_35, %swap3A_36], %swap3A_39 {strides = array<i32>} : memref<128x16xf32, #tpu.memory_space<vmem>>, vector<1x16xf32>,
    }
    %scan3A_4 = arith.constant 128 : i32
    %scan3A_5 = arith.constant 0 : i32
    %scan3A_6 = arith.constant 5 : i32
    %scan3A_7 = arith.addi %scan3A_5, %scan3A_6 : i32
    %scan3A_8 = arith.constant 1 : i32
    scf.for %scan3A_23 = %scan3A_5 to %scan3A_7 step %scan3A_8  : i32 {
      %mul3A_24 = arith.constant 128 : i32
      %mul3A_25 = arith.muli %scan3A_23, %mul3A_24 : i32
      %add3A_26 = arith.constant 0 : i32
      %add3A_27 = arith.addi %add3A_26, %mul3A_25 : i32
      %mul3A_28 = arith.constant 640 : i32
      %mul3A_29 = arith.muli %arg1, %mul3A_28 : i32
      %add3A_30 = arith.addi %mul3A_29, %add3A_27 : i32
      "tpu.region"() ({
        %run_scoped3A_34 = tpu.sem_alloc : memref<!tpu.dma_semaphore, #tpu.memory_space<semaphore_mem>>
        %dma_start3A = arith.constant 0 : i32
        %dma_start3A_35 = tpu.memref_slice %arg9[%add3A_30, %dma_start3A] : memref<10240x16xf32, #tpu.memory_space<vmem_shared>> -> memref<128x16xf32, #tpu.memory_space<vmem_shared>>
        %dma_start3A_36 = arith.constant 0 : i32
        %dma_start3A_37 = tpu.memref_slice %arg9[%add3A_30, %dma_start3A_36] : memref<10240x16xf32, #tpu.memory_space<vmem_shared>> -> memref<128x16xf32, #tpu.memory_space<vmem_shared>>
        tpu.enqueue_dma source(%arg8 : memref<128x16xf32, #tpu.memory_space<vmem>>) target(%dma_start3A_37 : memref<128x16xf32, #tpu.memory_space<vmem_shared>>) target_semaphore(%run_scoped3A_34 : memref<!tpu.dma_semaphore, #tpu.memory_space<semaphore_mem>>)
        %dma_wait3A = arith.constant 0 : i32
        %dma_wait3A_38 = tpu.memref_slice %arg9[%add3A_30, %dma_wait3A] : memref<10240x16xf32, #tpu.memory_space<vmem_shared>> -> memref<128x16xf32, #tpu.memory_space<vmem_shared>>
        %dma_wait3A_39 = arith.constant 0 : i32
        %dma_wait3A_40 = tpu.memref_slice %arg9[%add3A_30, %dma_wait3A_39] : memref<10240x16xf32, #tpu.memory_space<vmem_shared>> -> memref<128x16xf32, #tpu.memory_space<vmem_shared>>
        tpu.wait_dma2 semaphore(%run_scoped3A_34 : memref<!tpu.dma_semaphore, #tpu.memory_space<semaphore_mem>>) src(%arg8 : memref<128x16xf32, #tpu.memory_space<vmem>>) dst(%dma_wait3A_40 : memref<128x16xf32, #tpu.memory_space<vmem_shared>>)
        tpu.yield
      }) : () -> ()
      %mul3A_31 = arith.constant 640 : i32
      %mul3A_32 = arith.muli %arg1, %mul3A_31 : i32
      %add3A_33 = arith.addi %mul3A_32, %add3A_27 : i32
      "tpu.region"() ({
        %run_scoped3A_34 = tpu.sem_alloc : memref<!tpu.dma_semaphore, #tpu.memory_space<semaphore_mem>>
        %dma_start3A = arith.constant 0 : i32
        %dma_start3A_35 = tpu.memref_slice %arg10[%add3A_33, %dma_start3A] : memref<10240x16xf32, #tpu.memory_space<vmem_shared>> -> memref<128x16xf32, #tpu.memory_space<vmem_shared>>
        %dma_start3A_36 = arith.constant 0 : i32
        %dma_start3A_37 = tpu.memref_slice %arg10[%add3A_33, %dma_start3A_36] : memref<10240x16xf32, #tpu.memory_space<vmem_shared>> -> memref<128x16xf32, #tpu.memory_space<vmem_shared>>
        tpu.enqueue_dma source(%arg8 : memref<128x16xf32, #tpu.memory_space<vmem>>) target(%dma_start3A_37 : memref<128x16xf32, #tpu.memory_space<vmem_shared>>) target_semaphore(%run_scoped3A_34 : memref<!tpu.dma_semaphore, #tpu.memory_space<semaphore_mem>>)
        %dma_wait3A = arith.constant 0 : i32
        %dma_wait3A_38 = tpu.memref_slice %arg10[%add3A_33, %dma_wait3A] : memref<10240x16xf32, #tpu.memory_space<vmem_shared>> -> memref<128x16xf32, #tpu.memory_space<vmem_shared>>
        %dma_wait3A_39 = arith.constant 0 : i32
        %dma_wait3A_40 = tpu.memref_slice %arg10[%add3A_33, %dma_wait3A_39] : memref<10240x16xf32, #tpu.memory_space<vmem_shared>> -> memref<128x16xf32, #tpu.memory_space<vmem_shared>>
        tpu.wait_dma2 semaphore(%run_scoped3A_34 : memref<!tpu.dma_semaphore, #tpu.memory_space<semaphore_mem>>) src(%arg8 : memref<128x16xf32, #tpu.memory_space<vmem>>) dst(%dma_wait3A_40 : memref<128x16xf32, #tpu.memory_space<vmem_shared>>)
        tpu.yield
      }) : () -> ()
    }
    %scan3A_9 = arith.constant 5 : i32
    %mul3A_10 = arith.constant 80 : i32
    %mul3A_11 = arith.muli %add3A, %mul3A_10 : i32
    "tpu.region"() ({
      %run_scoped3A_23 = tpu.sem_alloc : memref<!tpu.dma_semaphore, #tpu.memory_space<semaphore_mem>>
      %dma_start3A = arith.constant 0 : i32
      %dma_start3A_24 = tpu.memref_slice %arg2[%mul3A_11, %dma_start3A] : memref<2560x128xi32, #tpu.memory_space<hbm>> -> memref<80x128xi32, #tpu.memory_space<hbm>>
      %dma_start3A_25 = arith.constant 0 : i32
      %dma_start3A_26 = tpu.memref_slice %arg2[%mul3A_11, %dma_start3A_25] : memref<2560x128xi32, #tpu.memory_space<hbm>> -> memref<80x128xi32, #tpu.memory_space<hbm>>
      tpu.enqueue_dma source(%dma_start3A_26 : memref<80x128xi32, #tpu.memory_space<hbm>>) target(%arg5 : memref<80x128xi32, #tpu.memory_space<vmem>>) target_semaphore(%run_scoped3A_23 : memref<!tpu.dma_semaphore, #tpu.memory_space<semaphore_mem>>)
      %dma_wait3A = arith.constant 0 : i32
      %dma_wait3A_27 = tpu.memref_slice %arg2[%mul3A_11, %dma_wait3A] : memref<2560x128xi32, #tpu.memory_space<hbm>> -> memref<80x128xi32, #tpu.memory_space<hbm>>
      %dma_wait3A_28 = arith.constant 0 : i32
      %dma_wait3A_29 = tpu.memref_slice %arg2[%mul3A_11, %dma_wait3A_28] : memref<2560x128xi32, #tpu.memory_space<hbm>> -> memref<80x128xi32, #tpu.memory_space<hbm>>
      tpu.wait_dma2 semaphore(%run_scoped3A_23 : memref<!tpu.dma_semaphore, #tpu.memory_space<semaphore_mem>>) src(%dma_wait3A_29 : memref<80x128xi32, #tpu.memory_space<hbm>>) dst(%arg5 : memref<80x128xi32, #tpu.memory_space<vmem>>)
      tpu.yield
    }) : () -> ()
    %mul3A_12 = arith.constant 80 : i32
    %mul3A_13 = arith.muli %add3A, %mul3A_12 : i32
    "tpu.region"() ({
      %run_scoped3A_23 = tpu.sem_alloc : memref<!tpu.dma_semaphore, #tpu.memory_space<semaphore_mem>>
      %dma_start3A = arith.constant 0 : i32
      %dma_start3A_24 = tpu.memref_slice %arg3[%mul3A_13, %dma_start3A] : memref<2560x128xi32, #tpu.memory_space<hbm>> -> memref<80x128xi32, #tpu.memory_space<hbm>>
      %dma_start3A_25 = arith.constant 0 : i32
      %dma_start3A_26 = tpu.memref_slice %arg3[%mul3A_13, %dma_start3A_25] : memref<2560x128xi32, #tpu.memory_space<hbm>> -> memref<80x128xi32, #tpu.memory_space<hbm>>
      tpu.enqueue_dma source(%dma_start3A_26 : memref<80x128xi32, #tpu.memory_space<hbm>>) target(%arg6 : memref<80x128xi32, #tpu.memory_space<vmem>>) target_semaphore(%run_scoped3A_23 : memref<!tpu.dma_semaphore, #tpu.memory_space<semaphore_mem>>)
      %dma_wait3A = arith.constant 0 : i32
      %dma_wait3A_27 = tpu.memref_slice %arg3[%mul3A_13, %dma_wait3A] : memref<2560x128xi32, #tpu.memory_space<hbm>> -> memref<80x128xi32, #tpu.memory_space<hbm>>
      %dma_wait3A_28 = arith.constant 0 : i32
      %dma_wait3A_29 = tpu.memref_slice %arg3[%mul3A_13, %dma_wait3A_28] : memref<2560x128xi32, #tpu.memory_space<hbm>> -> memref<80x128xi32, #tpu.memory_space<hbm>>
      tpu.wait_dma2 semaphore(%run_scoped3A_23 : memref<!tpu.dma_semaphore, #tpu.memory_space<semaphore_mem>>) src(%dma_wait3A_29 : memref<80x128xi32, #tpu.memory_space<hbm>>) dst(%arg6 : memref<80x128xi32, #tpu.memory_space<vmem>>)
      tpu.yield
    }) : () -> ()
    %barrier3A = arith.constant 0 : index
    tpu.barrier barrier_id(%barrier3A)
    %scan3A_14 = arith.constant 0 : i32
    %scan3A_15 = arith.constant 80 : i32
    %scan3A_16 = arith.addi %scan3A_14, %scan3A_15 : i32
    %scan3A_17 = arith.constant 1 : i32
    scf.for %scan3A_23 = %scan3A_14 to %scan3A_16 step %scan3A_17  : i32 {
      %mul3A_24 = arith.constant 1 : i32
      %mul3A_25 = arith.muli %scan3A_23, %mul3A_24 : i32
      %add3A_26 = arith.constant 0 : i32
      %add3A_27 = arith.addi %add3A_26, %mul3A_25 : i32
      %dma_start3A = arith.constant 0 : i32
      %dma_start3A_28 = tpu.memref_slice %arg5[%add3A_27, %dma_start3A] : memref<80x128xi32, #tpu.memory_space<vmem>> -> memref<1x128xi32, #tpu.memory_space<vmem>>
      %dma_start3A_29 = tpu.memref_squeeze %dma_start3A_28 : memref<1x128xi32, #tpu.memory_space<vmem>> -> memref<128xi32, #tpu.memory_space<vmem>>
      %dma_start3A_30 = arith.constant 0 : i32
      %dma_start3A_31 = arith.constant 0 : i32
      %dma_start3A_32 = tpu.memref_slice %arg9[%dma_start3A_30, %dma_start3A_31] : memref<10240x16xf32, #tpu.memory_space<vmem_shared>> -> memref<10240x16xf32, #tpu.memory_space<vmem_shared>>
      tpu.enqueue_indirect_dma source(%arg7 : memref<128x16xf32, #tpu.memory_space<vmem>>) target(%dma_start3A_32 : memref<10240x16xf32, #tpu.memory_space<vmem_shared>>) offsets(%dma_start3A_29 : memref<128xi32, #tpu.memory_space<vmem>>) semaphore(%arg11 : memref<!tpu.dma_semaphore, #tpu.memory_space<semaphore_mem>>) {add = true}
      %dma_start3A_33 = arith.constant 0 : i32
      %dma_start3A_34 = tpu.memref_slice %arg6[%add3A_27, %dma_start3A_33] : memref<80x128xi32, #tpu.memory_space<vmem>> -> memref<1x128xi32, #tpu.memory_space<vmem>>
      %dma_start3A_35 = tpu.memref_squeeze %dma_start3A_34 : memref<1x128xi32, #tpu.memory_space<vmem>> -> memref<128xi32, #tpu.memory_space<vmem>>
      %dma_start3A_36 = arith.constant 0 : i32
      %dma_start3A_37 = arith.constant 0 : i32
      %dma_start3A_38 = tpu.memref_slice %arg10[%dma_start3A_36, %dma_start3A_37] : memref<10240x16xf32, #tpu.memory_space<vmem_shared>> -> memref<10240x16xf32, #tpu.memory_space<vmem_shared>>
      tpu.enqueue_indirect_dma source(%arg7 : memref<128x16xf32, #tpu.memory_space<vmem>>) target(%dma_start3A_38 : memref<10240x16xf32, #tpu.memory_space<vmem_shared>>) offsets(%dma_start3A_35 : memref<128xi32, #tpu.memory_space<vmem>>) semaphore(%arg12 : memref<!tpu.dma_semaphore, #tpu.memory_space<semaphore_mem>>) {add = true}
      %dma_wait3A = arith.constant 0 : i32
      %dma_wait3A_39 = tpu.memref_slice %arg5[%add3A_27, %dma_wait3A] : memref<80x128xi32, #tpu.memory_space<vmem>> -> memref<1x128xi32, #tpu.memory_space<vmem>>
      %dma_wait3A_40 = tpu.memref_squeeze %dma_wait3A_39 : memref<1x128xi32, #tpu.memory_space<vmem>> -> memref<128xi32, #tpu.memory_space<vmem>>
      %dma_wait3A_41 = arith.constant 0 : i32
      %dma_wait3A_42 = arith.constant 0 : i32
      %dma_wait3A_43 = tpu.memref_slice %arg9[%dma_wait3A_41, %dma_wait3A_42] : memref<10240x16xf32, #tpu.memory_space<vmem_shared>> -> memref<10240x16xf32, #tpu.memory_space<vmem_shared>>
      tpu.wait_indirect_dma semaphore(%arg11 : memref<!tpu.dma_semaphore, #tpu.memory_space<semaphore_mem>>) src(%arg7 : memref<128x16xf32, #tpu.memory_space<vmem>>) dst(%dma_wait3A_43 : memref<10240x16xf32, #tpu.memory_space<vmem_shared>>)
      %dma_wait3A_44 = arith.constant 0 : i32
      %dma_wait3A_45 = tpu.memref_slice %arg6[%add3A_27, %dma_wait3A_44] : memref<80x128xi32, #tpu.memory_space<vmem>> -> memref<1x128xi32, #tpu.memory_space<vmem>>
      %dma_wait3A_46 = tpu.memref_squeeze %dma_wait3A_45 : memref<1x128xi32, #tpu.memory_space<vmem>> -> memref<128xi32, #tpu.memory_space<vmem>>
      %dma_wait3A_47 = arith.constant 0 : i32
      %dma_wait3A_48 = arith.constant 0 : i32
      %dma_wait3A_49 = tpu.memref_slice %arg10[%dma_wait3A_47, %dma_wait3A_48] : memref<10240x16xf32, #tpu.memory_space<vmem_shared>> -> memref<10240x16xf32, #tpu.memory_space<vmem_shared>>
      tpu.wait_indirect_dma semaphore(%arg12 : memref<!tpu.dma_semaphore, #tpu.memory_space<semaphore_mem>>) src(%arg7 : memref<128x16xf32, #tpu.memory_space<vmem>>) dst(%dma_wait3A_49 : memref<10240x16xf32, #tpu.memory_space<vmem_shared>>)
    }
    %scan3A_18 = arith.constant 80 : i32
    %barrier3A_19 = arith.constant 0 : index
    tpu.barrier barrier_id(%barrier3A_19)
    %mul3A_20 = arith.constant 640 : i32
    %mul3A_21 = arith.muli %arg1, %mul3A_20 : i32
    %run_scoped3A = arith.constant 0 : i32
    "tpu.region"() ({
      %run_scoped3A_23 = tpu.sem_alloc : memref<!tpu.dma_semaphore, #tpu.memory_space<semaphore_mem>>
      %dma_start3A = arith.constant 0 : i32
      %dma_start3A_24 = arith.constant 0 : i32
      %dma_start3A_25 = arith.constant 0 : i32
      %dma_start3A_26 = tpu.memref_slice %arg4[%arg0, %dma_start3A, %dma_start3A_24, %dma_start3A_25] : memref<2x2x10240x128xf32, #tpu.memory_space<hbm>> -> memref<1x2x10240x128xf32, #tpu.memory_space<hbm>>
      %dma_start3A_27 = tpu.memref_squeeze %dma_start3A_26 : memref<1x2x10240x128xf32, #tpu.memory_space<hbm>> -> memref<2x10240x128xf32, #tpu.memory_space<hbm>>
      %dma_start3A_28 = arith.constant 0 : i32
      %dma_start3A_29 = arith.constant 0 : i32
      %dma_start3A_30 = tpu.memref_slice %dma_start3A_27[%run_scoped3A, %dma_start3A_28, %dma_start3A_29] : memref<2x10240x128xf32, #tpu.memory_space<hbm>> -> memref<1x10240x128xf32, #tpu.memory_space<hbm>>
      %dma_start3A_31 = tpu.memref_squeeze %dma_start3A_30 : memref<1x10240x128xf32, #tpu.memory_space<hbm>> -> memref<10240x128xf32, #tpu.memory_space<hbm>>
      %dma_start3A_32 = arith.constant 0 : i32
      %dma_start3A_33 = tpu.memref_slice %dma_start3A_31[%mul3A_21, %dma_start3A_32] : memref<10240x128xf32, #tpu.memory_space<hbm>> -> memref<640x16xf32, #tpu.memory_space<hbm>>
      %dma_start3A_34 = arith.constant 0 : i32
      %dma_start3A_35 = tpu.memref_slice %arg9[%mul3A_21, %dma_start3A_34] : memref<10240x16xf32, #tpu.memory_space<vmem_shared>> -> memref<640x16xf32, #tpu.memory_space<vmem_shared>>
      tpu.enqueue_dma source(%dma_start3A_35 : memref<640x16xf32, #tpu.memory_space<vmem_shared>>) target(%dma_start3A_33 : memref<640x16xf32, #tpu.memory_space<hbm>>) target_semaphore(%run_scoped3A_23 : memref<!tpu.dma_semaphore, #tpu.memory_space<semaphore_mem>>)
      %dma_wait3A = arith.constant 0 : i32
      %dma_wait3A_36 = arith.constant 0 : i32
      %dma_wait3A_37 = arith.constant 0 : i32
      %dma_wait3A_38 = tpu.memref_slice %arg4[%arg0, %dma_wait3A, %dma_wait3A_36, %dma_wait3A_37] : memref<2x2x10240x128xf32, #tpu.memory_space<hbm>> -> memref<1x2x10240x128xf32, #tpu.memory_space<hbm>>
      %dma_wait3A_39 = tpu.memref_squeeze %dma_wait3A_38 : memref<1x2x10240x128xf32, #tpu.memory_space<hbm>> -> memref<2x10240x128xf32, #tpu.memory_space<hbm>>
      %dma_wait3A_40 = arith.constant 0 : i32
      %dma_wait3A_41 = arith.constant 0 : i32
      %dma_wait3A_42 = tpu.memref_slice %dma_wait3A_39[%run_scoped3A, %dma_wait3A_40, %dma_wait3A_41] : memref<2x10240x128xf32, #tpu.memory_space<hbm>> -> memref<1x10240x128xf32, #tpu.memory_space<hbm>>
      %dma_wait3A_43 = tpu.memref_squeeze %dma_wait3A_42 : memref<1x10240x128xf32, #tpu.memory_space<hbm>> -> memref<10240x128xf32, #tpu.memory_space<hbm>>
      %dma_wait3A_44 = arith.constant 0 : i32
      %dma_wait3A_45 = tpu.memref_slice %dma_wait3A_43[%mul3A_21, %dma_wait3A_44] : memref<10240x128xf32, #tpu.memory_space<hbm>> -> memref<640x16xf32, #tpu.memory_space<hbm>>
      %dma_wait3A_46 = arith.constant 0 : i32
      %dma_wait3A_47 = tpu.memref_slice %arg9[%mul3A_21, %dma_wait3A_46] : memref<10240x16xf32, #tpu.memory_space<vmem_shared>> -> memref<640x16xf32, #tpu.memory_space<vmem_shared>>
      tpu.wait_dma2 semaphore(%run_scoped3A_23 : memref<!tpu.dma_semaphore, #tpu.memory_space<semaphore_mem>>) src(%dma_wait3A_47 : memref<640x16xf32, #tpu.memory_space<vmem_shared>>) dst(%dma_wait3A_45 : memref<640x16xf32, #tpu.memory_space<hbm>>)
      tpu.yield
    }) : () -> ()
    %run_scoped3A_22 = arith.constant 1 : i32
    "tpu.region"() ({
      %run_scoped3A_23 = tpu.sem_alloc : memref<!tpu.dma_semaphore, #tpu.memory_space<semaphore_mem>>
      %dma_start3A = arith.constant 0 : i32
      %dma_start3A_24 = arith.constant 0 : i32
      %dma_start3A_25 = arith.constant 0 : i32
      %dma_start3A_26 = tpu.memref_slice %arg4[%arg0, %dma_start3A, %dma_start3A_24, %dma_start3A_25] : memref<2x2x10240x128xf32, #tpu.memory_space<hbm>> -> memref<1x2x10240x128xf32, #tpu.memory_space<hbm>>
      %dma_start3A_27 = tpu.memref_squeeze %dma_start3A_26 : memref<1x2x10240x128xf32, #tpu.memory_space<hbm>> -> memref<2x10240x128xf32, #tpu.memory_space<hbm>>
      %dma_start3A_28 = arith.constant 0 : i32
      %dma_start3A_29 = arith.constant 0 : i32
      %dma_start3A_30 = tpu.memref_slice %dma_start3A_27[%run_scoped3A_22, %dma_start3A_28, %dma_start3A_29] : memref<2x10240x128xf32, #tpu.memory_space<hbm>> -> memref<1x10240x128xf32, #tpu.memory_space<hbm>>
      %dma_start3A_31 = tpu.memref_squeeze %dma_start3A_30 : memref<1x10240x128xf32, #tpu.memory_space<hbm>> -> memref<10240x128xf32, #tpu.memory_space<hbm>>
      %dma_start3A_32 = arith.constant 0 : i32
      %dma_start3A_33 = tpu.memref_slice %dma_start3A_31[%mul3A_21, %dma_start3A_32] : memref<10240x128xf32, #tpu.memory_space<hbm>> -> memref<640x16xf32, #tpu.memory_space<hbm>>
      %dma_start3A_34 = arith.constant 0 : i32
      %dma_start3A_35 = tpu.memref_slice %arg10[%mul3A_21, %dma_start3A_34] : memref<10240x16xf32, #tpu.memory_space<vmem_shared>> -> memref<640x16xf32, #tpu.memory_space<vmem_shared>>
      tpu.enqueue_dma source(%dma_start3A_35 : memref<640x16xf32, #tpu.memory_space<vmem_shared>>) target(%dma_start3A_33 : memref<640x16xf32, #tpu.memory_space<hbm>>) target_semaphore(%run_scoped3A_23 : memref<!tpu.dma_semaphore, #tpu.memory_space<semaphore_mem>>)
      %dma_wait3A = arith.constant 0 : i32
      %dma_wait3A_36 = arith.constant 0 : i32
      %dma_wait3A_37 = arith.constant 0 : i32
      %dma_wait3A_38 = tpu.memref_slice %arg4[%arg0, %dma_wait3A, %dma_wait3A_36, %dma_wait3A_37] : memref<2x2x10240x128xf32, #tpu.memory_space<hbm>> -> memref<1x2x10240x128xf32, #tpu.memory_space<hbm>>
      %dma_wait3A_39 = tpu.memref_squeeze %dma_wait3A_38 : memref<1x2x10240x128xf32, #tpu.memory_space<hbm>> -> memref<2x10240x128xf32, #tpu.memory_space<hbm>>
      %dma_wait3A_40 = arith.constant 0 : i32
      %dma_wait3A_41 = arith.constant 0 : i32
      %dma_wait3A_42 = tpu.memref_slice %dma_wait3A_39[%run_scoped3A_22, %dma_wait3A_40, %dma_wait3A_41] : memref<2x10240x128xf32, #tpu.memory_space<hbm>> -> memref<1x10240x128xf32, #tpu.memory_space<hbm>>
      %dma_wait3A_43 = tpu.memref_squeeze %dma_wait3A_42 : memref<1x10240x128xf32, #tpu.memory_space<hbm>> -> memref<10240x128xf32, #tpu.memory_space<hbm>>
      %dma_wait3A_44 = arith.constant 0 : i32
      %dma_wait3A_45 = tpu.memref_slice %dma_wait3A_43[%mul3A_21, %dma_wait3A_44] : memref<10240x128xf32, #tpu.memory_space<hbm>> -> memref<640x16xf32, #tpu.memory_space<hbm>>
      %dma_wait3A_46 = arith.constant 0 : i32
      %dma_wait3A_47 = tpu.memref_slice %arg10[%mul3A_21, %dma_wait3A_46] : memref<10240x16xf32, #tpu.memory_space<vmem_shared>> -> memref<640x16xf32, #tpu.memory_space<vmem_shared>>
      tpu.wait_dma2 semaphore(%run_scoped3A_23 : memref<!tpu.dma_semaphore, #tpu.memory_space<semaphore_mem>>) src(%dma_wait3A_47 : memref<640x16xf32, #tpu.memory_space<vmem_shared>>) dst(%dma_wait3A_45 : memref<640x16xf32, #tpu.memory_space<hbm>>)
      tpu.yield
    }) : () -> ()
    return
  }
}

#map = affine_map<(d0, d1) -> (0, 0)>
#map1 = affine_map<(d0, d1) -> (0, 0, 0)>
module attributes {stable_mosaic.version = 14 : i64} {
  func.func @seg(%arg0: i32, %arg1: i32, %arg2: memref<10240x128xf32, #tpu.memory_space<hbm>>, %arg3: memref<10240x128xf32, #tpu.memory_space<hbm>>, %arg4: memref<2560x128xi32, #tpu.memory_space<hbm>>, %arg5: memref<2560x128xi32, #tpu.memory_space<hbm>>, %arg6: memref<2x10240x128xf32, #tpu.memory_space<hbm>>, %arg7: memref<16x128xi32, #tpu.memory_space<vmem>>, %arg8: memref<16x128xi32, #tpu.memory_space<vmem>>, %arg9: memref<128x48xf32, #tpu.memory_space<vmem>>, %arg10: memref<128x48xf32, #tpu.memory_space<vmem>>, %arg11: memref<10240x48xf32, #tpu.memory_space<vmem_shared>>, %arg12: memref<10240x48xf32, #tpu.memory_space<vmem_shared>>, %arg13: memref<!tpu.dma_semaphore, #tpu.memory_space<semaphore_mem>>, %arg14: memref<!tpu.dma_semaphore, #tpu.memory_space<semaphore_mem>>, %arg15: memref<!tpu.dma_semaphore, #tpu.memory_space<semaphore_mem>>, %arg16: memref<!tpu.dma_semaphore, #tpu.memory_space<semaphore_mem>>) attributes {dimension_semantics = [#tpu.dimension_semantics<core_parallel>, #tpu.dimension_semantics<subcore_parallel>], iteration_bounds = array<i64: 2, 16>, scalar_prefetch = 0 : i64, scratch_operands = 10 : i64, tpu.core_type = #tpu.core_type<sc_vector_subcore>, window_params = [{transform_indices = #map}, {transform_indices = #map}, {transform_indices = #map}, {transform_indices = #map}, {transform_indices = #map1}]} {
    %mul3A = arith.constant 16 : i32
    %mul3A_0 = arith.muli %arg0, %mul3A : i32
    %add3A = arith.addi %mul3A_0, %arg1 : i32
    %mul3A_1 = arith.constant 80 : i32
    %mul3A_2 = arith.muli %add3A, %mul3A_1 : i32
    %scan3A = arith.constant 0 : i32
    %scan3A_3 = arith.constant 128 : i32
    %scan3A_4 = arith.addi %scan3A, %scan3A_3 : i32
    %scan3A_5 = arith.constant 1 : i32
    scf.for %scan3A_20 = %scan3A to %scan3A_4 step %scan3A_5  : i32 {
      %mul3A_21 = arith.constant 1 : i32
      %mul3A_22 = arith.muli %scan3A_20, %mul3A_21 : i32
      %add3A_23 = arith.constant 0 : i32
      %add3A_24 = arith.addi %add3A_23, %mul3A_22 : i32
      %scan3A_25 = arith.constant 0 : i32
      %scan3A_26 = arith.constant 3 : i32
      %scan3A_27 = arith.addi %scan3A_25, %scan3A_26 : i32
      %scan3A_28 = arith.constant 1 : i32
      scf.for %scan3A_30 = %scan3A_25 to %scan3A_27 step %scan3A_28  : i32 {
        %mul3A_31 = arith.constant 16 : i32
        %mul3A_32 = arith.muli %scan3A_30, %mul3A_31 : i32
        %add3A_33 = arith.constant 0 : i32
        %add3A_34 = arith.addi %add3A_33, %mul3A_32 : i32
        %broadcast_in_dim3A = arith.constant 0.000000e+00 : f32
        %broadcast_in_dim3A_35 = vector.broadcast %broadcast_in_dim3A : f32 to vector<16xf32>
        %swap3A = arith.index_cast %add3A_24 : i32 to index
        %swap3A_36 = arith.index_cast %add3A_34 : i32 to index
        %swap3A_37 = tpu.vector_load %arg9[%swap3A, %swap3A_36] {strides = array<i32>} : memref<128x48xf32, #tpu.memory_space<vmem>>, vector<1x16xf32>,
        %swap3A_38 = vector.shape_cast %swap3A_37 : vector<1x16xf32> to vector<16xf32>
        %swap3A_39 = vector.shape_cast %broadcast_in_dim3A_35 : vector<16xf32> to vector<1x16xf32>
        tpu.vector_store %arg9[%swap3A, %swap3A_36], %swap3A_39 {strides = array<i32>} : memref<128x48xf32, #tpu.memory_space<vmem>>, vector<1x16xf32>,
      }
      %scan3A_29 = arith.constant 3 : i32
    }
    %scan3A_6 = arith.constant 128 : i32
    %scan3A_7 = arith.constant 0 : i32
    %scan3A_8 = arith.constant 5 : i32
    %scan3A_9 = arith.addi %scan3A_7, %scan3A_8 : i32
    %scan3A_10 = arith.constant 1 : i32
    scf.for %scan3A_20 = %scan3A_7 to %scan3A_9 step %scan3A_10  : i32 {
      %mul3A_21 = arith.constant 128 : i32
      %mul3A_22 = arith.muli %scan3A_20, %mul3A_21 : i32
      %add3A_23 = arith.constant 0 : i32
      %add3A_24 = arith.addi %add3A_23, %mul3A_22 : i32
      %mul3A_25 = arith.constant 640 : i32
      %mul3A_26 = arith.muli %arg1, %mul3A_25 : i32
      %add3A_27 = arith.addi %mul3A_26, %add3A_24 : i32
      "tpu.region"() ({
        %run_scoped3A = tpu.sem_alloc : memref<!tpu.dma_semaphore, #tpu.memory_space<semaphore_mem>>
        %dma_start3A = arith.constant 0 : i32
        %dma_start3A_28 = tpu.memref_slice %arg12[%add3A_27, %dma_start3A] : memref<10240x48xf32, #tpu.memory_space<vmem_shared>> -> memref<128x48xf32, #tpu.memory_space<vmem_shared>>
        %dma_start3A_29 = arith.constant 0 : i32
        %dma_start3A_30 = tpu.memref_slice %arg12[%add3A_27, %dma_start3A_29] : memref<10240x48xf32, #tpu.memory_space<vmem_shared>> -> memref<128x48xf32, #tpu.memory_space<vmem_shared>>
        tpu.enqueue_dma source(%arg9 : memref<128x48xf32, #tpu.memory_space<vmem>>) target(%dma_start3A_30 : memref<128x48xf32, #tpu.memory_space<vmem_shared>>) target_semaphore(%run_scoped3A : memref<!tpu.dma_semaphore, #tpu.memory_space<semaphore_mem>>)
        %dma_wait3A = arith.constant 0 : i32
        %dma_wait3A_31 = tpu.memref_slice %arg12[%add3A_27, %dma_wait3A] : memref<10240x48xf32, #tpu.memory_space<vmem_shared>> -> memref<128x48xf32, #tpu.memory_space<vmem_shared>>
        %dma_wait3A_32 = arith.constant 0 : i32
        %dma_wait3A_33 = tpu.memref_slice %arg12[%add3A_27, %dma_wait3A_32] : memref<10240x48xf32, #tpu.memory_space<vmem_shared>> -> memref<128x48xf32, #tpu.memory_space<vmem_shared>>
        tpu.wait_dma2 semaphore(%run_scoped3A : memref<!tpu.dma_semaphore, #tpu.memory_space<semaphore_mem>>) src(%arg9 : memref<128x48xf32, #tpu.memory_space<vmem>>) dst(%dma_wait3A_33 : memref<128x48xf32, #tpu.memory_space<vmem_shared>>)
        tpu.yield
      }) : () -> ()
    }
    %scan3A_11 = arith.constant 5 : i32
    %mul3A_12 = arith.constant 640 : i32
    %mul3A_13 = arith.muli %arg1, %mul3A_12 : i32
    "tpu.region"() ({
      %run_scoped3A = tpu.sem_alloc : memref<!tpu.dma_semaphore, #tpu.memory_space<semaphore_mem>>
      %dma_start3A = arith.constant 0 : i32
      %dma_start3A_20 = tpu.memref_slice %arg11[%mul3A_13, %dma_start3A] : memref<10240x48xf32, #tpu.memory_space<vmem_shared>> -> memref<640x48xf32, #tpu.memory_space<vmem_shared>>
      %dma_start3A_21 = arith.constant 0 : i32
      %dma_start3A_22 = tpu.memref_slice %arg2[%mul3A_13, %dma_start3A_21] : memref<10240x128xf32, #tpu.memory_space<hbm>> -> memref<640x48xf32, #tpu.memory_space<hbm>>
      tpu.enqueue_dma source(%dma_start3A_22 : memref<640x48xf32, #tpu.memory_space<hbm>>) target(%dma_start3A_20 : memref<640x48xf32, #tpu.memory_space<vmem_shared>>) target_semaphore(%run_scoped3A : memref<!tpu.dma_semaphore, #tpu.memory_space<semaphore_mem>>)
      %dma_wait3A = arith.constant 0 : i32
      %dma_wait3A_23 = tpu.memref_slice %arg11[%mul3A_13, %dma_wait3A] : memref<10240x48xf32, #tpu.memory_space<vmem_shared>> -> memref<640x48xf32, #tpu.memory_space<vmem_shared>>
      %dma_wait3A_24 = arith.constant 0 : i32
      %dma_wait3A_25 = tpu.memref_slice %arg2[%mul3A_13, %dma_wait3A_24] : memref<10240x128xf32, #tpu.memory_space<hbm>> -> memref<640x48xf32, #tpu.memory_space<hbm>>
      tpu.wait_dma2 semaphore(%run_scoped3A : memref<!tpu.dma_semaphore, #tpu.memory_space<semaphore_mem>>) src(%dma_wait3A_25 : memref<640x48xf32, #tpu.memory_space<hbm>>) dst(%dma_wait3A_23 : memref<640x48xf32, #tpu.memory_space<vmem_shared>>)
      tpu.yield
    }) : () -> ()
    %barrier3A = arith.constant 0 : index
    tpu.barrier barrier_id(%barrier3A)
    %scan3A_14 = arith.constant 0 : i32
    %scan3A_15 = arith.constant 5 : i32
    %scan3A_16 = arith.addi %scan3A_14, %scan3A_15 : i32
    %scan3A_17 = arith.constant 1 : i32
    scf.for %scan3A_20 = %scan3A_14 to %scan3A_16 step %scan3A_17  : i32 {
      %mul3A_21 = arith.constant 1 : i32
      %mul3A_22 = arith.muli %scan3A_20, %mul3A_21 : i32
      %add3A_23 = arith.constant 0 : i32
      %add3A_24 = arith.addi %add3A_23, %mul3A_22 : i32
      %mul3A_25 = arith.constant 16 : i32
      %mul3A_26 = arith.muli %add3A_24, %mul3A_25 : i32
      %add3A_27 = arith.addi %mul3A_2, %mul3A_26 : i32
      "tpu.region"() ({
        %run_scoped3A = tpu.sem_alloc : memref<!tpu.dma_semaphore, #tpu.memory_space<semaphore_mem>>
        %dma_start3A_59 = arith.constant 0 : i32
        %dma_start3A_60 = tpu.memref_slice %arg4[%add3A_27, %dma_start3A_59] : memref<2560x128xi32, #tpu.memory_space<hbm>> -> memref<16x128xi32, #tpu.memory_space<hbm>>
        %dma_start3A_61 = arith.constant 0 : i32
        %dma_start3A_62 = tpu.memref_slice %arg4[%add3A_27, %dma_start3A_61] : memref<2560x128xi32, #tpu.memory_space<hbm>> -> memref<16x128xi32, #tpu.memory_space<hbm>>
        tpu.enqueue_dma source(%dma_start3A_62 : memref<16x128xi32, #tpu.memory_space<hbm>>) target(%arg7 : memref<16x128xi32, #tpu.memory_space<vmem>>) target_semaphore(%run_scoped3A : memref<!tpu.dma_semaphore, #tpu.memory_space<semaphore_mem>>)
        %dma_wait3A_63 = arith.constant 0 : i32
        %dma_wait3A_64 = tpu.memref_slice %arg4[%add3A_27, %dma_wait3A_63] : memref<2560x128xi32, #tpu.memory_space<hbm>> -> memref<16x128xi32, #tpu.memory_space<hbm>>
        %dma_wait3A_65 = arith.constant 0 : i32
        %dma_wait3A_66 = tpu.memref_slice %arg4[%add3A_27, %dma_wait3A_65] : memref<2560x128xi32, #tpu.memory_space<hbm>> -> memref<16x128xi32, #tpu.memory_space<hbm>>
        tpu.wait_dma2 semaphore(%run_scoped3A : memref<!tpu.dma_semaphore, #tpu.memory_space<semaphore_mem>>) src(%dma_wait3A_66 : memref<16x128xi32, #tpu.memory_space<hbm>>) dst(%arg7 : memref<16x128xi32, #tpu.memory_space<vmem>>)
        tpu.yield
      }) : () -> ()
      "tpu.region"() ({
        %run_scoped3A = tpu.sem_alloc : memref<!tpu.dma_semaphore, #tpu.memory_space<semaphore_mem>>
        %dma_start3A_59 = arith.constant 0 : i32
        %dma_start3A_60 = tpu.memref_slice %arg5[%add3A_27, %dma_start3A_59] : memref<2560x128xi32, #tpu.memory_space<hbm>> -> memref<16x128xi32, #tpu.memory_space<hbm>>
        %dma_start3A_61 = arith.constant 0 : i32
        %dma_start3A_62 = tpu.memref_slice %arg5[%add3A_27, %dma_start3A_61] : memref<2560x128xi32, #tpu.memory_space<hbm>> -> memref<16x128xi32, #tpu.memory_space<hbm>>
        tpu.enqueue_dma source(%dma_start3A_62 : memref<16x128xi32, #tpu.memory_space<hbm>>) target(%arg8 : memref<16x128xi32, #tpu.memory_space<vmem>>) target_semaphore(%run_scoped3A : memref<!tpu.dma_semaphore, #tpu.memory_space<semaphore_mem>>)
        %dma_wait3A_63 = arith.constant 0 : i32
        %dma_wait3A_64 = tpu.memref_slice %arg5[%add3A_27, %dma_wait3A_63] : memref<2560x128xi32, #tpu.memory_space<hbm>> -> memref<16x128xi32, #tpu.memory_space<hbm>>
        %dma_wait3A_65 = arith.constant 0 : i32
        %dma_wait3A_66 = tpu.memref_slice %arg5[%add3A_27, %dma_wait3A_65] : memref<2560x128xi32, #tpu.memory_space<hbm>> -> memref<16x128xi32, #tpu.memory_space<hbm>>
        tpu.wait_dma2 semaphore(%run_scoped3A : memref<!tpu.dma_semaphore, #tpu.memory_space<semaphore_mem>>) src(%dma_wait3A_66 : memref<16x128xi32, #tpu.memory_space<hbm>>) dst(%arg8 : memref<16x128xi32, #tpu.memory_space<vmem>>)
        tpu.yield
      }) : () -> ()
      %dma_start3A = arith.constant 0 : i32
      %dma_start3A_28 = arith.constant 0 : i32
      %dma_start3A_29 = tpu.memref_slice %arg7[%dma_start3A, %dma_start3A_28] : memref<16x128xi32, #tpu.memory_space<vmem>> -> memref<1x128xi32, #tpu.memory_space<vmem>>
      %dma_start3A_30 = tpu.memref_squeeze %dma_start3A_29 : memref<1x128xi32, #tpu.memory_space<vmem>> -> memref<128xi32, #tpu.memory_space<vmem>>
      %dma_start3A_31 = arith.constant 0 : i32
      %dma_start3A_32 = arith.constant 0 : i32
      %dma_start3A_33 = tpu.memref_slice %arg11[%dma_start3A_31, %dma_start3A_32] : memref<10240x48xf32, #tpu.memory_space<vmem_shared>> -> memref<10240x48xf32, #tpu.memory_space<vmem_shared>>
      tpu.enqueue_indirect_dma source(%dma_start3A_33 : memref<10240x48xf32, #tpu.memory_space<vmem_shared>>) target(%arg9 : memref<128x48xf32, #tpu.memory_space<vmem>>) offsets(%dma_start3A_30 : memref<128xi32, #tpu.memory_space<vmem>>) semaphore(%arg13 : memref<!tpu.dma_semaphore, #tpu.memory_space<semaphore_mem>>)
      %dma_start3A_34 = arith.constant 1 : i32
      %dma_start3A_35 = arith.constant 0 : i32
      %dma_start3A_36 = tpu.memref_slice %arg7[%dma_start3A_34, %dma_start3A_35] : memref<16x128xi32, #tpu.memory_space<vmem>> -> memref<1x128xi32, #tpu.memory_space<vmem>>
      %dma_start3A_37 = tpu.memref_squeeze %dma_start3A_36 : memref<1x128xi32, #tpu.memory_space<vmem>> -> memref<128xi32, #tpu.memory_space<vmem>>
      %dma_start3A_38 = arith.constant 0 : i32
      %dma_start3A_39 = arith.constant 0 : i32
      %dma_start3A_40 = tpu.memref_slice %arg11[%dma_start3A_38, %dma_start3A_39] : memref<10240x48xf32, #tpu.memory_space<vmem_shared>> -> memref<10240x48xf32, #tpu.memory_space<vmem_shared>>
      tpu.enqueue_indirect_dma source(%dma_start3A_40 : memref<10240x48xf32, #tpu.memory_space<vmem_shared>>) target(%arg10 : memref<128x48xf32, #tpu.memory_space<vmem>>) offsets(%dma_start3A_37 : memref<128xi32, #tpu.memory_space<vmem>>) semaphore(%arg14 : memref<!tpu.dma_semaphore, #tpu.memory_space<semaphore_mem>>)
      %scan3A_41 = arith.constant 0 : i32
      %scan3A_42 = arith.constant 8 : i32
      %scan3A_43 = arith.addi %scan3A_41, %scan3A_42 : i32
      %scan3A_44 = arith.constant 1 : i32
      scf.for %scan3A_59 = %scan3A_41 to %scan3A_43 step %scan3A_44  : i32 {
        %mul3A_60 = arith.constant 2 : i32
        %mul3A_61 = arith.muli %scan3A_59, %mul3A_60 : i32
        %add3A_62 = arith.constant 0 : i32
        %add3A_63 = arith.addi %add3A_62, %mul3A_61 : i32
        %add3A_64 = arith.constant 0 : i32
        %add3A_65 = arith.addi %add3A_63, %add3A_64 : i32
        %dma_wait3A_66 = arith.constant 0 : i32
        %dma_wait3A_67 = tpu.memref_slice %arg7[%add3A_65, %dma_wait3A_66] : memref<16x128xi32, #tpu.memory_space<vmem>> -> memref<1x128xi32, #tpu.memory_space<vmem>>
        %dma_wait3A_68 = tpu.memref_squeeze %dma_wait3A_67 : memref<1x128xi32, #tpu.memory_space<vmem>> -> memref<128xi32, #tpu.memory_space<vmem>>
        %dma_wait3A_69 = arith.constant 0 : i32
        %dma_wait3A_70 = arith.constant 0 : i32
        %dma_wait3A_71 = tpu.memref_slice %arg11[%dma_wait3A_69, %dma_wait3A_70] : memref<10240x48xf32, #tpu.memory_space<vmem_shared>> -> memref<10240x48xf32, #tpu.memory_space<vmem_shared>>
        tpu.wait_indirect_dma semaphore(%arg13 : memref<!tpu.dma_semaphore, #tpu.memory_space<semaphore_mem>>) src(%dma_wait3A_71 : memref<10240x48xf32, #tpu.memory_space<vmem_shared>>) dst(%arg9 : memref<128x48xf32, #tpu.memory_space<vmem>>)
        %dma_start3A_72 = arith.constant 0 : i32
        %dma_start3A_73 = tpu.memref_slice %arg8[%add3A_65, %dma_start3A_72] : memref<16x128xi32, #tpu.memory_space<vmem>> -> memref<1x128xi32, #tpu.memory_space<vmem>>
        %dma_start3A_74 = tpu.memref_squeeze %dma_start3A_73 : memref<1x128xi32, #tpu.memory_space<vmem>> -> memref<128xi32, #tpu.memory_space<vmem>>
        %dma_start3A_75 = arith.constant 0 : i32
        %dma_start3A_76 = arith.constant 0 : i32
        %dma_start3A_77 = tpu.memref_slice %arg12[%dma_start3A_75, %dma_start3A_76] : memref<10240x48xf32, #tpu.memory_space<vmem_shared>> -> memref<10240x48xf32, #tpu.memory_space<vmem_shared>>
        tpu.enqueue_indirect_dma source(%arg9 : memref<128x48xf32, #tpu.memory_space<vmem>>) target(%dma_start3A_77 : memref<10240x48xf32, #tpu.memory_space<vmem_shared>>) offsets(%dma_start3A_74 : memref<128xi32, #tpu.memory_space<vmem>>) semaphore(%arg15 : memref<!tpu.dma_semaphore, #tpu.memory_space<semaphore_mem>>) {add = true}
        %add3A_78 = arith.constant 2 : i32
        %add3A_79 = arith.addi %add3A_65, %add3A_78 : i32
        %lt3A = arith.constant 16 : i32
        %lt3A_80 = arith.cmpi slt, %add3A_79, %lt3A : i32
        %convert_element_type3A = arith.extui %lt3A_80 : i1 to i32
        %cond3A = arith.constant 0 : i32
        %cond3A_81 = arith.cmpi ne, %convert_element_type3A, %cond3A : i32
        scf.if %cond3A_81 {
          %dma_wait3A_103 = arith.constant 0 : i32
          %dma_wait3A_104 = tpu.memref_slice %arg8[%add3A_65, %dma_wait3A_103] : memref<16x128xi32, #tpu.memory_space<vmem>> -> memref<1x128xi32, #tpu.memory_space<vmem>>
          %dma_wait3A_105 = tpu.memref_squeeze %dma_wait3A_104 : memref<1x128xi32, #tpu.memory_space<vmem>> -> memref<128xi32, #tpu.memory_space<vmem>>
          %dma_wait3A_106 = arith.constant 0 : i32
          %dma_wait3A_107 = arith.constant 0 : i32
          %dma_wait3A_108 = tpu.memref_slice %arg12[%dma_wait3A_106, %dma_wait3A_107] : memref<10240x48xf32, #tpu.memory_space<vmem_shared>> -> memref<10240x48xf32, #tpu.memory_space<vmem_shared>>
          tpu.wait_indirect_dma semaphore(%arg15 : memref<!tpu.dma_semaphore, #tpu.memory_space<semaphore_mem>>) src(%arg9 : memref<128x48xf32, #tpu.memory_space<vmem>>) dst(%dma_wait3A_108 : memref<10240x48xf32, #tpu.memory_space<vmem_shared>>)
          %add3A_109 = arith.constant 2 : i32
          %add3A_110 = arith.addi %add3A_65, %add3A_109 : i32
          %dma_start3A_111 = arith.constant 0 : i32
          %dma_start3A_112 = tpu.memref_slice %arg7[%add3A_110, %dma_start3A_111] : memref<16x128xi32, #tpu.memory_space<vmem>> -> memref<1x128xi32, #tpu.memory_space<vmem>>
          %dma_start3A_113 = tpu.memref_squeeze %dma_start3A_112 : memref<1x128xi32, #tpu.memory_space<vmem>> -> memref<128xi32, #tpu.memory_space<vmem>>
          %dma_start3A_114 = arith.constant 0 : i32
          %dma_start3A_115 = arith.constant 0 : i32
          %dma_start3A_116 = tpu.memref_slice %arg11[%dma_start3A_114, %dma_start3A_115] : memref<10240x48xf32, #tpu.memory_space<vmem_shared>> -> memref<10240x48xf32, #tpu.memory_space<vmem_shared>>
          tpu.enqueue_indirect_dma source(%dma_start3A_116 : memref<10240x48xf32, #tpu.memory_space<vmem_shared>>) target(%arg9 : memref<128x48xf32, #tpu.memory_space<vmem>>) offsets(%dma_start3A_113 : memref<128xi32, #tpu.memory_space<vmem>>) semaphore(%arg13 : memref<!tpu.dma_semaphore, #tpu.memory_space<semaphore_mem>>)
        } else {
        }
        %add3A_82 = arith.constant 1 : i32
        %add3A_83 = arith.addi %add3A_63, %add3A_82 : i32
        %dma_wait3A_84 = arith.constant 0 : i32
        %dma_wait3A_85 = tpu.memref_slice %arg7[%add3A_83, %dma_wait3A_84] : memref<16x128xi32, #tpu.memory_space<vmem>> -> memref<1x128xi32, #tpu.memory_space<vmem>>
        %dma_wait3A_86 = tpu.memref_squeeze %dma_wait3A_85 : memref<1x128xi32, #tpu.memory_space<vmem>> -> memref<128xi32, #tpu.memory_space<vmem>>
        %dma_wait3A_87 = arith.constant 0 : i32
        %dma_wait3A_88 = arith.constant 0 : i32
        %dma_wait3A_89 = tpu.memref_slice %arg11[%dma_wait3A_87, %dma_wait3A_88] : memref<10240x48xf32, #tpu.memory_space<vmem_shared>> -> memref<10240x48xf32, #tpu.memory_space<vmem_shared>>
        tpu.wait_indirect_dma semaphore(%arg14 : memref<!tpu.dma_semaphore, #tpu.memory_space<semaphore_mem>>) src(%dma_wait3A_89 : memref<10240x48xf32, #tpu.memory_space<vmem_shared>>) dst(%arg10 : memref<128x48xf32, #tpu.memory_space<vmem>>)
        %dma_start3A_90 = arith.constant 0 : i32
        %dma_start3A_91 = tpu.memref_slice %arg8[%add3A_83, %dma_start3A_90] : memref<16x128xi32, #tpu.memory_space<vmem>> -> memref<1x128xi32, #tpu.memory_space<vmem>>
        %dma_start3A_92 = tpu.memref_squeeze %dma_start3A_91 : memref<1x128xi32, #tpu.memory_space<vmem>> -> memref<128xi32, #tpu.memory_space<vmem>>
        %dma_start3A_93 = arith.constant 0 : i32
        %dma_start3A_94 = arith.constant 0 : i32
        %dma_start3A_95 = tpu.memref_slice %arg12[%dma_start3A_93, %dma_start3A_94] : memref<10240x48xf32, #tpu.memory_space<vmem_shared>> -> memref<10240x48xf32, #tpu.memory_space<vmem_shared>>
        tpu.enqueue_indirect_dma source(%arg10 : memref<128x48xf32, #tpu.memory_space<vmem>>) target(%dma_start3A_95 : memref<10240x48xf32, #tpu.memory_space<vmem_shared>>) offsets(%dma_start3A_92 : memref<128xi32, #tpu.memory_space<vmem>>) semaphore(%arg16 : memref<!tpu.dma_semaphore, #tpu.memory_space<semaphore_mem>>) {add = true}
        %add3A_96 = arith.constant 2 : i32
        %add3A_97 = arith.addi %add3A_83, %add3A_96 : i32
        %lt3A_98 = arith.constant 16 : i32
        %lt3A_99 = arith.cmpi slt, %add3A_97, %lt3A_98 : i32
        %convert_element_type3A_100 = arith.extui %lt3A_99 : i1 to i32
        %cond3A_101 = arith.constant 0 : i32
        %cond3A_102 = arith.cmpi ne, %convert_element_type3A_100, %cond3A_101 : i32
        scf.if %cond3A_102 {
          %dma_wait3A_103 = arith.constant 0 : i32
          %dma_wait3A_104 = tpu.memref_slice %arg8[%add3A_83, %dma_wait3A_103] : memref<16x128xi32, #tpu.memory_space<vmem>> -> memref<1x128xi32, #tpu.memory_space<vmem>>
          %dma_wait3A_105 = tpu.memref_squeeze %dma_wait3A_104 : memref<1x128xi32, #tpu.memory_space<vmem>> -> memref<128xi32, #tpu.memory_space<vmem>>
          %dma_wait3A_106 = arith.constant 0 : i32
          %dma_wait3A_107 = arith.constant 0 : i32
          %dma_wait3A_108 = tpu.memref_slice %arg12[%dma_wait3A_106, %dma_wait3A_107] : memref<10240x48xf32, #tpu.memory_space<vmem_shared>> -> memref<10240x48xf32, #tpu.memory_space<vmem_shared>>
          tpu.wait_indirect_dma semaphore(%arg16 : memref<!tpu.dma_semaphore, #tpu.memory_space<semaphore_mem>>) src(%arg10 : memref<128x48xf32, #tpu.memory_space<vmem>>) dst(%dma_wait3A_108 : memref<10240x48xf32, #tpu.memory_space<vmem_shared>>)
          %add3A_109 = arith.constant 2 : i32
          %add3A_110 = arith.addi %add3A_83, %add3A_109 : i32
          %dma_start3A_111 = arith.constant 0 : i32
          %dma_start3A_112 = tpu.memref_slice %arg7[%add3A_110, %dma_start3A_111] : memref<16x128xi32, #tpu.memory_space<vmem>> -> memref<1x128xi32, #tpu.memory_space<vmem>>
          %dma_start3A_113 = tpu.memref_squeeze %dma_start3A_112 : memref<1x128xi32, #tpu.memory_space<vmem>> -> memref<128xi32, #tpu.memory_space<vmem>>
          %dma_start3A_114 = arith.constant 0 : i32
          %dma_start3A_115 = arith.constant 0 : i32
          %dma_start3A_116 = tpu.memref_slice %arg11[%dma_start3A_114, %dma_start3A_115] : memref<10240x48xf32, #tpu.memory_space<vmem_shared>> -> memref<10240x48xf32, #tpu.memory_space<vmem_shared>>
          tpu.enqueue_indirect_dma source(%dma_start3A_116 : memref<10240x48xf32, #tpu.memory_space<vmem_shared>>) target(%arg10 : memref<128x48xf32, #tpu.memory_space<vmem>>) offsets(%dma_start3A_113 : memref<128xi32, #tpu.memory_space<vmem>>) semaphore(%arg14 : memref<!tpu.dma_semaphore, #tpu.memory_space<semaphore_mem>>)
        } else {
        }
      }
      %scan3A_45 = arith.constant 8 : i32
      %dma_wait3A = arith.constant 14 : i32
      %dma_wait3A_46 = arith.constant 0 : i32
      %dma_wait3A_47 = tpu.memref_slice %arg8[%dma_wait3A, %dma_wait3A_46] : memref<16x128xi32, #tpu.memory_space<vmem>> -> memref<1x128xi32, #tpu.memory_space<vmem>>
      %dma_wait3A_48 = tpu.memref_squeeze %dma_wait3A_47 : memref<1x128xi32, #tpu.memory_space<vmem>> -> memref<128xi32, #tpu.memory_space<vmem>>
      %dma_wait3A_49 = arith.constant 0 : i32
      %dma_wait3A_50 = arith.constant 0 : i32
      %dma_wait3A_51 = tpu.memref_slice %arg12[%dma_wait3A_49, %dma_wait3A_50] : memref<10240x48xf32, #tpu.memory_space<vmem_shared>> -> memref<10240x48xf32, #tpu.memory_space<vmem_shared>>
      tpu.wait_indirect_dma semaphore(%arg15 : memref<!tpu.dma_semaphore, #tpu.memory_space<semaphore_mem>>) src(%arg9 : memref<128x48xf32, #tpu.memory_space<vmem>>) dst(%dma_wait3A_51 : memref<10240x48xf32, #tpu.memory_space<vmem_shared>>)
      %dma_wait3A_52 = arith.constant 15 : i32
      %dma_wait3A_53 = arith.constant 0 : i32
      %dma_wait3A_54 = tpu.memref_slice %arg8[%dma_wait3A_52, %dma_wait3A_53] : memref<16x128xi32, #tpu.memory_space<vmem>> -> memref<1x128xi32, #tpu.memory_space<vmem>>
      %dma_wait3A_55 = tpu.memref_squeeze %dma_wait3A_54 : memref<1x128xi32, #tpu.memory_space<vmem>> -> memref<128xi32, #tpu.memory_space<vmem>>
      %dma_wait3A_56 = arith.constant 0 : i32
      %dma_wait3A_57 = arith.constant 0 : i32
      %dma_wait3A_58 = tpu.memref_slice %arg12[%dma_wait3A_56, %dma_wait3A_57] : memref<10240x48xf32, #tpu.memory_space<vmem_shared>> -> memref<10240x48xf32, #tpu.memory_space<vmem_shared>>
      tpu.wait_indirect_dma semaphore(%arg16 : memref<!tpu.dma_semaphore, #tpu.memory_space<semaphore_mem>>) src(%arg10 : memref<128x48xf32, #tpu.memory_space<vmem>>) dst(%dma_wait3A_58 : memref<10240x48xf32, #tpu.memory_space<vmem_shared>>)
    }
    %scan3A_18 = arith.constant 5 : i32
    %barrier3A_19 = arith.constant 0 : index
    tpu.barrier barrier_id(%barrier3A_19)
    "tpu.region"() ({
      %run_scoped3A = tpu.sem_alloc : memref<!tpu.dma_semaphore, #tpu.memory_space<semaphore_mem>>
      %dma_start3A = arith.constant 0 : i32
      %dma_start3A_20 = arith.constant 0 : i32
      %dma_start3A_21 = tpu.memref_slice %arg6[%arg0, %dma_start3A, %dma_start3A_20] : memref<2x10240x128xf32, #tpu.memory_space<hbm>> -> memref<1x10240x128xf32, #tpu.memory_space<hbm>>
      %dma_start3A_22 = tpu.memref_squeeze %dma_start3A_21 : memref<1x10240x128xf32, #tpu.memory_space<hbm>> -> memref<10240x128xf32, #tpu.memory_space<hbm>>
      %dma_start3A_23 = arith.constant 0 : i32
      %dma_start3A_24 = tpu.memref_slice %dma_start3A_22[%mul3A_13, %dma_start3A_23] : memref<10240x128xf32, #tpu.memory_space<hbm>> -> memref<640x48xf32, #tpu.memory_space<hbm>>
      %dma_start3A_25 = arith.constant 0 : i32
      %dma_start3A_26 = tpu.memref_slice %arg12[%mul3A_13, %dma_start3A_25] : memref<10240x48xf32, #tpu.memory_space<vmem_shared>> -> memref<640x48xf32, #tpu.memory_space<vmem_shared>>
      tpu.enqueue_dma source(%dma_start3A_26 : memref<640x48xf32, #tpu.memory_space<vmem_shared>>) target(%dma_start3A_24 : memref<640x48xf32, #tpu.memory_space<hbm>>) target_semaphore(%run_scoped3A : memref<!tpu.dma_semaphore, #tpu.memory_space<semaphore_mem>>)
      %dma_wait3A = arith.constant 0 : i32
      %dma_wait3A_27 = arith.constant 0 : i32
      %dma_wait3A_28 = tpu.memref_slice %arg6[%arg0, %dma_wait3A, %dma_wait3A_27] : memref<2x10240x128xf32, #tpu.memory_space<hbm>> -> memref<1x10240x128xf32, #tpu.memory_space<hbm>>
      %dma_wait3A_29 = tpu.memref_squeeze %dma_wait3A_28 : memref<1x10240x128xf32, #tpu.memory_space<hbm>> -> memref<10240x128xf32, #tpu.memory_space<hbm>>
      %dma_wait3A_30 = arith.constant 0 : i32
      %dma_wait3A_31 = tpu.memref_slice %dma_wait3A_29[%mul3A_13, %dma_wait3A_30] : memref<10240x128xf32, #tpu.memory_space<hbm>> -> memref<640x48xf32, #tpu.memory_space<hbm>>
      %dma_wait3A_32 = arith.constant 0 : i32
      %dma_wait3A_33 = tpu.memref_slice %arg12[%mul3A_13, %dma_wait3A_32] : memref<10240x48xf32, #tpu.memory_space<vmem_shared>> -> memref<640x48xf32, #tpu.memory_space<vmem_shared>>
      tpu.wait_dma2 semaphore(%run_scoped3A : memref<!tpu.dma_semaphore, #tpu.memory_space<semaphore_mem>>) src(%dma_wait3A_33 : memref<640x48xf32, #tpu.memory_space<vmem_shared>>) dst(%dma_wait3A_31 : memref<640x48xf32, #tpu.memory_space<hbm>>)
      tpu.yield
    }) : () -> ()
    return
  }
}

#map = affine_map<(d0, d1) -> (0, 0)>
#map1 = affine_map<(d0, d1) -> (0, 0, 0)>
module attributes {stable_mosaic.version = 14 : i64} {
  func.func @seg(%arg0: i32, %arg1: i32, %arg2: memref<10240x128xf32, #tpu.memory_space<hbm>>, %arg3: memref<10240x128xf32, #tpu.memory_space<hbm>>, %arg4: memref<2560x128xi32, #tpu.memory_space<hbm>>, %arg5: memref<2560x128xi32, #tpu.memory_space<hbm>>, %arg6: memref<2x10240x128xf32, #tpu.memory_space<hbm>>, %arg7: memref<16x128xi32, #tpu.memory_space<vmem>>, %arg8: memref<16x128xi32, #tpu.memory_space<vmem>>, %arg9: memref<128x64xf32, #tpu.memory_space<vmem>>, %arg10: memref<128x64xf32, #tpu.memory_space<vmem>>, %arg11: memref<10240x64xf32, #tpu.memory_space<vmem_shared>>, %arg12: memref<10240x64xf32, #tpu.memory_space<vmem_shared>>, %arg13: memref<!tpu.dma_semaphore, #tpu.memory_space<semaphore_mem>>, %arg14: memref<!tpu.dma_semaphore, #tpu.memory_space<semaphore_mem>>, %arg15: memref<!tpu.dma_semaphore, #tpu.memory_space<semaphore_mem>>, %arg16: memref<!tpu.dma_semaphore, #tpu.memory_space<semaphore_mem>>) attributes {dimension_semantics = [#tpu.dimension_semantics<core_parallel>, #tpu.dimension_semantics<subcore_parallel>], iteration_bounds = array<i64: 2, 16>, scalar_prefetch = 0 : i64, scratch_operands = 10 : i64, tpu.core_type = #tpu.core_type<sc_vector_subcore>, window_params = [{transform_indices = #map}, {transform_indices = #map}, {transform_indices = #map}, {transform_indices = #map}, {transform_indices = #map1}]} {
    %mul3A = arith.constant 160 : i32
    %mul3A_0 = arith.muli %arg1, %mul3A : i32
    %scan3A = arith.constant 0 : i32
    %scan3A_1 = arith.constant 128 : i32
    %scan3A_2 = arith.addi %scan3A, %scan3A_1 : i32
    %scan3A_3 = arith.constant 1 : i32
    scf.for %scan3A_25 = %scan3A to %scan3A_2 step %scan3A_3  : i32 {
      %mul3A_26 = arith.constant 1 : i32
      %mul3A_27 = arith.muli %scan3A_25, %mul3A_26 : i32
      %add3A = arith.constant 0 : i32
      %add3A_28 = arith.addi %add3A, %mul3A_27 : i32
      %scan3A_29 = arith.constant 0 : i32
      %scan3A_30 = arith.constant 4 : i32
      %scan3A_31 = arith.addi %scan3A_29, %scan3A_30 : i32
      %scan3A_32 = arith.constant 1 : i32
      scf.for %scan3A_34 = %scan3A_29 to %scan3A_31 step %scan3A_32  : i32 {
        %mul3A_35 = arith.constant 16 : i32
        %mul3A_36 = arith.muli %scan3A_34, %mul3A_35 : i32
        %add3A_37 = arith.constant 0 : i32
        %add3A_38 = arith.addi %add3A_37, %mul3A_36 : i32
        %broadcast_in_dim3A = arith.constant 0.000000e+00 : f32
        %broadcast_in_dim3A_39 = vector.broadcast %broadcast_in_dim3A : f32 to vector<16xf32>
        %swap3A = arith.index_cast %add3A_28 : i32 to index
        %swap3A_40 = arith.index_cast %add3A_38 : i32 to index
        %swap3A_41 = tpu.vector_load %arg9[%swap3A, %swap3A_40] {strides = array<i32>} : memref<128x64xf32, #tpu.memory_space<vmem>>, vector<1x16xf32>,
        %swap3A_42 = vector.shape_cast %swap3A_41 : vector<1x16xf32> to vector<16xf32>
        %swap3A_43 = vector.shape_cast %broadcast_in_dim3A_39 : vector<16xf32> to vector<1x16xf32>
        tpu.vector_store %arg9[%swap3A, %swap3A_40], %swap3A_43 {strides = array<i32>} : memref<128x64xf32, #tpu.memory_space<vmem>>, vector<1x16xf32>,
      }
      %scan3A_33 = arith.constant 4 : i32
    }
    %scan3A_4 = arith.constant 128 : i32
    %scan3A_5 = arith.constant 0 : i32
    %scan3A_6 = arith.constant 5 : i32
    %scan3A_7 = arith.addi %scan3A_5, %scan3A_6 : i32
    %scan3A_8 = arith.constant 1 : i32
    scf.for %scan3A_25 = %scan3A_5 to %scan3A_7 step %scan3A_8  : i32 {
      %mul3A_26 = arith.constant 128 : i32
      %mul3A_27 = arith.muli %scan3A_25, %mul3A_26 : i32
      %add3A = arith.constant 0 : i32
      %add3A_28 = arith.addi %add3A, %mul3A_27 : i32
      %mul3A_29 = arith.constant 640 : i32
      %mul3A_30 = arith.muli %arg1, %mul3A_29 : i32
      %add3A_31 = arith.addi %mul3A_30, %add3A_28 : i32
      "tpu.region"() ({
        %run_scoped3A = tpu.sem_alloc : memref<!tpu.dma_semaphore, #tpu.memory_space<semaphore_mem>>
        %dma_start3A = arith.constant 0 : i32
        %dma_start3A_32 = tpu.memref_slice %arg12[%add3A_31, %dma_start3A] : memref<10240x64xf32, #tpu.memory_space<vmem_shared>> -> memref<128x64xf32, #tpu.memory_space<vmem_shared>>
        %dma_start3A_33 = arith.constant 0 : i32
        %dma_start3A_34 = tpu.memref_slice %arg12[%add3A_31, %dma_start3A_33] : memref<10240x64xf32, #tpu.memory_space<vmem_shared>> -> memref<128x64xf32, #tpu.memory_space<vmem_shared>>
        tpu.enqueue_dma source(%arg9 : memref<128x64xf32, #tpu.memory_space<vmem>>) target(%dma_start3A_34 : memref<128x64xf32, #tpu.memory_space<vmem_shared>>) target_semaphore(%run_scoped3A : memref<!tpu.dma_semaphore, #tpu.memory_space<semaphore_mem>>)
        %dma_wait3A = arith.constant 0 : i32
        %dma_wait3A_35 = tpu.memref_slice %arg12[%add3A_31, %dma_wait3A] : memref<10240x64xf32, #tpu.memory_space<vmem_shared>> -> memref<128x64xf32, #tpu.memory_space<vmem_shared>>
        %dma_wait3A_36 = arith.constant 0 : i32
        %dma_wait3A_37 = tpu.memref_slice %arg12[%add3A_31, %dma_wait3A_36] : memref<10240x64xf32, #tpu.memory_space<vmem_shared>> -> memref<128x64xf32, #tpu.memory_space<vmem_shared>>
        tpu.wait_dma2 semaphore(%run_scoped3A : memref<!tpu.dma_semaphore, #tpu.memory_space<semaphore_mem>>) src(%arg9 : memref<128x64xf32, #tpu.memory_space<vmem>>) dst(%dma_wait3A_37 : memref<128x64xf32, #tpu.memory_space<vmem_shared>>)
        tpu.yield
      }) : () -> ()
    }
    %scan3A_9 = arith.constant 5 : i32
    %mul3A_10 = arith.constant 640 : i32
    %mul3A_11 = arith.muli %arg1, %mul3A_10 : i32
    %eq3A = arith.constant 0 : i32
    %eq3A_12 = arith.cmpi eq, %arg0, %eq3A : i32
    %convert_element_type3A = arith.extui %eq3A_12 : i1 to i32
    %cond3A = arith.constant 0 : i32
    %cond3A_13 = arith.cmpi ne, %convert_element_type3A, %cond3A : i32
    scf.if %cond3A_13 {
      "tpu.region"() ({
        %run_scoped3A = tpu.sem_alloc : memref<!tpu.dma_semaphore, #tpu.memory_space<semaphore_mem>>
        %dma_start3A = arith.constant 0 : i32
        %dma_start3A_25 = tpu.memref_slice %arg11[%mul3A_11, %dma_start3A] : memref<10240x64xf32, #tpu.memory_space<vmem_shared>> -> memref<640x64xf32, #tpu.memory_space<vmem_shared>>
        %dma_start3A_26 = arith.constant 0 : i32
        %dma_start3A_27 = tpu.memref_slice %arg2[%mul3A_11, %dma_start3A_26] : memref<10240x128xf32, #tpu.memory_space<hbm>> -> memref<640x64xf32, #tpu.memory_space<hbm>>
        tpu.enqueue_dma source(%dma_start3A_27 : memref<640x64xf32, #tpu.memory_space<hbm>>) target(%dma_start3A_25 : memref<640x64xf32, #tpu.memory_space<vmem_shared>>) target_semaphore(%run_scoped3A : memref<!tpu.dma_semaphore, #tpu.memory_space<semaphore_mem>>)
        %dma_wait3A = arith.constant 0 : i32
        %dma_wait3A_28 = tpu.memref_slice %arg11[%mul3A_11, %dma_wait3A] : memref<10240x64xf32, #tpu.memory_space<vmem_shared>> -> memref<640x64xf32, #tpu.memory_space<vmem_shared>>
        %dma_wait3A_29 = arith.constant 0 : i32
        %dma_wait3A_30 = tpu.memref_slice %arg2[%mul3A_11, %dma_wait3A_29] : memref<10240x128xf32, #tpu.memory_space<hbm>> -> memref<640x64xf32, #tpu.memory_space<hbm>>
        tpu.wait_dma2 semaphore(%run_scoped3A : memref<!tpu.dma_semaphore, #tpu.memory_space<semaphore_mem>>) src(%dma_wait3A_30 : memref<640x64xf32, #tpu.memory_space<hbm>>) dst(%dma_wait3A_28 : memref<640x64xf32, #tpu.memory_space<vmem_shared>>)
        tpu.yield
      }) : () -> ()
    } else {
    }
    %eq3A_14 = arith.constant 1 : i32
    %eq3A_15 = arith.cmpi eq, %arg0, %eq3A_14 : i32
    %convert_element_type3A_16 = arith.extui %eq3A_15 : i1 to i32
    %cond3A_17 = arith.constant 0 : i32
    %cond3A_18 = arith.cmpi ne, %convert_element_type3A_16, %cond3A_17 : i32
    scf.if %cond3A_18 {
      "tpu.region"() ({
        %run_scoped3A = tpu.sem_alloc : memref<!tpu.dma_semaphore, #tpu.memory_space<semaphore_mem>>
        %dma_start3A = arith.constant 0 : i32
        %dma_start3A_25 = tpu.memref_slice %arg11[%mul3A_11, %dma_start3A] : memref<10240x64xf32, #tpu.memory_space<vmem_shared>> -> memref<640x64xf32, #tpu.memory_space<vmem_shared>>
        %dma_start3A_26 = arith.constant 64 : i32
        %dma_start3A_27 = tpu.memref_slice %arg2[%mul3A_11, %dma_start3A_26] : memref<10240x128xf32, #tpu.memory_space<hbm>> -> memref<640x64xf32, #tpu.memory_space<hbm>>
        tpu.enqueue_dma source(%dma_start3A_27 : memref<640x64xf32, #tpu.memory_space<hbm>>) target(%dma_start3A_25 : memref<640x64xf32, #tpu.memory_space<vmem_shared>>) target_semaphore(%run_scoped3A : memref<!tpu.dma_semaphore, #tpu.memory_space<semaphore_mem>>)
        %dma_wait3A = arith.constant 0 : i32
        %dma_wait3A_28 = tpu.memref_slice %arg11[%mul3A_11, %dma_wait3A] : memref<10240x64xf32, #tpu.memory_space<vmem_shared>> -> memref<640x64xf32, #tpu.memory_space<vmem_shared>>
        %dma_wait3A_29 = arith.constant 64 : i32
        %dma_wait3A_30 = tpu.memref_slice %arg2[%mul3A_11, %dma_wait3A_29] : memref<10240x128xf32, #tpu.memory_space<hbm>> -> memref<640x64xf32, #tpu.memory_space<hbm>>
        tpu.wait_dma2 semaphore(%run_scoped3A : memref<!tpu.dma_semaphore, #tpu.memory_space<semaphore_mem>>) src(%dma_wait3A_30 : memref<640x64xf32, #tpu.memory_space<hbm>>) dst(%dma_wait3A_28 : memref<640x64xf32, #tpu.memory_space<vmem_shared>>)
        tpu.yield
      }) : () -> ()
    } else {
    }
    %barrier3A = arith.constant 0 : index
    tpu.barrier barrier_id(%barrier3A)
    %scan3A_19 = arith.constant 0 : i32
    %scan3A_20 = arith.constant 10 : i32
    %scan3A_21 = arith.addi %scan3A_19, %scan3A_20 : i32
    %scan3A_22 = arith.constant 1 : i32
    scf.for %scan3A_25 = %scan3A_19 to %scan3A_21 step %scan3A_22  : i32 {
      %mul3A_26 = arith.constant 1 : i32
      %mul3A_27 = arith.muli %scan3A_25, %mul3A_26 : i32
      %add3A = arith.constant 0 : i32
      %add3A_28 = arith.addi %add3A, %mul3A_27 : i32
      %mul3A_29 = arith.constant 16 : i32
      %mul3A_30 = arith.muli %add3A_28, %mul3A_29 : i32
      %add3A_31 = arith.addi %mul3A_0, %mul3A_30 : i32
      "tpu.region"() ({
        %run_scoped3A = tpu.sem_alloc : memref<!tpu.dma_semaphore, #tpu.memory_space<semaphore_mem>>
        %dma_start3A_63 = arith.constant 0 : i32
        %dma_start3A_64 = tpu.memref_slice %arg4[%add3A_31, %dma_start3A_63] : memref<2560x128xi32, #tpu.memory_space<hbm>> -> memref<16x128xi32, #tpu.memory_space<hbm>>
        %dma_start3A_65 = arith.constant 0 : i32
        %dma_start3A_66 = tpu.memref_slice %arg4[%add3A_31, %dma_start3A_65] : memref<2560x128xi32, #tpu.memory_space<hbm>> -> memref<16x128xi32, #tpu.memory_space<hbm>>
        tpu.enqueue_dma source(%dma_start3A_66 : memref<16x128xi32, #tpu.memory_space<hbm>>) target(%arg7 : memref<16x128xi32, #tpu.memory_space<vmem>>) target_semaphore(%run_scoped3A : memref<!tpu.dma_semaphore, #tpu.memory_space<semaphore_mem>>)
        %dma_wait3A_67 = arith.constant 0 : i32
        %dma_wait3A_68 = tpu.memref_slice %arg4[%add3A_31, %dma_wait3A_67] : memref<2560x128xi32, #tpu.memory_space<hbm>> -> memref<16x128xi32, #tpu.memory_space<hbm>>
        %dma_wait3A_69 = arith.constant 0 : i32
        %dma_wait3A_70 = tpu.memref_slice %arg4[%add3A_31, %dma_wait3A_69] : memref<2560x128xi32, #tpu.memory_space<hbm>> -> memref<16x128xi32, #tpu.memory_space<hbm>>
        tpu.wait_dma2 semaphore(%run_scoped3A : memref<!tpu.dma_semaphore, #tpu.memory_space<semaphore_mem>>) src(%dma_wait3A_70 : memref<16x128xi32, #tpu.memory_space<hbm>>) dst(%arg7 : memref<16x128xi32, #tpu.memory_space<vmem>>)
        tpu.yield
      }) : () -> ()
      "tpu.region"() ({
        %run_scoped3A = tpu.sem_alloc : memref<!tpu.dma_semaphore, #tpu.memory_space<semaphore_mem>>
        %dma_start3A_63 = arith.constant 0 : i32
        %dma_start3A_64 = tpu.memref_slice %arg5[%add3A_31, %dma_start3A_63] : memref<2560x128xi32, #tpu.memory_space<hbm>> -> memref<16x128xi32, #tpu.memory_space<hbm>>
        %dma_start3A_65 = arith.constant 0 : i32
        %dma_start3A_66 = tpu.memref_slice %arg5[%add3A_31, %dma_start3A_65] : memref<2560x128xi32, #tpu.memory_space<hbm>> -> memref<16x128xi32, #tpu.memory_space<hbm>>
        tpu.enqueue_dma source(%dma_start3A_66 : memref<16x128xi32, #tpu.memory_space<hbm>>) target(%arg8 : memref<16x128xi32, #tpu.memory_space<vmem>>) target_semaphore(%run_scoped3A : memref<!tpu.dma_semaphore, #tpu.memory_space<semaphore_mem>>)
        %dma_wait3A_67 = arith.constant 0 : i32
        %dma_wait3A_68 = tpu.memref_slice %arg5[%add3A_31, %dma_wait3A_67] : memref<2560x128xi32, #tpu.memory_space<hbm>> -> memref<16x128xi32, #tpu.memory_space<hbm>>
        %dma_wait3A_69 = arith.constant 0 : i32
        %dma_wait3A_70 = tpu.memref_slice %arg5[%add3A_31, %dma_wait3A_69] : memref<2560x128xi32, #tpu.memory_space<hbm>> -> memref<16x128xi32, #tpu.memory_space<hbm>>
        tpu.wait_dma2 semaphore(%run_scoped3A : memref<!tpu.dma_semaphore, #tpu.memory_space<semaphore_mem>>) src(%dma_wait3A_70 : memref<16x128xi32, #tpu.memory_space<hbm>>) dst(%arg8 : memref<16x128xi32, #tpu.memory_space<vmem>>)
        tpu.yield
      }) : () -> ()
      %dma_start3A = arith.constant 0 : i32
      %dma_start3A_32 = arith.constant 0 : i32
      %dma_start3A_33 = tpu.memref_slice %arg7[%dma_start3A, %dma_start3A_32] : memref<16x128xi32, #tpu.memory_space<vmem>> -> memref<1x128xi32, #tpu.memory_space<vmem>>
      %dma_start3A_34 = tpu.memref_squeeze %dma_start3A_33 : memref<1x128xi32, #tpu.memory_space<vmem>> -> memref<128xi32, #tpu.memory_space<vmem>>
      %dma_start3A_35 = arith.constant 0 : i32
      %dma_start3A_36 = arith.constant 0 : i32
      %dma_start3A_37 = tpu.memref_slice %arg11[%dma_start3A_35, %dma_start3A_36] : memref<10240x64xf32, #tpu.memory_space<vmem_shared>> -> memref<10240x64xf32, #tpu.memory_space<vmem_shared>>
      tpu.enqueue_indirect_dma source(%dma_start3A_37 : memref<10240x64xf32, #tpu.memory_space<vmem_shared>>) target(%arg9 : memref<128x64xf32, #tpu.memory_space<vmem>>) offsets(%dma_start3A_34 : memref<128xi32, #tpu.memory_space<vmem>>) semaphore(%arg13 : memref<!tpu.dma_semaphore, #tpu.memory_space<semaphore_mem>>)
      %dma_start3A_38 = arith.constant 1 : i32
      %dma_start3A_39 = arith.constant 0 : i32
      %dma_start3A_40 = tpu.memref_slice %arg7[%dma_start3A_38, %dma_start3A_39] : memref<16x128xi32, #tpu.memory_space<vmem>> -> memref<1x128xi32, #tpu.memory_space<vmem>>
      %dma_start3A_41 = tpu.memref_squeeze %dma_start3A_40 : memref<1x128xi32, #tpu.memory_space<vmem>> -> memref<128xi32, #tpu.memory_space<vmem>>
      %dma_start3A_42 = arith.constant 0 : i32
      %dma_start3A_43 = arith.constant 0 : i32
      %dma_start3A_44 = tpu.memref_slice %arg11[%dma_start3A_42, %dma_start3A_43] : memref<10240x64xf32, #tpu.memory_space<vmem_shared>> -> memref<10240x64xf32, #tpu.memory_space<vmem_shared>>
      tpu.enqueue_indirect_dma source(%dma_start3A_44 : memref<10240x64xf32, #tpu.memory_space<vmem_shared>>) target(%arg10 : memref<128x64xf32, #tpu.memory_space<vmem>>) offsets(%dma_start3A_41 : memref<128xi32, #tpu.memory_space<vmem>>) semaphore(%arg14 : memref<!tpu.dma_semaphore, #tpu.memory_space<semaphore_mem>>)
      %scan3A_45 = arith.constant 0 : i32
      %scan3A_46 = arith.constant 8 : i32
      %scan3A_47 = arith.addi %scan3A_45, %scan3A_46 : i32
      %scan3A_48 = arith.constant 1 : i32
      scf.for %scan3A_63 = %scan3A_45 to %scan3A_47 step %scan3A_48  : i32 {
        %mul3A_64 = arith.constant 2 : i32
        %mul3A_65 = arith.muli %scan3A_63, %mul3A_64 : i32
        %add3A_66 = arith.constant 0 : i32
        %add3A_67 = arith.addi %add3A_66, %mul3A_65 : i32
        %add3A_68 = arith.constant 0 : i32
        %add3A_69 = arith.addi %add3A_67, %add3A_68 : i32
        %dma_wait3A_70 = arith.constant 0 : i32
        %dma_wait3A_71 = tpu.memref_slice %arg7[%add3A_69, %dma_wait3A_70] : memref<16x128xi32, #tpu.memory_space<vmem>> -> memref<1x128xi32, #tpu.memory_space<vmem>>
        %dma_wait3A_72 = tpu.memref_squeeze %dma_wait3A_71 : memref<1x128xi32, #tpu.memory_space<vmem>> -> memref<128xi32, #tpu.memory_space<vmem>>
        %dma_wait3A_73 = arith.constant 0 : i32
        %dma_wait3A_74 = arith.constant 0 : i32
        %dma_wait3A_75 = tpu.memref_slice %arg11[%dma_wait3A_73, %dma_wait3A_74] : memref<10240x64xf32, #tpu.memory_space<vmem_shared>> -> memref<10240x64xf32, #tpu.memory_space<vmem_shared>>
        tpu.wait_indirect_dma semaphore(%arg13 : memref<!tpu.dma_semaphore, #tpu.memory_space<semaphore_mem>>) src(%dma_wait3A_75 : memref<10240x64xf32, #tpu.memory_space<vmem_shared>>) dst(%arg9 : memref<128x64xf32, #tpu.memory_space<vmem>>)
        %dma_start3A_76 = arith.constant 0 : i32
        %dma_start3A_77 = tpu.memref_slice %arg8[%add3A_69, %dma_start3A_76] : memref<16x128xi32, #tpu.memory_space<vmem>> -> memref<1x128xi32, #tpu.memory_space<vmem>>
        %dma_start3A_78 = tpu.memref_squeeze %dma_start3A_77 : memref<1x128xi32, #tpu.memory_space<vmem>> -> memref<128xi32, #tpu.memory_space<vmem>>
        %dma_start3A_79 = arith.constant 0 : i32
        %dma_start3A_80 = arith.constant 0 : i32
        %dma_start3A_81 = tpu.memref_slice %arg12[%dma_start3A_79, %dma_start3A_80] : memref<10240x64xf32, #tpu.memory_space<vmem_shared>> -> memref<10240x64xf32, #tpu.memory_space<vmem_shared>>
        tpu.enqueue_indirect_dma source(%arg9 : memref<128x64xf32, #tpu.memory_space<vmem>>) target(%dma_start3A_81 : memref<10240x64xf32, #tpu.memory_space<vmem_shared>>) offsets(%dma_start3A_78 : memref<128xi32, #tpu.memory_space<vmem>>) semaphore(%arg15 : memref<!tpu.dma_semaphore, #tpu.memory_space<semaphore_mem>>) {add = true}
        %add3A_82 = arith.constant 2 : i32
        %add3A_83 = arith.addi %add3A_69, %add3A_82 : i32
        %lt3A = arith.constant 16 : i32
        %lt3A_84 = arith.cmpi slt, %add3A_83, %lt3A : i32
        %convert_element_type3A_85 = arith.extui %lt3A_84 : i1 to i32
        %cond3A_86 = arith.constant 0 : i32
        %cond3A_87 = arith.cmpi ne, %convert_element_type3A_85, %cond3A_86 : i32
        scf.if %cond3A_87 {
          %dma_wait3A_109 = arith.constant 0 : i32
          %dma_wait3A_110 = tpu.memref_slice %arg8[%add3A_69, %dma_wait3A_109] : memref<16x128xi32, #tpu.memory_space<vmem>> -> memref<1x128xi32, #tpu.memory_space<vmem>>
          %dma_wait3A_111 = tpu.memref_squeeze %dma_wait3A_110 : memref<1x128xi32, #tpu.memory_space<vmem>> -> memref<128xi32, #tpu.memory_space<vmem>>
          %dma_wait3A_112 = arith.constant 0 : i32
          %dma_wait3A_113 = arith.constant 0 : i32
          %dma_wait3A_114 = tpu.memref_slice %arg12[%dma_wait3A_112, %dma_wait3A_113] : memref<10240x64xf32, #tpu.memory_space<vmem_shared>> -> memref<10240x64xf32, #tpu.memory_space<vmem_shared>>
          tpu.wait_indirect_dma semaphore(%arg15 : memref<!tpu.dma_semaphore, #tpu.memory_space<semaphore_mem>>) src(%arg9 : memref<128x64xf32, #tpu.memory_space<vmem>>) dst(%dma_wait3A_114 : memref<10240x64xf32, #tpu.memory_space<vmem_shared>>)
          %add3A_115 = arith.constant 2 : i32
          %add3A_116 = arith.addi %add3A_69, %add3A_115 : i32
          %dma_start3A_117 = arith.constant 0 : i32
          %dma_start3A_118 = tpu.memref_slice %arg7[%add3A_116, %dma_start3A_117] : memref<16x128xi32, #tpu.memory_space<vmem>> -> memref<1x128xi32, #tpu.memory_space<vmem>>
          %dma_start3A_119 = tpu.memref_squeeze %dma_start3A_118 : memref<1x128xi32, #tpu.memory_space<vmem>> -> memref<128xi32, #tpu.memory_space<vmem>>
          %dma_start3A_120 = arith.constant 0 : i32
          %dma_start3A_121 = arith.constant 0 : i32
          %dma_start3A_122 = tpu.memref_slice %arg11[%dma_start3A_120, %dma_start3A_121] : memref<10240x64xf32, #tpu.memory_space<vmem_shared>> -> memref<10240x64xf32, #tpu.memory_space<vmem_shared>>
          tpu.enqueue_indirect_dma source(%dma_start3A_122 : memref<10240x64xf32, #tpu.memory_space<vmem_shared>>) target(%arg9 : memref<128x64xf32, #tpu.memory_space<vmem>>) offsets(%dma_start3A_119 : memref<128xi32, #tpu.memory_space<vmem>>) semaphore(%arg13 : memref<!tpu.dma_semaphore, #tpu.memory_space<semaphore_mem>>)
        } else {
        }
        %add3A_88 = arith.constant 1 : i32
        %add3A_89 = arith.addi %add3A_67, %add3A_88 : i32
        %dma_wait3A_90 = arith.constant 0 : i32
        %dma_wait3A_91 = tpu.memref_slice %arg7[%add3A_89, %dma_wait3A_90] : memref<16x128xi32, #tpu.memory_space<vmem>> -> memref<1x128xi32, #tpu.memory_space<vmem>>
        %dma_wait3A_92 = tpu.memref_squeeze %dma_wait3A_91 : memref<1x128xi32, #tpu.memory_space<vmem>> -> memref<128xi32, #tpu.memory_space<vmem>>
        %dma_wait3A_93 = arith.constant 0 : i32
        %dma_wait3A_94 = arith.constant 0 : i32
        %dma_wait3A_95 = tpu.memref_slice %arg11[%dma_wait3A_93, %dma_wait3A_94] : memref<10240x64xf32, #tpu.memory_space<vmem_shared>> -> memref<10240x64xf32, #tpu.memory_space<vmem_shared>>
        tpu.wait_indirect_dma semaphore(%arg14 : memref<!tpu.dma_semaphore, #tpu.memory_space<semaphore_mem>>) src(%dma_wait3A_95 : memref<10240x64xf32, #tpu.memory_space<vmem_shared>>) dst(%arg10 : memref<128x64xf32, #tpu.memory_space<vmem>>)
        %dma_start3A_96 = arith.constant 0 : i32
        %dma_start3A_97 = tpu.memref_slice %arg8[%add3A_89, %dma_start3A_96] : memref<16x128xi32, #tpu.memory_space<vmem>> -> memref<1x128xi32, #tpu.memory_space<vmem>>
        %dma_start3A_98 = tpu.memref_squeeze %dma_start3A_97 : memref<1x128xi32, #tpu.memory_space<vmem>> -> memref<128xi32, #tpu.memory_space<vmem>>
        %dma_start3A_99 = arith.constant 0 : i32
        %dma_start3A_100 = arith.constant 0 : i32
        %dma_start3A_101 = tpu.memref_slice %arg12[%dma_start3A_99, %dma_start3A_100] : memref<10240x64xf32, #tpu.memory_space<vmem_shared>> -> memref<10240x64xf32, #tpu.memory_space<vmem_shared>>
        tpu.enqueue_indirect_dma source(%arg10 : memref<128x64xf32, #tpu.memory_space<vmem>>) target(%dma_start3A_101 : memref<10240x64xf32, #tpu.memory_space<vmem_shared>>) offsets(%dma_start3A_98 : memref<128xi32, #tpu.memory_space<vmem>>) semaphore(%arg16 : memref<!tpu.dma_semaphore, #tpu.memory_space<semaphore_mem>>) {add = true}
        %add3A_102 = arith.constant 2 : i32
        %add3A_103 = arith.addi %add3A_89, %add3A_102 : i32
        %lt3A_104 = arith.constant 16 : i32
        %lt3A_105 = arith.cmpi slt, %add3A_103, %lt3A_104 : i32
        %convert_element_type3A_106 = arith.extui %lt3A_105 : i1 to i32
        %cond3A_107 = arith.constant 0 : i32
        %cond3A_108 = arith.cmpi ne, %convert_element_type3A_106, %cond3A_107 : i32
        scf.if %cond3A_108 {
          %dma_wait3A_109 = arith.constant 0 : i32
          %dma_wait3A_110 = tpu.memref_slice %arg8[%add3A_89, %dma_wait3A_109] : memref<16x128xi32, #tpu.memory_space<vmem>> -> memref<1x128xi32, #tpu.memory_space<vmem>>
          %dma_wait3A_111 = tpu.memref_squeeze %dma_wait3A_110 : memref<1x128xi32, #tpu.memory_space<vmem>> -> memref<128xi32, #tpu.memory_space<vmem>>
          %dma_wait3A_112 = arith.constant 0 : i32
          %dma_wait3A_113 = arith.constant 0 : i32
          %dma_wait3A_114 = tpu.memref_slice %arg12[%dma_wait3A_112, %dma_wait3A_113] : memref<10240x64xf32, #tpu.memory_space<vmem_shared>> -> memref<10240x64xf32, #tpu.memory_space<vmem_shared>>
          tpu.wait_indirect_dma semaphore(%arg16 : memref<!tpu.dma_semaphore, #tpu.memory_space<semaphore_mem>>) src(%arg10 : memref<128x64xf32, #tpu.memory_space<vmem>>) dst(%dma_wait3A_114 : memref<10240x64xf32, #tpu.memory_space<vmem_shared>>)
          %add3A_115 = arith.constant 2 : i32
          %add3A_116 = arith.addi %add3A_89, %add3A_115 : i32
          %dma_start3A_117 = arith.constant 0 : i32
          %dma_start3A_118 = tpu.memref_slice %arg7[%add3A_116, %dma_start3A_117] : memref<16x128xi32, #tpu.memory_space<vmem>> -> memref<1x128xi32, #tpu.memory_space<vmem>>
          %dma_start3A_119 = tpu.memref_squeeze %dma_start3A_118 : memref<1x128xi32, #tpu.memory_space<vmem>> -> memref<128xi32, #tpu.memory_space<vmem>>
          %dma_start3A_120 = arith.constant 0 : i32
          %dma_start3A_121 = arith.constant 0 : i32
          %dma_start3A_122 = tpu.memref_slice %arg11[%dma_start3A_120, %dma_start3A_121] : memref<10240x64xf32, #tpu.memory_space<vmem_shared>> -> memref<10240x64xf32, #tpu.memory_space<vmem_shared>>
          tpu.enqueue_indirect_dma source(%dma_start3A_122 : memref<10240x64xf32, #tpu.memory_space<vmem_shared>>) target(%arg10 : memref<128x64xf32, #tpu.memory_space<vmem>>) offsets(%dma_start3A_119 : memref<128xi32, #tpu.memory_space<vmem>>) semaphore(%arg14 : memref<!tpu.dma_semaphore, #tpu.memory_space<semaphore_mem>>)
        } else {
        }
      }
      %scan3A_49 = arith.constant 8 : i32
      %dma_wait3A = arith.constant 14 : i32
      %dma_wait3A_50 = arith.constant 0 : i32
      %dma_wait3A_51 = tpu.memref_slice %arg8[%dma_wait3A, %dma_wait3A_50] : memref<16x128xi32, #tpu.memory_space<vmem>> -> memref<1x128xi32, #tpu.memory_space<vmem>>
      %dma_wait3A_52 = tpu.memref_squeeze %dma_wait3A_51 : memref<1x128xi32, #tpu.memory_space<vmem>> -> memref<128xi32, #tpu.memory_space<vmem>>
      %dma_wait3A_53 = arith.constant 0 : i32
      %dma_wait3A_54 = arith.constant 0 : i32
      %dma_wait3A_55 = tpu.memref_slice %arg12[%dma_wait3A_53, %dma_wait3A_54] : memref<10240x64xf32, #tpu.memory_space<vmem_shared>> -> memref<10240x64xf32, #tpu.memory_space<vmem_shared>>
      tpu.wait_indirect_dma semaphore(%arg15 : memref<!tpu.dma_semaphore, #tpu.memory_space<semaphore_mem>>) src(%arg9 : memref<128x64xf32, #tpu.memory_space<vmem>>) dst(%dma_wait3A_55 : memref<10240x64xf32, #tpu.memory_space<vmem_shared>>)
      %dma_wait3A_56 = arith.constant 15 : i32
      %dma_wait3A_57 = arith.constant 0 : i32
      %dma_wait3A_58 = tpu.memref_slice %arg8[%dma_wait3A_56, %dma_wait3A_57] : memref<16x128xi32, #tpu.memory_space<vmem>> -> memref<1x128xi32, #tpu.memory_space<vmem>>
      %dma_wait3A_59 = tpu.memref_squeeze %dma_wait3A_58 : memref<1x128xi32, #tpu.memory_space<vmem>> -> memref<128xi32, #tpu.memory_space<vmem>>
      %dma_wait3A_60 = arith.constant 0 : i32
      %dma_wait3A_61 = arith.constant 0 : i32
      %dma_wait3A_62 = tpu.memref_slice %arg12[%dma_wait3A_60, %dma_wait3A_61] : memref<10240x64xf32, #tpu.memory_space<vmem_shared>> -> memref<10240x64xf32, #tpu.memory_space<vmem_shared>>
      tpu.wait_indirect_dma semaphore(%arg16 : memref<!tpu.dma_semaphore, #tpu.memory_space<semaphore_mem>>) src(%arg10 : memref<128x64xf32, #tpu.memory_space<vmem>>) dst(%dma_wait3A_62 : memref<10240x64xf32, #tpu.memory_space<vmem_shared>>)
    }
    %scan3A_23 = arith.constant 10 : i32
    %barrier3A_24 = arith.constant 0 : index
    tpu.barrier barrier_id(%barrier3A_24)
    "tpu.region"() ({
      %run_scoped3A = tpu.sem_alloc : memref<!tpu.dma_semaphore, #tpu.memory_space<semaphore_mem>>
      %dma_start3A = arith.constant 0 : i32
      %dma_start3A_25 = arith.constant 0 : i32
      %dma_start3A_26 = tpu.memref_slice %arg6[%arg0, %dma_start3A, %dma_start3A_25] : memref<2x10240x128xf32, #tpu.memory_space<hbm>> -> memref<1x10240x128xf32, #tpu.memory_space<hbm>>
      %dma_start3A_27 = tpu.memref_squeeze %dma_start3A_26 : memref<1x10240x128xf32, #tpu.memory_space<hbm>> -> memref<10240x128xf32, #tpu.memory_space<hbm>>
      %dma_start3A_28 = arith.constant 0 : i32
      %dma_start3A_29 = tpu.memref_slice %dma_start3A_27[%mul3A_11, %dma_start3A_28] : memref<10240x128xf32, #tpu.memory_space<hbm>> -> memref<640x64xf32, #tpu.memory_space<hbm>>
      %dma_start3A_30 = arith.constant 0 : i32
      %dma_start3A_31 = tpu.memref_slice %arg12[%mul3A_11, %dma_start3A_30] : memref<10240x64xf32, #tpu.memory_space<vmem_shared>> -> memref<640x64xf32, #tpu.memory_space<vmem_shared>>
      tpu.enqueue_dma source(%dma_start3A_31 : memref<640x64xf32, #tpu.memory_space<vmem_shared>>) target(%dma_start3A_29 : memref<640x64xf32, #tpu.memory_space<hbm>>) target_semaphore(%run_scoped3A : memref<!tpu.dma_semaphore, #tpu.memory_space<semaphore_mem>>)
      %dma_wait3A = arith.constant 0 : i32
      %dma_wait3A_32 = arith.constant 0 : i32
      %dma_wait3A_33 = tpu.memref_slice %arg6[%arg0, %dma_wait3A, %dma_wait3A_32] : memref<2x10240x128xf32, #tpu.memory_space<hbm>> -> memref<1x10240x128xf32, #tpu.memory_space<hbm>>
      %dma_wait3A_34 = tpu.memref_squeeze %dma_wait3A_33 : memref<1x10240x128xf32, #tpu.memory_space<hbm>> -> memref<10240x128xf32, #tpu.memory_space<hbm>>
      %dma_wait3A_35 = arith.constant 0 : i32
      %dma_wait3A_36 = tpu.memref_slice %dma_wait3A_34[%mul3A_11, %dma_wait3A_35] : memref<10240x128xf32, #tpu.memory_space<hbm>> -> memref<640x64xf32, #tpu.memory_space<hbm>>
      %dma_wait3A_37 = arith.constant 0 : i32
      %dma_wait3A_38 = tpu.memref_slice %arg12[%mul3A_11, %dma_wait3A_37] : memref<10240x64xf32, #tpu.memory_space<vmem_shared>> -> memref<640x64xf32, #tpu.memory_space<vmem_shared>>
      tpu.wait_dma2 semaphore(%run_scoped3A : memref<!tpu.dma_semaphore, #tpu.memory_space<semaphore_mem>>) src(%dma_wait3A_38 : memref<640x64xf32, #tpu.memory_space<vmem_shared>>) dst(%dma_wait3A_36 : memref<640x64xf32, #tpu.memory_space<hbm>>)
      tpu.yield
    }) : () -> ()
    return
  }
}

module attributes {stable_mosaic.version = 14 : i64} {
  func.func @_prep_body(%arg0: i32, %arg1: memref<2x2x2048x128xf32, #tpu.memory_space<vmem>>, %arg2: memref<2048x128xf32, #tpu.memory_space<vmem>>, %arg3: memref<2048x128xf32, #tpu.memory_space<vmem>>, %arg4: memref<2048x2xf32, #tpu.memory_space<vmem>>) attributes {dimension_semantics = [#tpu.dimension_semantics<arbitrary>], iteration_bounds = array<i64: 5>, scalar_prefetch = 0 : i64, scratch_operands = 0 : i64, tpu.core_type = #tpu.core_type<tc>, window_params = [{transform_indices = @transform_0, window_bounds = array<i64: 2, 2, 2048, 128>}, {transform_indices = @transform_1, window_bounds = array<i64: 2048, 128>}, {transform_indices = @transform_2, window_bounds = array<i64: 2048, 128>}, {transform_indices = @transform_3, window_bounds = array<i64: 2048, 2>}]} {
    %get3A = arith.constant 0 : index
    %get3A_0 = arith.constant 0 : index
    %get3A_1 = arith.constant 0 : index
    %get3A_2 = arith.constant 0 : index
    %get3A_3 = vector.load %arg1[%get3A, %get3A_0, %get3A_1, %get3A_2] : memref<2x2x2048x128xf32, #tpu.memory_space<vmem>>, vector<1x1x2048x1xf32>
    %get3A_4 = vector.shape_cast %get3A_3 : vector<1x1x2048x1xf32> to vector<2048x1xf32>
    %get3A_5 = arith.constant 1 : index
    %get3A_6 = arith.constant 0 : index
    %get3A_7 = arith.constant 0 : index
    %get3A_8 = arith.constant 0 : index
    %get3A_9 = vector.load %arg1[%get3A_5, %get3A_6, %get3A_7, %get3A_8] : memref<2x2x2048x128xf32, #tpu.memory_space<vmem>>, vector<1x1x2048x1xf32>
    %get3A_10 = vector.shape_cast %get3A_9 : vector<1x1x2048x1xf32> to vector<2048x1xf32>
    %add3A = arith.addf %get3A_4, %get3A_10 : vector<2048x1xf32>
    %max3A = arith.constant 1.000000e+00 : f32
    %max3A_11 = vector.broadcast %max3A : f32 to vector<2048x1xf32>
    %max3A_12 = arith.maximumf %add3A, %max3A_11 : vector<2048x1xf32>
    %rsqrt3A = math.rsqrt %max3A_12 : vector<2048x1xf32>
    %get3A_13 = arith.constant 0 : index
    %get3A_14 = arith.constant 1 : index
    %get3A_15 = arith.constant 0 : index
    %get3A_16 = arith.constant 0 : index
    %get3A_17 = vector.load %arg1[%get3A_13, %get3A_14, %get3A_15, %get3A_16] : memref<2x2x2048x128xf32, #tpu.memory_space<vmem>>, vector<1x1x2048x1xf32>
    %get3A_18 = vector.shape_cast %get3A_17 : vector<1x1x2048x1xf32> to vector<2048x1xf32>
    %get3A_19 = arith.constant 1 : index
    %get3A_20 = arith.constant 1 : index
    %get3A_21 = arith.constant 0 : index
    %get3A_22 = arith.constant 0 : index
    %get3A_23 = vector.load %arg1[%get3A_19, %get3A_20, %get3A_21, %get3A_22] : memref<2x2x2048x128xf32, #tpu.memory_space<vmem>>, vector<1x1x2048x1xf32>
    %get3A_24 = vector.shape_cast %get3A_23 : vector<1x1x2048x1xf32> to vector<2048x1xf32>
    %add3A_25 = arith.addf %get3A_18, %get3A_24 : vector<2048x1xf32>
    %max3A_26 = arith.constant 1.000000e+00 : f32
    %max3A_27 = vector.broadcast %max3A_26 : f32 to vector<2048x1xf32>
    %max3A_28 = arith.maximumf %add3A_25, %max3A_27 : vector<2048x1xf32>
    %rsqrt3A_29 = math.rsqrt %max3A_28 : vector<2048x1xf32>
    %swap3A = arith.constant 0 : index
    %swap3A_30 = arith.constant 0 : index
    %swap3A_31 = vector.load %arg4[%swap3A, %swap3A_30] : memref<2048x2xf32, #tpu.memory_space<vmem>>, vector<2048x1xf32>
    tpu.vector_store %arg4[%swap3A, %swap3A_30], %rsqrt3A {strides = array<i32>} : memref<2048x2xf32, #tpu.memory_space<vmem>>, vector<2048x1xf32>,
    %swap3A_32 = arith.constant 0 : index
    %swap3A_33 = arith.constant 1 : index
    %swap3A_34 = vector.load %arg4[%swap3A_32, %swap3A_33] : memref<2048x2xf32, #tpu.memory_space<vmem>>, vector<2048x1xf32>
    tpu.vector_store %arg4[%swap3A_32, %swap3A_33], %rsqrt3A_29 {strides = array<i32>} : memref<2048x2xf32, #tpu.memory_space<vmem>>, vector<2048x1xf32>,
    %get3A_35 = arith.constant 0 : index
    %get3A_36 = arith.constant 0 : index
    %get3A_37 = vector.load %arg2[%get3A_35, %get3A_36] : memref<2048x128xf32, #tpu.memory_space<vmem>>, vector<2048x128xf32>
    %mul3A = vector.broadcast %rsqrt3A : vector<2048x1xf32> to vector<2048x128xf32>
    %mul3A_38 = arith.mulf %get3A_37, %mul3A : vector<2048x128xf32>
    %swap3A_39 = arith.constant 0 : index
    %swap3A_40 = arith.constant 0 : index
    %swap3A_41 = vector.load %arg3[%swap3A_39, %swap3A_40] : memref<2048x128xf32, #tpu.memory_space<vmem>>, vector<2048x128xf32>
    tpu.vector_store %arg3[%swap3A_39, %swap3A_40], %mul3A_38 {strides = array<i32>} : memref<2048x128xf32, #tpu.memory_space<vmem>>, vector<2048x128xf32>,
    return
  }
  func.func @transform_0(%arg0: i32) -> (i32, i32, i32, i32) {
    %c0_i32 = arith.constant 0 : i32
    %c0_i32_0 = arith.constant 0 : i32
    %c0_i32_1 = arith.constant 0 : i32
    %c0_i32_2 = arith.constant 0 : i32
    return %c0_i32, %c0_i32_0, %arg0, %c0_i32_1 : i32, i32, i32, i32
  }
  func.func @transform_1(%arg0: i32) -> (i32, i32) {
    %c0_i32 = arith.constant 0 : i32
    %c0_i32_0 = arith.constant 0 : i32
    return %arg0, %c0_i32 : i32, i32
  }
  func.func @transform_2(%arg0: i32) -> (i32, i32) {
    %c0_i32 = arith.constant 0 : i32
    %c0_i32_0 = arith.constant 0 : i32
    return %arg0, %c0_i32 : i32, i32
  }
  func.func @transform_3(%arg0: i32) -> (i32, i32) {
    %c0_i32 = arith.constant 0 : i32
    %c0_i32_0 = arith.constant 0 : i32
    return %arg0, %c0_i32 : i32, i32
  }
}

module attributes {stable_mosaic.version = 14 : i64} {
  func.func @_mid_body(%arg0: i32, %arg1: memref<2048x2xf32, #tpu.memory_space<vmem>>, %arg2: memref<2x2048x128xf32, #tpu.memory_space<vmem>>, %arg3: memref<128x256xf32, #tpu.memory_space<vmem>>, %arg4: memref<1x256xf32, #tpu.memory_space<vmem>>, %arg5: memref<256x128xf32, #tpu.memory_space<vmem>>, %arg6: memref<2048x128xf32, #tpu.memory_space<vmem>>) attributes {dimension_semantics = [#tpu.dimension_semantics<arbitrary>], iteration_bounds = array<i64: 5>, scalar_prefetch = 0 : i64, scratch_operands = 0 : i64, tpu.core_type = #tpu.core_type<tc>, window_params = [{transform_indices = @transform_0, window_bounds = array<i64: 2048, 2>}, {transform_indices = @transform_1, window_bounds = array<i64: 2, 2048, 128>}, {pipeline_mode = #tpu.pipeline_mode<synchronous>, transform_indices = @transform_2, window_bounds = array<i64: 128, 256>}, {pipeline_mode = #tpu.pipeline_mode<synchronous>, transform_indices = @transform_3, window_bounds = array<i64: 1, 256>}, {pipeline_mode = #tpu.pipeline_mode<synchronous>, transform_indices = @transform_4, window_bounds = array<i64: 256, 128>}, {transform_indices = @transform_5, window_bounds = array<i64: 2048, 128>}]} {
    %get3A = arith.constant 0 : index
    %get3A_0 = arith.constant 1 : index
    %get3A_1 = vector.load %arg1[%get3A, %get3A_0] : memref<2048x2xf32, #tpu.memory_space<vmem>>, vector<2048x1xf32>
    %get3A_2 = arith.constant 0 : index
    %get3A_3 = arith.constant 0 : index
    %get3A_4 = vector.load %arg1[%get3A_2, %get3A_3] : memref<2048x2xf32, #tpu.memory_space<vmem>>, vector<2048x1xf32>
    %get3A_5 = arith.constant 0 : index
    %get3A_6 = arith.constant 0 : index
    %get3A_7 = arith.constant 0 : index
    %get3A_8 = vector.load %arg2[%get3A_5, %get3A_6, %get3A_7] : memref<2x2048x128xf32, #tpu.memory_space<vmem>>, vector<1x2048x128xf32>
    %get3A_9 = vector.shape_cast %get3A_8 : vector<1x2048x128xf32> to vector<2048x128xf32>
    %slice3A = vector.extract_strided_slice %get3A_9 {offsets = [0, 0], sizes = [2048, 64], strides = [1, 1]} : vector<2048x128xf32> to vector<2048x64xf32>
    %get3A_10 = arith.constant 1 : index
    %get3A_11 = arith.constant 0 : index
    %get3A_12 = arith.constant 0 : index
    %get3A_13 = vector.load %arg2[%get3A_10, %get3A_11, %get3A_12] : memref<2x2048x128xf32, #tpu.memory_space<vmem>>, vector<1x2048x128xf32>
    %get3A_14 = vector.shape_cast %get3A_13 : vector<1x2048x128xf32> to vector<2048x128xf32>
    %slice3A_15 = vector.extract_strided_slice %get3A_14 {offsets = [0, 0], sizes = [2048, 64], strides = [1, 1]} : vector<2048x128xf32> to vector<2048x64xf32>
    %concatenate3A = tpu.concatenate %slice3A, %slice3A_15 in 1 : vector<2048x64xf32>, vector<2048x64xf32> -> vector<2048x128xf32>
    %mul3A = vector.broadcast %get3A_1 : vector<2048x1xf32> to vector<2048x128xf32>
    %mul3A_16 = arith.mulf %concatenate3A, %mul3A : vector<2048x128xf32>
    %get3A_17 = arith.constant 0 : index
    %get3A_18 = arith.constant 0 : index
    %get3A_19 = vector.load %arg3[%get3A_17, %get3A_18] : memref<128x256xf32, #tpu.memory_space<vmem>>, vector<128x256xf32>
    %dot_general3A = arith.constant dense<0.000000e+00> : vector<2048x256xf32>
    %dot_general3A_20 = tpu.matmul %mul3A_16, %get3A_19, %dot_general3A {dimension_numbers = #tpu.dot_dimension_numbers<[1], [0], [0], [1], [0, 0, 1, 1], [], []>, transpose_lhs_hint = false} : vector<2048x128xf32>, vector<128x256xf32>, vector<2048x256xf32> -> vector<2048x256xf32>
    %get3A_21 = arith.constant 0 : index
    %get3A_22 = arith.constant 0 : index
    %get3A_23 = vector.load %arg4[%get3A_21, %get3A_22] : memref<1x256xf32, #tpu.memory_space<vmem>>, vector<1x256xf32>
    %add3A = vector.broadcast %get3A_23 : vector<1x256xf32> to vector<2048x256xf32>
    %add3A_24 = arith.addf %dot_general3A_20, %add3A : vector<2048x256xf32>
    %max3A = arith.constant 0.000000e+00 : f32
    %max3A_25 = vector.broadcast %max3A : f32 to vector<2048x256xf32>
    %max3A_26 = arith.maximumf %add3A_24, %max3A_25 : vector<2048x256xf32>
    %get3A_27 = arith.constant 0 : index
    %get3A_28 = arith.constant 0 : index
    %get3A_29 = vector.load %arg5[%get3A_27, %get3A_28] : memref<256x128xf32, #tpu.memory_space<vmem>>, vector<256x128xf32>
    %dot_general3A_30 = arith.constant dense<0.000000e+00> : vector<2048x128xf32>
    %dot_general3A_31 = tpu.matmul %max3A_26, %get3A_29, %dot_general3A_30 {dimension_numbers = #tpu.dot_dimension_numbers<[1], [0], [0], [1], [0, 0, 1, 1], [], []>, transpose_lhs_hint = false} : vector<2048x256xf32>, vector<256x128xf32>, vector<2048x128xf32> -> vector<2048x128xf32>
    %mul3A_32 = vector.broadcast %get3A_4 : vector<2048x1xf32> to vector<2048x128xf32>
    %mul3A_33 = arith.mulf %dot_general3A_31, %mul3A_32 : vector<2048x128xf32>
    %swap3A = arith.constant 0 : index
    %swap3A_34 = arith.constant 0 : index
    %swap3A_35 = vector.load %arg6[%swap3A, %swap3A_34] : memref<2048x128xf32, #tpu.memory_space<vmem>>, vector<2048x128xf32>
    tpu.vector_store %arg6[%swap3A, %swap3A_34], %mul3A_33 {strides = array<i32>} : memref<2048x128xf32, #tpu.memory_space<vmem>>, vector<2048x128xf32>,
    return
  }
  func.func @transform_0(%arg0: i32) -> (i32, i32) {
    %c0_i32 = arith.constant 0 : i32
    %c0_i32_0 = arith.constant 0 : i32
    return %arg0, %c0_i32 : i32, i32
  }
  func.func @transform_1(%arg0: i32) -> (i32, i32, i32) {
    %c0_i32 = arith.constant 0 : i32
    %c0_i32_0 = arith.constant 0 : i32
    %c0_i32_1 = arith.constant 0 : i32
    return %c0_i32, %arg0, %c0_i32_0 : i32, i32, i32
  }
  func.func @transform_2(%arg0: i32) -> (i32, i32) {
    %c0_i32 = arith.constant 0 : i32
    %c0_i32_0 = arith.constant 0 : i32
    %c0_i32_1 = arith.constant 0 : i32
    return %c0_i32, %c0_i32_0 : i32, i32
  }
  func.func @transform_3(%arg0: i32) -> (i32, i32) {
    %c0_i32 = arith.constant 0 : i32
    %c0_i32_0 = arith.constant 0 : i32
    %c0_i32_1 = arith.constant 0 : i32
    return %c0_i32, %c0_i32_0 : i32, i32
  }
  func.func @transform_4(%arg0: i32) -> (i32, i32) {
    %c0_i32 = arith.constant 0 : i32
    %c0_i32_0 = arith.constant 0 : i32
    %c0_i32_1 = arith.constant 0 : i32
    return %c0_i32, %c0_i32_0 : i32, i32
  }
  func.func @transform_5(%arg0: i32) -> (i32, i32) {
    %c0_i32 = arith.constant 0 : i32
    %c0_i32_0 = arith.constant 0 : i32
    return %arg0, %c0_i32 : i32, i32
  }
}

module attributes {stable_mosaic.version = 14 : i64} {
  func.func @_final_body(%arg0: i32, %arg1: memref<1000x2xf32, #tpu.memory_space<vmem>>, %arg2: memref<2x1000x128xf32, #tpu.memory_space<vmem>>, %arg3: memref<1x40xf32, #tpu.memory_space<vmem>>, %arg4: memref<1000x40xf32, #tpu.memory_space<vmem>>) attributes {dimension_semantics = [#tpu.dimension_semantics<arbitrary>], iteration_bounds = array<i64: 10>, scalar_prefetch = 0 : i64, scratch_operands = 0 : i64, tpu.core_type = #tpu.core_type<tc>, window_params = [{transform_indices = @transform_0, window_bounds = array<i64: 1000, 2>}, {transform_indices = @transform_1, window_bounds = array<i64: 2, 1000, 128>}, {pipeline_mode = #tpu.pipeline_mode<synchronous>, transform_indices = @transform_2, window_bounds = array<i64: 1, 40>}, {transform_indices = @transform_3, window_bounds = array<i64: 1000, 40>}]} {
    %get3A = arith.constant 0 : index
    %get3A_0 = arith.constant 1 : index
    %get3A_1 = vector.load %arg1[%get3A, %get3A_0] : memref<1000x2xf32, #tpu.memory_space<vmem>>, vector<1000x1xf32>
    %get3A_2 = arith.constant 0 : index
    %get3A_3 = arith.constant 0 : index
    %get3A_4 = arith.constant 0 : index
    %get3A_5 = vector.load %arg2[%get3A_2, %get3A_3, %get3A_4] : memref<2x1000x128xf32, #tpu.memory_space<vmem>>, vector<1x1000x128xf32>
    %get3A_6 = vector.shape_cast %get3A_5 : vector<1x1000x128xf32> to vector<1000x128xf32>
    %slice3A = vector.extract_strided_slice %get3A_6 {offsets = [0, 0], sizes = [1000, 40], strides = [1, 1]} : vector<1000x128xf32> to vector<1000x40xf32>
    %get3A_7 = arith.constant 1 : index
    %get3A_8 = arith.constant 0 : index
    %get3A_9 = arith.constant 0 : index
    %get3A_10 = vector.load %arg2[%get3A_7, %get3A_8, %get3A_9] : memref<2x1000x128xf32, #tpu.memory_space<vmem>>, vector<1x1000x128xf32>
    %get3A_11 = vector.shape_cast %get3A_10 : vector<1x1000x128xf32> to vector<1000x128xf32>
    %slice3A_12 = vector.extract_strided_slice %get3A_11 {offsets = [0, 0], sizes = [1000, 40], strides = [1, 1]} : vector<1000x128xf32> to vector<1000x40xf32>
    %add3A = arith.addf %slice3A, %slice3A_12 : vector<1000x40xf32>
    %mul3A = vector.broadcast %get3A_1 : vector<1000x1xf32> to vector<1000x40xf32>
    %mul3A_13 = arith.mulf %add3A, %mul3A : vector<1000x40xf32>
    %get3A_14 = arith.constant 0 : index
    %get3A_15 = arith.constant 0 : index
    %get3A_16 = vector.load %arg3[%get3A_14, %get3A_15] : memref<1x40xf32, #tpu.memory_space<vmem>>, vector<1x40xf32>
    %add3A_17 = vector.broadcast %get3A_16 : vector<1x40xf32> to vector<1000x40xf32>
    %add3A_18 = arith.addf %mul3A_13, %add3A_17 : vector<1000x40xf32>
    %swap3A = arith.constant 0 : index
    %swap3A_19 = arith.constant 0 : index
    %swap3A_20 = vector.load %arg4[%swap3A, %swap3A_19] : memref<1000x40xf32, #tpu.memory_space<vmem>>, vector<1000x40xf32>
    tpu.vector_store %arg4[%swap3A, %swap3A_19], %add3A_18 {strides = array<i32>} : memref<1000x40xf32, #tpu.memory_space<vmem>>, vector<1000x40xf32>,
    return
  }
  func.func @transform_0(%arg0: i32) -> (i32, i32) {
    %c0_i32 = arith.constant 0 : i32
    %c0_i32_0 = arith.constant 0 : i32
    return %arg0, %c0_i32 : i32, i32
  }
  func.func @transform_1(%arg0: i32) -> (i32, i32, i32) {
    %c0_i32 = arith.constant 0 : i32
    %c0_i32_0 = arith.constant 0 : i32
    %c0_i32_1 = arith.constant 0 : i32
    return %c0_i32, %arg0, %c0_i32_0 : i32, i32, i32
  }
  func.func @transform_2(%arg0: i32) -> (i32, i32) {
    %c0_i32 = arith.constant 0 : i32
    %c0_i32_0 = arith.constant 0 : i32
    %c0_i32_1 = arith.constant 0 : i32
    return %c0_i32, %c0_i32_0 : i32, i32
  }
  func.func @transform_3(%arg0: i32) -> (i32, i32) {
    %c0_i32 = arith.constant 0 : i32
    %c0_i32_0 = arith.constant 0 : i32
    return %arg0, %c0_i32 : i32, i32
  }
}

</mosaic_0001>

<sc_bundles>
// kernel: kernel.11.cloned.1.call-start
scs
__scs_entry_jumppad:
0x0: {  	(pc) =	sbr.rel $0x88, $3  }
0x1: {  	(tag) =	ssettag $0x0;
	lr =	simm.s32 $0x1  }
0x2: {  	[smem:$0x3F9B] =	sst lr;
	_ =	strace $0xD0000000  }
0x3: {  	_ = 	snop  }
0x4: {  	_ = 	snop  }
0x5: {  	_ = 	snop  }
0x6: {  	_ = 	snop  }
0x7: {  	_ = 	snop  }
__scs_overlays_trampoline_lowered:
0x8: {  	[smem:$0x3FAA] =	sst s0  }
0x9: {  	[smem:$0x3FAB] =	sst s1  }
0xa: {  	[smem:$0x3FAC] =	sst s2  }
0xb: {  	[smem:$0x3FAD] =	sst s3  }
0xc: {  	[smem:$0x3FAE] =	sst s4  }
0xd: {  	[smem:$0x3FAF] =	sst s5  }
0xe: {  	[smem:$0x3FB0] =	sst s6  }
0xf: {  	[smem:$0x3FB1] =	sst s7  }
0x10: {  	[smem:$0x3FB2] =	sst s8  }
0x11: {  	[smem:$0x3FB3] =	sst s9;
	s0 =	simm.s32 @!p0 $0x0  }
0x12: {  	s1 =	sld [smem:$0x3F99];
	s0 =	simm.s32 @p0 $0x1  }
0x13: {  	[smem:$0x3FB4] =	sst s0;
	s0 =	simm.s32 @!p1 $0x0  }
0x14: {  	s2 =	sld [smem:$0x3F98];
	s0 =	simm.s32 @p1 $0x1  }
0x15: {  	[smem:$0x3FB5] =	sst s0;
	s0 =	simm.s32 @!p2 $0x0  }
0x16: {  	s3 =	sld [smem:$0x3FDB];
	s0 =	simm.s32 @p2 $0x1  }
0x17: {  	s4 =	simm.s32 $0x1BF5;
	[smem:$0x3FB7] =	sst s0  }
0x18: {  	s0 =	sld [smem:$0x3F9A];
	_ =	swait.ge [sflag:s4], $0x0  }
0x19: {  	s7 =	sld [smem:$0x3F9B]  }
0x1a: {  	s8 =	sadd.s32 $0xFFFFE003, lr  }
0x1b: {  	s9 =	sadd.s32 $0xFFFFFEF7, lr;
	s5 =	simm.s32 $0xFFFFFFFF;
	p2 =	slt.u32 s8, $0xFFFFF086  }
0x1c: {  	p1 =	slt.u32 s9, $0xF7A;
	s5 =	simm.s32 @!p2 $0x0  }
0x1d: {  	s5 =	simm.s32 @p1 $0x1;
	p0 =	seq.s32 s7, s2  }
0x1e: {  	s7 =	smul.u32 @!p0 $0xF7A, s2;
	p2 =	seq.s32 @!p0 s5, $0x0  }
0x1f: {  	s9 =	smul.u32 $0xF7A, s1;
	s8 =	simm.s32 @!p0 $0x1BF5;
	p2 =	por !p2, p0  }
0x20: {  	[sflag:s8] =	ssyncset.s32 @!p0 $0xFFFFF086;
	s6 =	sadd.s32 @!p0 s3, s7;
	s7 =	simm.s32 @!p0 $0x108  }
0x21: {  	s3 =	sadd.s32 s3, s9;
	s6 =	sadd.s32 @!p0 $0x88, s6;
	s7 =	simm.s32 @p2 $0x1082  }
0x22: {  	[simem:s7], [sflag:s8] =	dma.local @!p0 [hbm:s6], $0xF7A  }
0x23: {  	s9 =	sor.u32 $0xD0000000, s2;
	s6 =	simm.s32 $0x108;
	_ =	swait.ge @!p0 [sflag:s8], $0x0  }
0x24: {  	s3 =	sadd.s32 $0x88, s3;
	s6 =	simm.s32 @!p1 $0x1082;
	[sflag:s4] =	ssyncset.s32 $0xFFFFF086  }
0x25: {  	[simem:s6], [sflag:s4] =	dma.local [hbm:s3], $0xF7A  }
0x26: {  	[smem:$0x3F9B] =	sst s1;
	(tag) =	ssettag s2;
	_ =	strace s9  }
0x27: {  	s1 =	sld [smem:$0x3FAB]  }
0x28: {  	s2 =	sld [smem:$0x3FAC]  }
0x29: {  	s4 =	sld [smem:$0x3FAE]  }
0x2a: {  	p0 =	seq.s32 s5, $0x0;
	s5 =	sld [smem:$0x3FAF]  }
0x2b: {  	s6 =	sld [smem:$0x3FB0]  }
0x2c: {  	s7 =	sld [smem:$0x3FB1]  }
0x2d: {  	s3 =	simm.s32 $0x108;
	s8 =	sld [smem:$0x3FB2]  }
0x2e: {  	s3 =	simm.s32 @!p0 $0x1082;
	s9 =	sld [smem:$0x3FB3]  }
0x2f: {  	lr =	sadd.s32 s0, s3;
	s0 =	sld [smem:$0x3FAA]  }
0x30: {  	s3 =	sld [smem:$0x3FAD]  }
0x31: {  	[smem:$0x3FB6] =	sst s10  }
0x32: {  	s10 =	sld [smem:$0x3FB4];
	_ =	sdelay $0x3  }
0x33: {  	p0 =	seq.s32 s10, $0x1;
	s10 =	sld [smem:$0x3FB6];
	_ =	sdelay $0x3  }
0x34: {  	[smem:$0x3FB6] =	sst s10  }
0x35: {  	s10 =	sld [smem:$0x3FB5];
	_ =	sdelay $0x3  }
0x36: {  	p1 =	seq.s32 s10, $0x1;
	s10 =	sld [smem:$0x3FB6];
	_ =	sdelay $0x3  }
0x37: {  	[smem:$0x3FB6] =	sst s10  }
0x38: {  	s10 =	sld [smem:$0x3FB7]  }
0x39: {  	_ = 	snop;
	(pc) =	sbr.ind lr, $3  }
0x3a: {  	_ = 	snop  }
0x3b: {  	_ = 	snop  }
0x3c: {  	p2 =	seq.s32 s10, $0x1;
	s10 =	sld [smem:$0x3FB6]  }
0x3d: {  	_ =	shalt  }
0x3e: {  	_ =	shalt  }
0x3f: {  	_ =	shalt  }
0x40: {  	_ =	shalt  }
0x41: {  	_ =	shalt  }
0x42: {  	_ =	shalt  }
0x43: {  	_ =	shalt  }
0x44: {  	_ =	shalt  }
0x45: {  	_ =	shalt  }
0x46: {  	_ =	shalt  }
0x47: {  	_ =	shalt  }
0x48: {  	_ =	shalt  }
0x49: {  	_ =	shalt  }
0x4a: {  	_ =	shalt  }
0x4b: {  	_ =	shalt  }
0x4c: {  	_ =	shalt  }
0x4d: {  	_ =	shalt  }
0x4e: {  	_ =	shalt  }
0x4f: {  	_ =	shalt  }
0x50: {  	_ =	shalt  }
0x51: {  	_ =	shalt  }
0x52: {  	_ =	shalt  }
0x53: {  	_ =	shalt  }
0x54: {  	_ =	shalt  }
0x55: {  	_ =	shalt  }
0x56: {  	_ =	shalt  }
0x57: {  	_ =	shalt  }
0x58: {  	_ =	shalt  }
0x59: {  	_ =	shalt  }
0x5a: {  	_ =	shalt  }
0x5b: {  	_ =	shalt  }
0x5c: {  	_ =	shalt  }
0x5d: {  	_ =	shalt  }
0x5e: {  	_ =	shalt  }
0x5f: {  	_ =	shalt  }
0x60: {  	_ =	shalt  }
0x61: {  	_ =	shalt  }
0x62: {  	_ =	shalt  }
0x63: {  	_ =	shalt  }
0x64: {  	_ =	shalt  }
0x65: {  	_ =	shalt  }
0x66: {  	_ =	shalt  }
0x67: {  	_ =	shalt  }
0x68: {  	_ =	shalt  }
0x69: {  	_ =	shalt  }
0x6a: {  	_ =	shalt  }
0x6b: {  	_ =	shalt  }
0x6c: {  	_ =	shalt  }
0x6d: {  	_ =	shalt  }
0x6e: {  	_ =	shalt  }
0x6f: {  	_ =	shalt  }
0x70: {  	_ =	shalt  }
0x71: {  	_ =	shalt  }
0x72: {  	_ =	shalt  }
0x73: {  	_ =	shalt  }
0x74: {  	_ =	shalt  }
0x75: {  	_ =	shalt  }
0x76: {  	_ =	shalt  }
0x77: {  	_ =	shalt  }
0x78: {  	_ =	shalt  }
0x79: {  	_ =	shalt  }
0x7a: {  	_ =	shalt  }
0x7b: {  	_ =	shalt  }
0x7c: {  	_ =	shalt  }
0x7d: {  	_ =	shalt  }
0x7e: {  	_ =	shalt  }
0x7f: {  	_ =	shalt  }
0x80: {  	_ =	shalt  }
0x81: {  	_ =	shalt  }
0x82: {  	_ =	shalt  }
0x83: {  	_ =	shalt  }
0x84: {  	_ =	shalt  }
0x85: {  	_ =	shalt  }
0x86: {  	_ =	shalt  }
0x87: {  	_ =	shalt  }
.Lfunc_end0:
.L_simem_size_0:
called_computation.1_lowered:
.L_overlay_start_0:
0x88: {  	s2 =	sld [smem:$0x3FD9]  }
0x89: {  	s3 =	sld [smem:$0x3FFE];
	_ =	sdelay $0x1  }
0x8a: {  	s1 =	srdreg.scid  }
0x8b: {  	s0 =	sand.u32 $0x1, s1  }
0x8c: {  	s17 =	sshll.u32 s0, $0xA;
	s2 =	sadd.s32 s3, s2  }
0x8d: {  	s2 =	sadd.s32 s2, s17  }
0x8e: {  	[smem:$0x3FC2] =	sst s2  }
0x8f: {  	_ = 	snop  }
0x90: {  	s2 =	sld [smem:$0x3FD0];
	(tm) =	ssettm $0x1  }
0x91: {  	s18 =	sld [smem:$0x3FFB];
	_ =	sdelay $0x3  }
0x92: {  	_ =	strace s18  }
0x93: {  	s3 =	sld [smem:$0x3FFC];
	_ =	sdelay $0x3  }
0x94: {  	_ =	strace s3  }
0x95: {  	s3 =	sld [smem:$0x3FFD];
	_ =	sdelay $0x3  }
0x96: {  	_ =	strace s3  }
0x97: {  	_ =	strace $0x8FFFFFFF  }
0x98: {  	s19 =	sld [smem:$0x3FDB];
	_ =	sdelay $0x1  }
0x99: {  	s4 =	simm.s32 $_scs_section_size  }
0x9a: {  	s5 =	simm.s32 $_size__tile_overlayer_lowered;
	s6 =	simm.s32 $_tile_overlayer_lowered  }
0x9b: {  	s22 =	simm.s32 $0x1BFF;
	s21 =	sshll.u32 s6, $0x1;
	s3 =	sadd.s32 s4, s19  }
0x9c: {  	s7 =	simm.s32 $0x0;
	s20 =	sshll.u32 s5, $0x1;
	s5 =	sadd.s32 s21, s3  }
0x9d: {  	[timem:s7], [sflag:s22] =	dma.local [hbm:s5], s20  }
0x9e: {  	_ =	swait.ge [sflag:s22], s20  }
0x9f: {  	s4 =	ssub.s32 $0x0, s20;
	[sflag:s22] =	ssyncset.done $0x0  }
0xa0: {  	[sflag:s22] =	ssyncadd.s32 s4;
	_ =	sdelay $0x1  }
0xa1: {  	s23 =	simm.s32 $0x1B8B  }
0xa2: {  	_ =	swait.ge [sflag:s23], $0x1  }
0xa3: {  	[sflag:s23] =	ssyncset.done $0x0  }
0xa4: {  	s25 =	simm.s32 $0x1B8E;
	s24 =	sld [smem:$0x3FFE];
	[sflag:s23] =	ssyncadd.s32 $0xFFFFFFFF  }
0xa5: {  	s26 =	simm.s32 $execute0_lowered;
	[smem:$0x3FD2] =	sst s25  }
0xa6: {  	s5 =	sshll.u32 s26, $0x1;
	_ =	strace $0x80000049;
	[dreg:$0x1] =	wrdreg $0xFFFFFFFF  }
0xa7: {  	s28 =	simm.s32 $_size_execute0_lowered;
	s3 =	sadd.s32 s3, s5;
	[dreg:$0x0] =	wrdreg $0x0  }
0xa8: {  	s5 =	sshll.u32 s28, $0x1;
	[dreg:$0x2] =	wrdreg s3  }
0xa9: {  	[dreg:$0x3] =	wrdreg s5  }
0xaa: {  	[dreg:$0x4] =	wrdreg $0xC0  }
0xab: {  	_ =	task [dreg:s7], $0x5FFFF  }
0xac: {  	[dreg:$0x1] =	wrdreg $0xFFFFFFFF  }
0xad: {  	[dreg:$0x0] =	wrdreg $0x60  }
0xae: {  	[dreg:$0x2] =	wrdreg s24  }
0xaf: {  	[dreg:$0x3] =	wrdreg s2  }
0xb0: {  	[dreg:$0x4] =	wrdreg $0xF0000  }
0xb1: {  	[dreg:$0x5] =	wrdreg $0x50000  }
0xb2: {  	[dreg:$0x6] =	wrdreg $0x9  }
0xb3: {  	_ =	task.clear_ibuf [dreg:s7], $0x7FFFF;
	_ =	strace $0x90000049  }
0xb4: {  	s29 =	simm.s32 $0x9;
	_ =	strace $0x8000004B  }
0xb5: {  	_ =	swait.ge [sflag:s29], $0x1  }
0xb6: {  	[sflag:s29] =	ssyncadd.s32 $0xFFFFFFFF  }
0xb7: {  	_ =	strace $0x9000004B  }
0xb8: {  	_ =	sfence  }
0xb9: {  	s30 =	sld [smem:$0x0];
	_ =	sdelay $0x2  }
0xba: {  	s31 =	sshll.u32 s1, $0xD;
	s1 =	sshrl.u32 s1, $0x2  }
0xbb: {  	s3 =	sand.u32 $0x4000, s31;
	s1 =	sadd.s32 s1, s30  }
0xbc: {  	s0 =	sor.u32 s3, s0;
	s1 =	sshll.u32 s1, $0x11  }
0xbd: {  	s0 =	sor.u32 s1, s0  }
0xbe: {  	s0 =	sadd.s32 $0x8F2B, s0  }
0xbf: {  	[sflag:s0] =	ssyncadd.remote.s32 $0x1  }
0xc0: {  	_ =	sfence.sel $0xFFFF  }
0xc1: {  	[dreg:$0x0] =	wrdreg $0xFFFFFFFF;
	(pc) =	sbr.abs _section_cstart, $3  }
0xc2: {  	[dreg:$0x1] =	wrdreg $0xFFFFFFFF  }
0xc3: {  	_ =	task.clear_ibuf [dreg:s7], $0x2FFFF;
	_ =	strace $0x9FFFFFFF  }
0xc4: {  	(tm) =	ssettm $0x7FFFFFFF  }
0xc5: {  	_ =	shalt  }
tec
execute0_lowered:
.L_overlay_start_1:
0x0: {  	(tag) =	ssettag $0x1  }
0x1: {  	s0 =	rddreg [dreg:$0x0]  }
0x2: {  	s1 =	rddreg [dreg:$0x1]  }
0x3: {  	s2 =	rddreg [dreg:$0x2]  }
0x4: {  	s3 =	rddreg [dreg:$0x3]  }
0x5: {  	s5 =	srdreg.scid;
	s11 =	stileid.u32;
	s4 =	simm.s32 $0x0  }
0x6: {  	s13 =	simm.s32 $0x180;
	s14 =	simm.s32 $0x900;
	s15 =	simm.s32 $0x200  }
0x7: {  	s17 =	simm.s32 $0x980;
	s18 =	simm.s32 $0x280;
	s20 =	simm.s32 $0xA00  }
0x8: {  	s28 =	simm.s32 $0xC00;
	s29 =	simm.s32 $0x500;
	[smem:$0x7FF] =	sst s4  }
0x9: {  	s30 =	simm.s32 $0xC80;
	_ =	strace $0x8000004A;
	[dreg:$0x9] =	wrdreg s13  }
0xa: {  	s31 =	simm.s32 $0x580;
	s6 =	smul.u32 $0xA00, s11;
	[dreg:$0xa] =	wrdreg s14  }
0xb: {  	s7 =	sand.u32 $0x1, s5;
	s5 =	sshll.u32 s5, $0x3;
	[dreg:$0xb] =	wrdreg s15  }
0xc: {  	s9 =	smul.u32 $0x28000, s11;
	s16 =	sshll.u32 s11, $0x6;
	[dreg:$0xc] =	wrdreg s17  }
0xd: {  	s8 =	smul.u32 $0x28000, s7;
	s5 =	sand.u32 $0x8, s5;
	[dreg:$0xd] =	wrdreg s18  }
0xe: {  	s7 =	ssub.s32 $0x2, s7;
	s13 =	simm.s32 $0x5;
	[dreg:$0xe] =	wrdreg s20  }
0xf: {  	s20 =	simm.s32 $0x80;
	s17 =	simm.s32 $0xF00;
	s18 =	simm.s32 $0xF80  }
0x10: {  	s14 =	simm.s32 $0x0;
	s5 =	sadd.s32 s5, s0;
	s10 =	sadd.s32 s6, s0  }
0x11: {  	s21 =	sshrl.u32 s7, $0x1;
	s9 =	sshrl.u32 s9, $0x2;
	s1 =	sadd.s32 s6, s1  }
0x12: {  	s6 =	simm.s32 $0xD80;
	s12 =	sadd.s32 s9, s2;
	[dreg:$0x5] =	wrdreg s1  }
0x13: {  	s0 =	sadd.s32 s8, s0;
	s26 =	sadd.s32 $0x2800, s10;
	[dreg:$0x15] =	wrdreg s12  }
0x14: {  	s7 =	ssub.s32 s7, s21;
	s10 =	simm.s32 $0x100;
	[dreg:$0x6] =	wrdreg s26  }
0x15: {  	s22 =	sadd.s32 s9, s3;
	s21 =	simm.s32 $0x300;
	[dreg:$0x7] =	wrdreg s10  }
0x16: {  	s9 =	smul.u32 $0x2800, s11;
	s7 =	smax.u32 s7, $0x1;
	[dreg:$0xf] =	wrdreg s21  }
0x17: {  	s1 =	simm.s32 $0x600;
	s23 =	sadd.s32 $0x2000, s12;
	[dreg:$0x16] =	wrdreg s7  }
0x18: {  	s8 =	simm.s32 $0xE00;
	s24 =	sadd.s32 $0x4000, s12;
	[dreg:$0x17] =	wrdreg s23  }
0x19: {  	s11 =	simm.s32 $0x780;
	s25 =	sadd.s32 $0x6000, s12;
	[dreg:$0x18] =	wrdreg s24  }
0x1a: {  	s0 =	sadd.s32 $0x34800, s0;
	s19 =	sshrl.u32 s22, $0x3;
	[dreg:$0x19] =	wrdreg s25  }
0x1b: {  	s22 =	simm.s32 $0xA80;
	s21 =	simm.s32 $0x3000;
	[dreg:$0x1d] =	wrdreg s19  }
0x1c: {  	s26 =	simm.s32 $0xB80;
	s10 =	simm.s32 $0xE80;
	[dreg:$0x10] =	wrdreg s22  }
0x1d: {  	s7 =	sadd.s32 $0x8000, s12;
	s5 =	sadd.s32 s9, s5;
	[dreg:$0x14] =	wrdreg s26  }
0x1e: {  	s12 =	simm.s32 $0x880;
	s23 =	simm.s32 $0x380;
	[dreg:$0x1a] =	wrdreg s7  }
0x1f: {  	s19 =	simm.s32 $0x800;
	s24 =	simm.s32 $0xB00;
	[dreg:$0x8] =	wrdreg s12  }
0x20: {  	s25 =	simm.s32 $0x400;
	s22 =	simm.s32 $0x3;
	[dreg:$0x11] =	wrdreg s23  }
0x21: {  	s0 =	sadd.s32 s9, s0;
	s9 =	simm.s32 $0x700;
	[dreg:$0x12] =	wrdreg s24  }
0x22: {  	s5 =	sadd.s32 $0xC800, s5;
	s12 =	simm.s32 $0x1000;
	[dreg:$0x13] =	wrdreg s25  }
0x23: {  	s23 =	simm.s32 $0x2;
	[dreg:$0x1e] =	wrdreg s0;
	s25 =	simm.s32 $0x4  }
0x24: {  	s0 =	simm.s32 $0xD00;
	[dreg:$0x1b] =	wrdreg s5;
	s5 =	sor.u32 $0x1C05, s16  }
0x25: {  	v0 =	vimm.f32 $0.0e+00;
	s7 =	simm.s32 $0x680;
	s16 =	simm.s32 $0x1;
	[dreg:$0x1c] =	wrdreg s5  }
.LBB2_1:
0x26: {  	[dreg:$0x1f] =	wrdreg s14;
	s24 =	simm.s32 $0x100;
	s14 =	simm.s32 $0x0  }
.LBB2_2:
0x27: {  	p0 =	sne.s32 s24, $0x7F00;
	[tilespmem:s14+$0x1030] =	vst v0;
	s5 =	smov.u32 s24;
	s24 =	sadd.s32 $0x100, s24  }
.Ltmp0:
0x28: {  	[tilespmem:s14+$0x1020] =	vst v0;
	(pc) =	sbr.rel @p0 .LBB2_2-.Ltmp0, $3  }
0x29: {  	[tilespmem:s14+$0x1000] =	vst v0  }
0x2a: {  	[tilespmem:s14+$0x1010] =	vst v0;
	_ =	sdelay $0x1  }
0x2b: {  	s14 =	sshra.s32 s5, $0x2  }
0x2c: {  	[tilespmem:s14+$0x1030] =	vst v0  }
0x2d: {  	[tilespmem:s14+$0x1020] =	vst v0  }
0x2e: {  	[tilespmem:s14+$0x1000] =	vst v0  }
0x2f: {  	[tilespmem:s14+$0x1010] =	vst v0;
	s5 =	rddreg [dreg:$0x15]  }
0x30: {  	[spmem:s5] =	stream.linear.scatter [tilespmem:s12], [sflag:$0x5], $0x2000, $0x38;
	[tilespmem:$0x19000] =	vst v63  }
0x31: {  	_ =	swait.ge [sflag:s13], $0x2000  }
0x32: {  	[sflag:s13] =	ssyncset.done $0x0  }
0x33: {  	s14 =	rddreg [dreg:$0x17];
	[sflag:s13] =	ssyncadd.s32 $0xFFFFE000  }
0x34: {  	[spmem:s14] =	stream.linear.scatter [tilespmem:s12], [sflag:$0x5], $0x2000, $0x38;
	[tilespmem:$0x19000] =	vst v63  }
0x35: {  	_ =	swait.ge [sflag:s13], $0x2000  }
0x36: {  	[sflag:s13] =	ssyncset.done $0x0  }
0x37: {  	s15 =	rddreg [dreg:$0x18];
	[sflag:s13] =	ssyncadd.s32 $0xFFFFE000  }
0x38: {  	[spmem:s15] =	stream.linear.scatter [tilespmem:s12], [sflag:$0x5], $0x2000, $0x38;
	[tilespmem:$0x19000] =	vst v63  }
0x39: {  	_ =	swait.ge [sflag:s13], $0x2000  }
0x3a: {  	[sflag:s13] =	ssyncset.done $0x0  }
0x3b: {  	s24 =	rddreg [dreg:$0x19];
	[sflag:s13] =	ssyncadd.s32 $0xFFFFE000  }
0x3c: {  	[spmem:s24] =	stream.linear.scatter [tilespmem:s12], [sflag:$0x5], $0x2000, $0x38;
	[tilespmem:$0x19000] =	vst v63  }
0x3d: {  	_ =	swait.ge [sflag:s13], $0x2000  }
0x3e: {  	[sflag:s13] =	ssyncset.done $0x0  }
0x3f: {  	s26 =	rddreg [dreg:$0x1a];
	[sflag:s13] =	ssyncadd.s32 $0xFFFFE000  }
0x40: {  	[spmem:s26] =	stream.linear.scatter [tilespmem:s12], [sflag:$0x5], $0x2000, $0x38;
	[tilespmem:$0x19000] =	vst v63  }
0x41: {  	_ =	swait.ge [sflag:s13], $0x2000  }
0x42: {  	s5 =	rddreg [dreg:$0x1b]  }
0x43: {  	s24 =	simm.s32 $0x8;
	[sflag:s13] =	ssyncset.done $0x0;
	s14 =	rddreg [dreg:$0x1c]  }
0x44: {  	s26 =	simm.s32 $0x10;
	s15 =	rddreg [dreg:$0x1d];
	[sflag:s13] =	ssyncadd.s32 $0xFFFFE000  }
0x45: {  	[spmem:s15@s24], [sflag:s14] =	dma.strided [hbm:s5@s26], $0x1400, s16, $0x8   }
0x46: {  	_ =	swait.ge [sflag:s13], $0x1400  }
0x47: {  	[sflag:s13] =	ssyncset.done $0x0  }
0x48: {  	[sflag:s13] =	ssyncadd.s32 $0xFFFFEC00  }
0x49: {  	[bflag:$0x0] =	sbarrier.arrive $0xFFFF  }
0x4a: {  	s14 =	rddreg [dreg:$0x6]  }
0x4b: {  	s5 =	sadd.s32 $0x0, s14  }
0x4c: {  	[tilespmem:s4], [sflag:$0x5] =	stream.linear.gather [hbm4b:s5+s4], $0x800, $0x38;
	[tilespmem:$0x19000] =	vst v63  }
0x4d: {  	_ =	swait.ge [sflag:s13], $0x800  }
0x4e: {  	s15 =	rddreg [dreg:$0x5];
	[sflag:s13] =	ssyncset.done $0x0  }
0x4f: {  	[sflag:s13] =	ssyncadd.s32 $0xFFFFF800;
	s5 =	sadd.s32 $0x0, s15  }
0x50: {  	[tilespmem:s19], [sflag:$0x5] =	stream.linear.gather [hbm4b:s5+s4], $0x800, $0x38;
	[tilespmem:$0x19000] =	vst v63  }
0x51: {  	_ =	swait.ge [sflag:s13], $0x800  }
0x52: {  	[sflag:s13] =	ssyncset.done $0x0  }
0x53: {  	[sflag:s13] =	ssyncadd.s32 $0xFFFFF800  }
0x54: {  	[tilespmem:s12], [sflag:$0x1] =	stream.indirect.gather [spmem:s3], $0x40, s4, s20, $0xb8;
	[tilespmem:$0x19000] =	vst v63  }
0x55: {  	_ = 	snop  }
0x56: {  	[tilespmem:s21], [sflag:$0x2] =	stream.indirect.gather [spmem:s3], $0x40, s20, s20, $0xb8;
	[tilespmem:$0x19000] =	vst v63  }
0x57: {  	_ =	swait.ge [sflag:s16], $0x2000  }
0x58: {  	[sflag:s16] =	ssyncset.done $0x0  }
0x59: {  	[sflag:s16] =	ssyncadd.s32 $0xFFFFE000  }
0x5a: {  	[spmem:s2] =	stream.indirect.scatter.add.f32 [tilespmem:s12], [sflag:$0x3], $0x40, s19, s20, $0xb8;
	[tilespmem:$0x19000] =	vst v63  }
0x5b: {  	_ =	swait.ge [sflag:s22], $0x2000  }
0x5c: {  	[sflag:s22] =	ssyncset.done $0x0  }
0x5d: {  	s24 =	rddreg [dreg:$0x7];
	[sflag:s22] =	ssyncadd.s32 $0xFFFFE000  }
0x5e: {  	[tilespmem:s12], [sflag:$0x1] =	stream.indirect.gather [spmem:s3], $0x40, s24, s20, $0xb8;
	[tilespmem:$0x19000] =	vst v63  }
0x5f: {  	_ =	swait.ge [sflag:s23], $0x2000  }
0x60: {  	[sflag:s23] =	ssyncset.done $0x0  }
0x61: {  	s26 =	rddreg [dreg:$0x8];
	[sflag:s23] =	ssyncadd.s32 $0xFFFFE000  }
0x62: {  	[spmem:s2] =	stream.indirect.scatter.add.f32 [tilespmem:s21], [sflag:$0x4], $0x40, s26, s20, $0xb8;
	[tilespmem:$0x19000] =	vst v63  }
0x63: {  	_ =	swait.ge [sflag:s25], $0x2000  }
0x64: {  	[sflag:s25] =	ssyncset.done $0x0  }
0x65: {  	s14 =	rddreg [dreg:$0x9];
	[sflag:s25] =	ssyncadd.s32 $0xFFFFE000  }
0x66: {  	[tilespmem:s21], [sflag:$0x2] =	stream.indirect.gather [spmem:s3], $0x40, s14, s20, $0xb8;
	[tilespmem:$0x19000] =	vst v63  }
0x67: {  	_ =	swait.ge [sflag:s16], $0x2000  }
0x68: {  	[sflag:s16] =	ssyncset.done $0x0  }
0x69: {  	s15 =	rddreg [dreg:$0xa];
	[sflag:s16] =	ssyncadd.s32 $0xFFFFE000  }
0x6a: {  	[spmem:s2] =	stream.indirect.scatter.add.f32 [tilespmem:s12], [sflag:$0x3], $0x40, s15, s20, $0xb8;
	[tilespmem:$0x19000] =	vst v63  }
0x6b: {  	_ =	swait.ge [sflag:s22], $0x2000  }
0x6c: {  	[sflag:s22] =	ssyncset.done $0x0  }
0x6d: {  	s24 =	rddreg [dreg:$0xb];
	[sflag:s22] =	ssyncadd.s32 $0xFFFFE000  }
0x6e: {  	[tilespmem:s12], [sflag:$0x1] =	stream.indirect.gather [spmem:s3], $0x40, s24, s20, $0xb8;
	[tilespmem:$0x19000] =	vst v63  }
0x6f: {  	_ =	swait.ge [sflag:s23], $0x2000  }
0x70: {  	[sflag:s23] =	ssyncset.done $0x0  }
0x71: {  	s26 =	rddreg [dreg:$0xc];
	[sflag:s23] =	ssyncadd.s32 $0xFFFFE000  }
0x72: {  	[spmem:s2] =	stream.indirect.scatter.add.f32 [tilespmem:s21], [sflag:$0x4], $0x40, s26, s20, $0xb8;
	[tilespmem:$0x19000] =	vst v63  }
0x73: {  	_ =	swait.ge [sflag:s25], $0x2000  }
0x74: {  	[sflag:s25] =	ssyncset.done $0x0  }
0x75: {  	s14 =	rddreg [dreg:$0xd];
	[sflag:s25] =	ssyncadd.s32 $0xFFFFE000  }
0x76: {  	[tilespmem:s21], [sflag:$0x2] =	stream.indirect.gather [spmem:s3], $0x40, s14, s20, $0xb8;
	[tilespmem:$0x19000] =	vst v63  }
0x77: {  	_ =	swait.ge [sflag:s16], $0x2000  }
0x78: {  	[sflag:s16] =	ssyncset.done $0x0  }
0x79: {  	s15 =	rddreg [dreg:$0xe];
	[sflag:s16] =	ssyncadd.s32 $0xFFFFE000  }
0x7a: {  	[spmem:s2] =	stream.indirect.scatter.add.f32 [tilespmem:s12], [sflag:$0x3], $0x40, s15, s20, $0xb8;
	[tilespmem:$0x19000] =	vst v63  }
0x7b: {  	_ =	swait.ge [sflag:s22], $0x2000  }
0x7c: {  	[sflag:s22] =	ssyncset.done $0x0  }
0x7d: {  	s24 =	rddreg [dreg:$0xf];
	[sflag:s22] =	ssyncadd.s32 $0xFFFFE000  }
0x7e: {  	[tilespmem:s12], [sflag:$0x1] =	stream.indirect.gather [spmem:s3], $0x40, s24, s20, $0xb8;
	[tilespmem:$0x19000] =	vst v63  }
0x7f: {  	_ =	swait.ge [sflag:s23], $0x2000  }
0x80: {  	[sflag:s23] =	ssyncset.done $0x0  }
0x81: {  	s26 =	rddreg [dreg:$0x10];
	[sflag:s23] =	ssyncadd.s32 $0xFFFFE000  }
0x82: {  	[spmem:s2] =	stream.indirect.scatter.add.f32 [tilespmem:s21], [sflag:$0x4], $0x40, s26, s20, $0xb8;
	[tilespmem:$0x19000] =	vst v63  }
0x83: {  	_ =	swait.ge [sflag:s25], $0x2000  }
0x84: {  	[sflag:s25] =	ssyncset.done $0x0  }
0x85: {  	s14 =	rddreg [dreg:$0x11];
	[sflag:s25] =	ssyncadd.s32 $0xFFFFE000  }
0x86: {  	[tilespmem:s21], [sflag:$0x2] =	stream.indirect.gather [spmem:s3], $0x40, s14, s20, $0xb8;
	[tilespmem:$0x19000] =	vst v63  }
0x87: {  	_ =	swait.ge [sflag:s16], $0x2000  }
0x88: {  	[sflag:s16] =	ssyncset.done $0x0  }
0x89: {  	s15 =	rddreg [dreg:$0x12];
	[sflag:s16] =	ssyncadd.s32 $0xFFFFE000  }
0x8a: {  	[spmem:s2] =	stream.indirect.scatter.add.f32 [tilespmem:s12], [sflag:$0x3], $0x40, s15, s20, $0xb8;
	[tilespmem:$0x19000] =	vst v63  }
0x8b: {  	_ =	swait.ge [sflag:s22], $0x2000  }
0x8c: {  	[sflag:s22] =	ssyncset.done $0x0  }
0x8d: {  	s24 =	rddreg [dreg:$0x13];
	[sflag:s22] =	ssyncadd.s32 $0xFFFFE000  }
0x8e: {  	[tilespmem:s12], [sflag:$0x1] =	stream.indirect.gather [spmem:s3], $0x40, s24, s20, $0xb8;
	[tilespmem:$0x19000] =	vst v63  }
0x8f: {  	_ =	swait.ge [sflag:s23], $0x2000  }
0x90: {  	[sflag:s23] =	ssyncset.done $0x0  }
0x91: {  	s26 =	rddreg [dreg:$0x14];
	[sflag:s23] =	ssyncadd.s32 $0xFFFFE000  }
0x92: {  	[spmem:s2] =	stream.indirect.scatter.add.f32 [tilespmem:s21], [sflag:$0x4], $0x40, s26, s20, $0xb8;
	[tilespmem:$0x19000] =	vst v63  }
0x93: {  	_ =	swait.ge [sflag:s25], $0x2000  }
0x94: {  	[sflag:s25] =	ssyncset.done $0x0  }
0x95: {  	s26 =	simm.s32 $0x480;
	[sflag:s25] =	ssyncadd.s32 $0xFFFFE000  }
0x96: {  	[tilespmem:s21], [sflag:$0x2] =	stream.indirect.gather [spmem:s3], $0x40, s26, s20, $0xb8;
	[tilespmem:$0x19000] =	vst v63  }
0x97: {  	_ =	swait.ge [sflag:s16], $0x2000  }
0x98: {  	[sflag:s16] =	ssyncset.done $0x0  }
0x99: {  	[sflag:s16] =	ssyncadd.s32 $0xFFFFE000  }
0x9a: {  	[spmem:s2] =	stream.indirect.scatter.add.f32 [tilespmem:s12], [sflag:$0x3], $0x40, s28, s20, $0xb8;
	[tilespmem:$0x19000] =	vst v63  }
0x9b: {  	_ =	swait.ge [sflag:s22], $0x2000  }
0x9c: {  	[sflag:s22] =	ssyncset.done $0x0  }
0x9d: {  	[sflag:s22] =	ssyncadd.s32 $0xFFFFE000  }
0x9e: {  	[tilespmem:s12], [sflag:$0x1] =	stream.indirect.gather [spmem:s3], $0x40, s29, s20, $0xb8;
	[tilespmem:$0x19000] =	vst v63  }
0x9f: {  	_ =	swait.ge [sflag:s23], $0x2000  }
0xa0: {  	[sflag:s23] =	ssyncset.done $0x0  }
0xa1: {  	[sflag:s23] =	ssyncadd.s32 $0xFFFFE000  }
0xa2: {  	[spmem:s2] =	stream.indirect.scatter.add.f32 [tilespmem:s21], [sflag:$0x4], $0x40, s30, s20, $0xb8;
	[tilespmem:$0x19000] =	vst v63  }
0xa3: {  	_ =	swait.ge [sflag:s25], $0x2000  }
0xa4: {  	[sflag:s25] =	ssyncset.done $0x0  }
0xa5: {  	[sflag:s25] =	ssyncadd.s32 $0xFFFFE000  }
0xa6: {  	[tilespmem:s21], [sflag:$0x2] =	stream.indirect.gather [spmem:s3], $0x40, s31, s20, $0xb8;
	[tilespmem:$0x19000] =	vst v63  }
0xa7: {  	_ =	swait.ge [sflag:s16], $0x2000  }
0xa8: {  	[sflag:s16] =	ssyncset.done $0x0  }
0xa9: {  	[sflag:s16] =	ssyncadd.s32 $0xFFFFE000  }
0xaa: {  	[spmem:s2] =	stream.indirect.scatter.add.f32 [tilespmem:s12], [sflag:$0x3], $0x40, s0, s20, $0xb8;
	[tilespmem:$0x19000] =	vst v63  }
0xab: {  	_ =	swait.ge [sflag:s22], $0x2000  }
0xac: {  	[sflag:s22] =	ssyncset.done $0x0  }
0xad: {  	[sflag:s22] =	ssyncadd.s32 $0xFFFFE000  }
0xae: {  	[tilespmem:s12], [sflag:$0x1] =	stream.indirect.gather [spmem:s3], $0x40, s1, s20, $0xb8;
	[tilespmem:$0x19000] =	vst v63  }
0xaf: {  	_ =	swait.ge [sflag:s23], $0x2000  }
0xb0: {  	[sflag:s23] =	ssyncset.done $0x0  }
0xb1: {  	[sflag:s23] =	ssyncadd.s32 $0xFFFFE000  }
0xb2: {  	[spmem:s2] =	stream.indirect.scatter.add.f32 [tilespmem:s21], [sflag:$0x4], $0x40, s6, s20, $0xb8;
	[tilespmem:$0x19000] =	vst v63  }
0xb3: {  	_ =	swait.ge [sflag:s25], $0x2000  }
0xb4: {  	[sflag:s25] =	ssyncset.done $0x0  }
0xb5: {  	[sflag:s25] =	ssyncadd.s32 $0xFFFFE000  }
0xb6: {  	[tilespmem:s21], [sflag:$0x2] =	stream.indirect.gather [spmem:s3], $0x40, s7, s20, $0xb8;
	[tilespmem:$0x19000] =	vst v63  }
0xb7: {  	_ =	swait.ge [sflag:s16], $0x2000  }
0xb8: {  	[sflag:s16] =	ssyncset.done $0x0  }
0xb9: {  	[sflag:s16] =	ssyncadd.s32 $0xFFFFE000  }
0xba: {  	[spmem:s2] =	stream.indirect.scatter.add.f32 [tilespmem:s12], [sflag:$0x3], $0x40, s8, s20, $0xb8;
	[tilespmem:$0x19000] =	vst v63  }
0xbb: {  	_ =	swait.ge [sflag:s22], $0x2000  }
0xbc: {  	[sflag:s22] =	ssyncset.done $0x0  }
0xbd: {  	[sflag:s22] =	ssyncadd.s32 $0xFFFFE000  }
0xbe: {  	[tilespmem:s12], [sflag:$0x1] =	stream.indirect.gather [spmem:s3], $0x40, s9, s20, $0xb8;
	[tilespmem:$0x19000] =	vst v63  }
0xbf: {  	_ =	swait.ge [sflag:s23], $0x2000  }
0xc0: {  	[sflag:s23] =	ssyncset.done $0x0  }
0xc1: {  	[sflag:s23] =	ssyncadd.s32 $0xFFFFE000  }
0xc2: {  	[spmem:s2] =	stream.indirect.scatter.add.f32 [tilespmem:s21], [sflag:$0x4], $0x40, s10, s20, $0xb8;
	[tilespmem:$0x19000] =	vst v63  }
0xc3: {  	_ =	swait.ge [sflag:s25], $0x2000  }
0xc4: {  	[sflag:s25] =	ssyncset.done $0x0  }
0xc5: {  	[sflag:s25] =	ssyncadd.s32 $0xFFFFE000  }
0xc6: {  	[tilespmem:s21], [sflag:$0x2] =	stream.indirect.gather [spmem:s3], $0x40, s11, s20, $0xb8;
	[tilespmem:$0x19000] =	vst v63  }
0xc7: {  	_ =	swait.ge [sflag:s16], $0x2000  }
0xc8: {  	[sflag:s16] =	ssyncset.done $0x0  }
0xc9: {  	[sflag:s16] =	ssyncadd.s32 $0xFFFFE000  }
0xca: {  	[spmem:s2] =	stream.indirect.scatter.add.f32 [tilespmem:s12], [sflag:$0x3], $0x40, s17, s20, $0xb8;
	[tilespmem:$0x19000] =	vst v63  }
0xcb: {  	_ =	swait.ge [sflag:s23], $0x2000  }
0xcc: {  	[sflag:s23] =	ssyncset.done $0x0  }
0xcd: {  	[sflag:s23] =	ssyncadd.s32 $0xFFFFE000  }
0xce: {  	[spmem:s2] =	stream.indirect.scatter.add.f32 [tilespmem:s21], [sflag:$0x4], $0x40, s18, s20, $0xb8;
	[tilespmem:$0x19000] =	vst v63  }
0xcf: {  	_ =	swait.ge [sflag:s22], $0x2000  }
0xd0: {  	[sflag:s22] =	ssyncset.done $0x0  }
0xd1: {  	[sflag:s22] =	ssyncadd.s32 $0xFFFFE000  }
0xd2: {  	s14 =	simm.s32 $0x200;
	_ =	swait.ge [sflag:s25], $0x2000  }
0xd3: {  	s24 =	simm.s32 $0x100;
	s5 =	rddreg [dreg:$0x6];
	[sflag:s25] =	ssyncset.done $0x0  }
.LBB2_4:
0xd4: {  	[sflag:s25] =	ssyncadd.s32 $0xFFFFE000;
	s5 =	sadd.s32 s24, s5  }
0xd5: {  	[tilespmem:s4], [sflag:$0x5] =	stream.linear.gather [hbm4b:s5+s4], $0x800, $0x38;
	[tilespmem:$0x19000] =	vst v63  }
0xd6: {  	_ =	swait.ge [sflag:s13], $0x800  }
0xd7: {  	s5 =	rddreg [dreg:$0x5];
	[sflag:s13] =	ssyncset.done $0x0  }
0xd8: {  	[sflag:s13] =	ssyncadd.s32 $0xFFFFF800;
	s5 =	sadd.s32 s24, s5  }
0xd9: {  	[tilespmem:s19], [sflag:$0x5] =	stream.linear.gather [hbm4b:s5+s4], $0x800, $0x38;
	[tilespmem:$0x19000] =	vst v63  }
0xda: {  	_ =	swait.ge [sflag:s13], $0x800  }
0xdb: {  	[sflag:s13] =	ssyncset.done $0x0  }
0xdc: {  	[sflag:s13] =	ssyncadd.s32 $0xFFFFF800  }
0xdd: {  	[tilespmem:s12], [sflag:$0x1] =	stream.indirect.gather [spmem:s3], $0x40, s4, s20, $0xb8;
	[tilespmem:$0x19000] =	vst v63  }
0xde: {  	_ = 	snop  }
0xdf: {  	[tilespmem:s21], [sflag:$0x2] =	stream.indirect.gather [spmem:s3], $0x40, s20, s20, $0xb8;
	[tilespmem:$0x19000] =	vst v63  }
0xe0: {  	_ =	swait.ge [sflag:s16], $0x2000  }
0xe1: {  	[sflag:s16] =	ssyncset.done $0x0  }
0xe2: {  	[sflag:s16] =	ssyncadd.s32 $0xFFFFE000  }
0xe3: {  	[spmem:s2] =	stream.indirect.scatter.add.f32 [tilespmem:s12], [sflag:$0x3], $0x40, s19, s20, $0xb8;
	[tilespmem:$0x19000] =	vst v63  }
0xe4: {  	_ =	swait.ge [sflag:s22], $0x2000  }
0xe5: {  	s15 =	smov.u32 s14;
	[sflag:s22] =	ssyncset.done $0x0  }
0xe6: {  	s24 =	smov.u32 s15;
	s15 =	rddreg [dreg:$0x7];
	[sflag:s22] =	ssyncadd.s32 $0xFFFFE000  }
0xe7: {  	[tilespmem:s12], [sflag:$0x1] =	stream.indirect.gather [spmem:s3], $0x40, s15, s20, $0xb8;
	[tilespmem:$0x19000] =	vst v63  }
0xe8: {  	_ =	swait.ge [sflag:s23], $0x2000  }
0xe9: {  	[sflag:s23] =	ssyncset.done $0x0  }
0xea: {  	s15 =	rddreg [dreg:$0x8];
	[sflag:s23] =	ssyncadd.s32 $0xFFFFE000  }
0xeb: {  	[spmem:s2] =	stream.indirect.scatter.add.f32 [tilespmem:s21], [sflag:$0x4], $0x40, s15, s20, $0xb8;
	[tilespmem:$0x19000] =	vst v63  }
0xec: {  	_ =	swait.ge [sflag:s25], $0x2000  }
0xed: {  	[sflag:s25] =	ssyncset.done $0x0  }
0xee: {  	s15 =	rddreg [dreg:$0x9];
	[sflag:s25] =	ssyncadd.s32 $0xFFFFE000  }
0xef: {  	[tilespmem:s21], [sflag:$0x2] =	stream.indirect.gather [spmem:s3], $0x40, s15, s20, $0xb8;
	[tilespmem:$0x19000] =	vst v63  }
0xf0: {  	_ =	swait.ge [sflag:s16], $0x2000  }
0xf1: {  	[sflag:s16] =	ssyncset.done $0x0  }
0xf2: {  	s15 =	rddreg [dreg:$0xa];
	[sflag:s16] =	ssyncadd.s32 $0xFFFFE000  }
0xf3: {  	[spmem:s2] =	stream.indirect.scatter.add.f32 [tilespmem:s12], [sflag:$0x3], $0x40, s15, s20, $0xb8;
	[tilespmem:$0x19000] =	vst v63  }
0xf4: {  	_ =	swait.ge [sflag:s22], $0x2000  }
0xf5: {  	[sflag:s22] =	ssyncset.done $0x0  }
0xf6: {  	s15 =	rddreg [dreg:$0xb];
	[sflag:s22] =	ssyncadd.s32 $0xFFFFE000  }
0xf7: {  	[tilespmem:s12], [sflag:$0x1] =	stream.indirect.gather [spmem:s3], $0x40, s15, s20, $0xb8;
	[tilespmem:$0x19000] =	vst v63  }
0xf8: {  	_ =	swait.ge [sflag:s23], $0x2000  }
0xf9: {  	[sflag:s23] =	ssyncset.done $0x0  }
0xfa: {  	s15 =	rddreg [dreg:$0xc];
	[sflag:s23] =	ssyncadd.s32 $0xFFFFE000  }
0xfb: {  	[spmem:s2] =	stream.indirect.scatter.add.f32 [tilespmem:s21], [sflag:$0x4], $0x40, s15, s20, $0xb8;
	[tilespmem:$0x19000] =	vst v63  }
0xfc: {  	_ =	swait.ge [sflag:s25], $0x2000  }
0xfd: {  	[sflag:s25] =	ssyncset.done $0x0  }
0xfe: {  	s15 =	rddreg [dreg:$0xd];
	[sflag:s25] =	ssyncadd.s32 $0xFFFFE000  }
0xff: {  	[tilespmem:s21], [sflag:$0x2] =	stream.indirect.gather [spmem:s3], $0x40, s15, s20, $0xb8;
	[tilespmem:$0x19000] =	vst v63  }
0x100: {  	_ =	swait.ge [sflag:s16], $0x2000  }
0x101: {  	[sflag:s16] =	ssyncset.done $0x0  }
0x102: {  	s15 =	rddreg [dreg:$0xe];
	[sflag:s16] =	ssyncadd.s32 $0xFFFFE000  }
0x103: {  	[spmem:s2] =	stream.indirect.scatter.add.f32 [tilespmem:s12], [sflag:$0x3], $0x40, s15, s20, $0xb8;
	[tilespmem:$0x19000] =	vst v63  }
0x104: {  	_ =	swait.ge [sflag:s22], $0x2000  }
0x105: {  	[sflag:s22] =	ssyncset.done $0x0  }
0x106: {  	s15 =	rddreg [dreg:$0xf];
	[sflag:s22] =	ssyncadd.s32 $0xFFFFE000  }
0x107: {  	[tilespmem:s12], [sflag:$0x1] =	stream.indirect.gather [spmem:s3], $0x40, s15, s20, $0xb8;
	[tilespmem:$0x19000] =	vst v63  }
0x108: {  	_ =	swait.ge [sflag:s23], $0x2000  }
0x109: {  	[sflag:s23] =	ssyncset.done $0x0  }
0x10a: {  	s15 =	rddreg [dreg:$0x10];
	[sflag:s23] =	ssyncadd.s32 $0xFFFFE000  }
0x10b: {  	[spmem:s2] =	stream.indirect.scatter.add.f32 [tilespmem:s21], [sflag:$0x4], $0x40, s15, s20, $0xb8;
	[tilespmem:$0x19000] =	vst v63  }
0x10c: {  	_ =	swait.ge [sflag:s25], $0x2000  }
0x10d: {  	[sflag:s25] =	ssyncset.done $0x0  }
0x10e: {  	s15 =	rddreg [dreg:$0x11];
	[sflag:s25] =	ssyncadd.s32 $0xFFFFE000  }
0x10f: {  	[tilespmem:s21], [sflag:$0x2] =	stream.indirect.gather [spmem:s3], $0x40, s15, s20, $0xb8;
	[tilespmem:$0x19000] =	vst v63  }
0x110: {  	_ =	swait.ge [sflag:s16], $0x2000  }
0x111: {  	[sflag:s16] =	ssyncset.done $0x0  }
0x112: {  	s15 =	rddreg [dreg:$0x12];
	[sflag:s16] =	ssyncadd.s32 $0xFFFFE000  }
0x113: {  	[spmem:s2] =	stream.indirect.scatter.add.f32 [tilespmem:s12], [sflag:$0x3], $0x40, s15, s20, $0xb8;
	[tilespmem:$0x19000] =	vst v63  }
0x114: {  	_ =	swait.ge [sflag:s22], $0x2000  }
0x115: {  	[sflag:s22] =	ssyncset.done $0x0  }
0x116: {  	s15 =	rddreg [dreg:$0x13];
	[sflag:s22] =	ssyncadd.s32 $0xFFFFE000  }
0x117: {  	[tilespmem:s12], [sflag:$0x1] =	stream.indirect.gather [spmem:s3], $0x40, s15, s20, $0xb8;
	[tilespmem:$0x19000] =	vst v63  }
0x118: {  	_ =	swait.ge [sflag:s23], $0x2000  }
0x119: {  	[sflag:s23] =	ssyncset.done $0x0  }
0x11a: {  	s15 =	rddreg [dreg:$0x14];
	[sflag:s23] =	ssyncadd.s32 $0xFFFFE000  }
0x11b: {  	[spmem:s2] =	stream.indirect.scatter.add.f32 [tilespmem:s21], [sflag:$0x4], $0x40, s15, s20, $0xb8;
	[tilespmem:$0x19000] =	vst v63  }
0x11c: {  	_ =	swait.ge [sflag:s25], $0x2000  }
0x11d: {  	[sflag:s25] =	ssyncset.done $0x0  }
0x11e: {  	[sflag:s25] =	ssyncadd.s32 $0xFFFFE000  }
0x11f: {  	[tilespmem:s21], [sflag:$0x2] =	stream.indirect.gather [spmem:s3], $0x40, s26, s20, $0xb8;
	[tilespmem:$0x19000] =	vst v63  }
0x120: {  	_ =	swait.ge [sflag:s16], $0x2000  }
0x121: {  	[sflag:s16] =	ssyncset.done $0x0  }
0x122: {  	[sflag:s16] =	ssyncadd.s32 $0xFFFFE000  }
0x123: {  	[spmem:s2] =	stream.indirect.scatter.add.f32 [tilespmem:s12], [sflag:$0x3], $0x40, s28, s20, $0xb8;
	[tilespmem:$0x19000] =	vst v63  }
0x124: {  	_ =	swait.ge [sflag:s22], $0x2000  }
0x125: {  	[sflag:s22] =	ssyncset.done $0x0  }
0x126: {  	[sflag:s22] =	ssyncadd.s32 $0xFFFFE000  }
0x127: {  	[tilespmem:s12], [sflag:$0x1] =	stream.indirect.gather [spmem:s3], $0x40, s29, s20, $0xb8;
	[tilespmem:$0x19000] =	vst v63  }
0x128: {  	_ =	swait.ge [sflag:s23], $0x2000  }
0x129: {  	[sflag:s23] =	ssyncset.done $0x0  }
0x12a: {  	[sflag:s23] =	ssyncadd.s32 $0xFFFFE000  }
0x12b: {  	[spmem:s2] =	stream.indirect.scatter.add.f32 [tilespmem:s21], [sflag:$0x4], $0x40, s30, s20, $0xb8;
	[tilespmem:$0x19000] =	vst v63  }
0x12c: {  	_ =	swait.ge [sflag:s25], $0x2000  }
0x12d: {  	[sflag:s25] =	ssyncset.done $0x0  }
0x12e: {  	[sflag:s25] =	ssyncadd.s32 $0xFFFFE000  }
0x12f: {  	[tilespmem:s21], [sflag:$0x2] =	stream.indirect.gather [spmem:s3], $0x40, s31, s20, $0xb8;
	[tilespmem:$0x19000] =	vst v63  }
0x130: {  	_ =	swait.ge [sflag:s16], $0x2000  }
0x131: {  	[sflag:s16] =	ssyncset.done $0x0  }
0x132: {  	[sflag:s16] =	ssyncadd.s32 $0xFFFFE000  }
0x133: {  	[spmem:s2] =	stream.indirect.scatter.add.f32 [tilespmem:s12], [sflag:$0x3], $0x40, s0, s20, $0xb8;
	[tilespmem:$0x19000] =	vst v63  }
0x134: {  	_ =	swait.ge [sflag:s22], $0x2000  }
0x135: {  	[sflag:s22] =	ssyncset.done $0x0  }
0x136: {  	[sflag:s22] =	ssyncadd.s32 $0xFFFFE000  }
0x137: {  	[tilespmem:s12], [sflag:$0x1] =	stream.indirect.gather [spmem:s3], $0x40, s1, s20, $0xb8;
	[tilespmem:$0x19000] =	vst v63  }
0x138: {  	_ =	swait.ge [sflag:s23], $0x2000  }
0x139: {  	[sflag:s23] =	ssyncset.done $0x0  }
0x13a: {  	[sflag:s23] =	ssyncadd.s32 $0xFFFFE000  }
0x13b: {  	[spmem:s2] =	stream.indirect.scatter.add.f32 [tilespmem:s21], [sflag:$0x4], $0x40, s6, s20, $0xb8;
	[tilespmem:$0x19000] =	vst v63  }
0x13c: {  	_ =	swait.ge [sflag:s25], $0x2000  }
0x13d: {  	[sflag:s25] =	ssyncset.done $0x0  }
0x13e: {  	[sflag:s25] =	ssyncadd.s32 $0xFFFFE000  }
0x13f: {  	[tilespmem:s21], [sflag:$0x2] =	stream.indirect.gather [spmem:s3], $0x40, s7, s20, $0xb8;
	[tilespmem:$0x19000] =	vst v63  }
0x140: {  	_ =	swait.ge [sflag:s16], $0x2000  }
0x141: {  	[sflag:s16] =	ssyncset.done $0x0  }
0x142: {  	[sflag:s16] =	ssyncadd.s32 $0xFFFFE000  }
0x143: {  	[spmem:s2] =	stream.indirect.scatter.add.f32 [tilespmem:s12], [sflag:$0x3], $0x40, s8, s20, $0xb8;
	[tilespmem:$0x19000] =	vst v63  }
0x144: {  	_ =	swait.ge [sflag:s22], $0x2000  }
0x145: {  	[sflag:s22] =	ssyncset.done $0x0  }
0x146: {  	[sflag:s22] =	ssyncadd.s32 $0xFFFFE000  }
0x147: {  	[tilespmem:s12], [sflag:$0x1] =	stream.indirect.gather [spmem:s3], $0x40, s9, s20, $0xb8;
	[tilespmem:$0x19000] =	vst v63  }
0x148: {  	_ =	swait.ge [sflag:s23], $0x2000  }
0x149: {  	[sflag:s23] =	ssyncset.done $0x0  }
0x14a: {  	[sflag:s23] =	ssyncadd.s32 $0xFFFFE000  }
0x14b: {  	[spmem:s2] =	stream.indirect.scatter.add.f32 [tilespmem:s21], [sflag:$0x4], $0x40, s10, s20, $0xb8;
	[tilespmem:$0x19000] =	vst v63  }
0x14c: {  	_ =	swait.ge [sflag:s25], $0x2000  }
0x14d: {  	[sflag:s25] =	ssyncset.done $0x0  }
0x14e: {  	[sflag:s25] =	ssyncadd.s32 $0xFFFFE000  }
0x14f: {  	[tilespmem:s21], [sflag:$0x2] =	stream.indirect.gather [spmem:s3], $0x40, s11, s20, $0xb8;
	[tilespmem:$0x19000] =	vst v63  }
0x150: {  	_ =	swait.ge [sflag:s16], $0x2000  }
0x151: {  	[sflag:s16] =	ssyncset.done $0x0  }
0x152: {  	[sflag:s16] =	ssyncadd.s32 $0xFFFFE000  }
0x153: {  	[spmem:s2] =	stream.indirect.scatter.add.f32 [tilespmem:s12], [sflag:$0x3], $0x40, s17, s20, $0xb8;
	[tilespmem:$0x19000] =	vst v63  }
0x154: {  	_ =	swait.ge [sflag:s23], $0x2000  }
0x155: {  	[sflag:s23] =	ssyncset.done $0x0  }
0x156: {  	p0 =	sne.s32 s14, $0x900;
	[sflag:s23] =	ssyncadd.s32 $0xFFFFE000  }
0x157: {  	[spmem:s2] =	stream.indirect.scatter.add.f32 [tilespmem:s21], [sflag:$0x4], $0x40, s18, s20, $0xb8;
	[tilespmem:$0x19000] =	vst v63  }
.Ltmp1:
0x158: {  	_ =	swait.ge [sflag:s22], $0x2000;
	(pc) =	sbr.rel @p0 .LBB2_4-.Ltmp1, $4  }
0x159: {  	[sflag:s22] =	ssyncset.done $0x0  }
0x15a: {  	[sflag:s22] =	ssyncadd.s32 $0xFFFFE000  }
0x15b: {  	_ =	swait.ge [sflag:s25], $0x2000  }
0x15c: {  	s14 =	sadd.s32 $0x100, s14;
	s5 =	rddreg [dreg:$0x6];
	[sflag:s25] =	ssyncset.done $0x0  }
0x15d: {  	[sflag:s25] =	ssyncadd.s32 $0xFFFFE000;
	s5 =	sadd.s32 s24, s5  }
0x15e: {  	[tilespmem:s4], [sflag:$0x5] =	stream.linear.gather [hbm4b:s5+s4], $0x800, $0x38;
	[tilespmem:$0x19000] =	vst v63  }
0x15f: {  	_ =	swait.ge [sflag:s13], $0x800  }
0x160: {  	s15 =	rddreg [dreg:$0x5];
	[sflag:s13] =	ssyncset.done $0x0  }
0x161: {  	s5 =	sadd.s32 s24, s15;
	[sflag:s13] =	ssyncadd.s32 $0xFFFFF800  }
0x162: {  	[tilespmem:s19], [sflag:$0x5] =	stream.linear.gather [hbm4b:s5+s4], $0x800, $0x38;
	[tilespmem:$0x19000] =	vst v63  }
0x163: {  	_ =	swait.ge [sflag:s13], $0x800  }
0x164: {  	[sflag:s13] =	ssyncset.done $0x0  }
0x165: {  	[sflag:s13] =	ssyncadd.s32 $0xFFFFF800  }
0x166: {  	[tilespmem:s12], [sflag:$0x1] =	stream.indirect.gather [spmem:s3], $0x40, s4, s20, $0xb8;
	[tilespmem:$0x19000] =	vst v63  }
0x167: {  	_ = 	snop  }
0x168: {  	[tilespmem:s21], [sflag:$0x2] =	stream.indirect.gather [spmem:s3], $0x40, s20, s20, $0xb8;
	[tilespmem:$0x19000] =	vst v63  }
0x169: {  	_ =	swait.ge [sflag:s16], $0x2000  }
0x16a: {  	[sflag:s16] =	ssyncset.done $0x0  }
0x16b: {  	[sflag:s16] =	ssyncadd.s32 $0xFFFFE000  }
0x16c: {  	[spmem:s2] =	stream.indirect.scatter.add.f32 [tilespmem:s12], [sflag:$0x3], $0x40, s19, s20, $0xb8;
	[tilespmem:$0x19000] =	vst v63  }
0x16d: {  	_ =	swait.ge [sflag:s22], $0x2000  }
0x16e: {  	[sflag:s22] =	ssyncset.done $0x0  }
0x16f: {  	s24 =	rddreg [dreg:$0x7];
	[sflag:s22] =	ssyncadd.s32 $0xFFFFE000  }
0x170: {  	[tilespmem:s12], [sflag:$0x1] =	stream.indirect.gather [spmem:s3], $0x40, s24, s20, $0xb8;
	[tilespmem:$0x19000] =	vst v63  }
0x171: {  	_ =	swait.ge [sflag:s23], $0x2000  }
0x172: {  	[sflag:s23] =	ssyncset.done $0x0  }
0x173: {  	s14 =	rddreg [dreg:$0x8];
	[sflag:s23] =	ssyncadd.s32 $0xFFFFE000  }
0x174: {  	[spmem:s2] =	stream.indirect.scatter.add.f32 [tilespmem:s21], [sflag:$0x4], $0x40, s14, s20, $0xb8;
	[tilespmem:$0x19000] =	vst v63  }
0x175: {  	_ =	swait.ge [sflag:s25], $0x2000  }
0x176: {  	[sflag:s25] =	ssyncset.done $0x0  }
0x177: {  	s15 =	rddreg [dreg:$0x9];
	[sflag:s25] =	ssyncadd.s32 $0xFFFFE000  }
0x178: {  	[tilespmem:s21], [sflag:$0x2] =	stream.indirect.gather [spmem:s3], $0x40, s15, s20, $0xb8;
	[tilespmem:$0x19000] =	vst v63  }
0x179: {  	_ =	swait.ge [sflag:s16], $0x2000  }
0x17a: {  	[sflag:s16] =	ssyncset.done $0x0  }
0x17b: {  	s24 =	rddreg [dreg:$0xa];
	[sflag:s16] =	ssyncadd.s32 $0xFFFFE000  }
0x17c: {  	[spmem:s2] =	stream.indirect.scatter.add.f32 [tilespmem:s12], [sflag:$0x3], $0x40, s24, s20, $0xb8;
	[tilespmem:$0x19000] =	vst v63  }
0x17d: {  	_ =	swait.ge [sflag:s22], $0x2000  }
0x17e: {  	[sflag:s22] =	ssyncset.done $0x0  }
0x17f: {  	s14 =	rddreg [dreg:$0xb];
	[sflag:s22] =	ssyncadd.s32 $0xFFFFE000  }
0x180: {  	[tilespmem:s12], [sflag:$0x1] =	stream.indirect.gather [spmem:s3], $0x40, s14, s20, $0xb8;
	[tilespmem:$0x19000] =	vst v63  }
0x181: {  	_ =	swait.ge [sflag:s23], $0x2000  }
0x182: {  	[sflag:s23] =	ssyncset.done $0x0  }
0x183: {  	s15 =	rddreg [dreg:$0xc];
	[sflag:s23] =	ssyncadd.s32 $0xFFFFE000  }
0x184: {  	[spmem:s2] =	stream.indirect.scatter.add.f32 [tilespmem:s21], [sflag:$0x4], $0x40, s15, s20, $0xb8;
	[tilespmem:$0x19000] =	vst v63  }
0x185: {  	_ =	swait.ge [sflag:s25], $0x2000  }
0x186: {  	[sflag:s25] =	ssyncset.done $0x0  }
0x187: {  	s24 =	rddreg [dreg:$0xd];
	[sflag:s25] =	ssyncadd.s32 $0xFFFFE000  }
0x188: {  	[tilespmem:s21], [sflag:$0x2] =	stream.indirect.gather [spmem:s3], $0x40, s24, s20, $0xb8;
	[tilespmem:$0x19000] =	vst v63  }
0x189: {  	_ =	swait.ge [sflag:s16], $0x2000  }
0x18a: {  	[sflag:s16] =	ssyncset.done $0x0  }
0x18b: {  	s14 =	rddreg [dreg:$0xe];
	[sflag:s16] =	ssyncadd.s32 $0xFFFFE000  }
0x18c: {  	[spmem:s2] =	stream.indirect.scatter.add.f32 [tilespmem:s12], [sflag:$0x3], $0x40, s14, s20, $0xb8;
	[tilespmem:$0x19000] =	vst v63  }
0x18d: {  	_ =	swait.ge [sflag:s22], $0x2000  }
0x18e: {  	[sflag:s22] =	ssyncset.done $0x0  }
0x18f: {  	s15 =	rddreg [dreg:$0xf];
	[sflag:s22] =	ssyncadd.s32 $0xFFFFE000  }
0x190: {  	[tilespmem:s12], [sflag:$0x1] =	stream.indirect.gather [spmem:s3], $0x40, s15, s20, $0xb8;
	[tilespmem:$0x19000] =	vst v63  }
0x191: {  	_ =	swait.ge [sflag:s23], $0x2000  }
0x192: {  	[sflag:s23] =	ssyncset.done $0x0  }
0x193: {  	s24 =	rddreg [dreg:$0x10];
	[sflag:s23] =	ssyncadd.s32 $0xFFFFE000  }
0x194: {  	[spmem:s2] =	stream.indirect.scatter.add.f32 [tilespmem:s21], [sflag:$0x4], $0x40, s24, s20, $0xb8;
	[tilespmem:$0x19000] =	vst v63  }
0x195: {  	_ =	swait.ge [sflag:s25], $0x2000  }
0x196: {  	[sflag:s25] =	ssyncset.done $0x0  }
0x197: {  	s14 =	rddreg [dreg:$0x11];
	[sflag:s25] =	ssyncadd.s32 $0xFFFFE000  }
0x198: {  	[tilespmem:s21], [sflag:$0x2] =	stream.indirect.gather [spmem:s3], $0x40, s14, s20, $0xb8;
	[tilespmem:$0x19000] =	vst v63  }
0x199: {  	_ =	swait.ge [sflag:s16], $0x2000  }
0x19a: {  	[sflag:s16] =	ssyncset.done $0x0  }
0x19b: {  	s15 =	rddreg [dreg:$0x12];
	[sflag:s16] =	ssyncadd.s32 $0xFFFFE000  }
0x19c: {  	[spmem:s2] =	stream.indirect.scatter.add.f32 [tilespmem:s12], [sflag:$0x3], $0x40, s15, s20, $0xb8;
	[tilespmem:$0x19000] =	vst v63  }
0x19d: {  	_ =	swait.ge [sflag:s22], $0x2000  }
0x19e: {  	[sflag:s22] =	ssyncset.done $0x0  }
0x19f: {  	s24 =	rddreg [dreg:$0x13];
	[sflag:s22] =	ssyncadd.s32 $0xFFFFE000  }
0x1a0: {  	[tilespmem:s12], [sflag:$0x1] =	stream.indirect.gather [spmem:s3], $0x40, s24, s20, $0xb8;
	[tilespmem:$0x19000] =	vst v63  }
0x1a1: {  	_ =	swait.ge [sflag:s23], $0x2000  }
0x1a2: {  	[sflag:s23] =	ssyncset.done $0x0  }
0x1a3: {  	s14 =	rddreg [dreg:$0x14];
	[sflag:s23] =	ssyncadd.s32 $0xFFFFE000  }
0x1a4: {  	[spmem:s2] =	stream.indirect.scatter.add.f32 [tilespmem:s21], [sflag:$0x4], $0x40, s14, s20, $0xb8;
	[tilespmem:$0x19000] =	vst v63  }
0x1a5: {  	_ =	swait.ge [sflag:s25], $0x2000  }
0x1a6: {  	[sflag:s25] =	ssyncset.done $0x0  }
0x1a7: {  	[sflag:s25] =	ssyncadd.s32 $0xFFFFE000  }
0x1a8: {  	[tilespmem:s21], [sflag:$0x2] =	stream.indirect.gather [spmem:s3], $0x40, s26, s20, $0xb8;
	[tilespmem:$0x19000] =	vst v63  }
0x1a9: {  	_ =	swait.ge [sflag:s16], $0x2000  }
0x1aa: {  	[sflag:s16] =	ssyncset.done $0x0  }
0x1ab: {  	[sflag:s16] =	ssyncadd.s32 $0xFFFFE000  }
0x1ac: {  	[spmem:s2] =	stream.indirect.scatter.add.f32 [tilespmem:s12], [sflag:$0x3], $0x40, s28, s20, $0xb8;
	[tilespmem:$0x19000] =	vst v63  }
0x1ad: {  	_ =	swait.ge [sflag:s22], $0x2000  }
0x1ae: {  	[sflag:s22] =	ssyncset.done $0x0  }
0x1af: {  	[sflag:s22] =	ssyncadd.s32 $0xFFFFE000  }
0x1b0: {  	[tilespmem:s12], [sflag:$0x1] =	stream.indirect.gather [spmem:s3], $0x40, s29, s20, $0xb8;
	[tilespmem:$0x19000] =	vst v63  }
0x1b1: {  	_ =	swait.ge [sflag:s23], $0x2000  }
0x1b2: {  	[sflag:s23] =	ssyncset.done $0x0  }
0x1b3: {  	[sflag:s23] =	ssyncadd.s32 $0xFFFFE000  }
0x1b4: {  	[spmem:s2] =	stream.indirect.scatter.add.f32 [tilespmem:s21], [sflag:$0x4], $0x40, s30, s20, $0xb8;
	[tilespmem:$0x19000] =	vst v63  }
0x1b5: {  	_ =	swait.ge [sflag:s25], $0x2000  }
0x1b6: {  	[sflag:s25] =	ssyncset.done $0x0  }
0x1b7: {  	[sflag:s25] =	ssyncadd.s32 $0xFFFFE000  }
0x1b8: {  	[tilespmem:s21], [sflag:$0x2] =	stream.indirect.gather [spmem:s3], $0x40, s31, s20, $0xb8;
	[tilespmem:$0x19000] =	vst v63  }
0x1b9: {  	_ =	swait.ge [sflag:s16], $0x2000  }
0x1ba: {  	[sflag:s16] =	ssyncset.done $0x0  }
0x1bb: {  	[sflag:s16] =	ssyncadd.s32 $0xFFFFE000  }
0x1bc: {  	[spmem:s2] =	stream.indirect.scatter.add.f32 [tilespmem:s12], [sflag:$0x3], $0x40, s0, s20, $0xb8;
	[tilespmem:$0x19000] =	vst v63  }
0x1bd: {  	_ =	swait.ge [sflag:s22], $0x2000  }
0x1be: {  	[sflag:s22] =	ssyncset.done $0x0  }
0x1bf: {  	[sflag:s22] =	ssyncadd.s32 $0xFFFFE000  }
0x1c0: {  	[tilespmem:s12], [sflag:$0x1] =	stream.indirect.gather [spmem:s3], $0x40, s1, s20, $0xb8;
	[tilespmem:$0x19000] =	vst v63  }
0x1c1: {  	_ =	swait.ge [sflag:s23], $0x2000  }
0x1c2: {  	[sflag:s23] =	ssyncset.done $0x0  }
0x1c3: {  	[sflag:s23] =	ssyncadd.s32 $0xFFFFE000  }
0x1c4: {  	[spmem:s2] =	stream.indirect.scatter.add.f32 [tilespmem:s21], [sflag:$0x4], $0x40, s6, s20, $0xb8;
	[tilespmem:$0x19000] =	vst v63  }
0x1c5: {  	_ =	swait.ge [sflag:s25], $0x2000  }
0x1c6: {  	[sflag:s25] =	ssyncset.done $0x0  }
0x1c7: {  	[sflag:s25] =	ssyncadd.s32 $0xFFFFE000  }
0x1c8: {  	[tilespmem:s21], [sflag:$0x2] =	stream.indirect.gather [spmem:s3], $0x40, s7, s20, $0xb8;
	[tilespmem:$0x19000] =	vst v63  }
0x1c9: {  	_ =	swait.ge [sflag:s16], $0x2000  }
0x1ca: {  	[sflag:s16] =	ssyncset.done $0x0  }
0x1cb: {  	[sflag:s16] =	ssyncadd.s32 $0xFFFFE000  }
0x1cc: {  	[spmem:s2] =	stream.indirect.scatter.add.f32 [tilespmem:s12], [sflag:$0x3], $0x40, s8, s20, $0xb8;
	[tilespmem:$0x19000] =	vst v63  }
0x1cd: {  	_ =	swait.ge [sflag:s22], $0x2000  }
0x1ce: {  	[sflag:s22] =	ssyncset.done $0x0  }
0x1cf: {  	[sflag:s22] =	ssyncadd.s32 $0xFFFFE000  }
0x1d0: {  	[tilespmem:s12], [sflag:$0x1] =	stream.indirect.gather [spmem:s3], $0x40, s9, s20, $0xb8;
	[tilespmem:$0x19000] =	vst v63  }
0x1d1: {  	_ =	swait.ge [sflag:s23], $0x2000  }
0x1d2: {  	[sflag:s23] =	ssyncset.done $0x0  }
0x1d3: {  	[sflag:s23] =	ssyncadd.s32 $0xFFFFE000  }
0x1d4: {  	[spmem:s2] =	stream.indirect.scatter.add.f32 [tilespmem:s21], [sflag:$0x4], $0x40, s10, s20, $0xb8;
	[tilespmem:$0x19000] =	vst v63  }
0x1d5: {  	_ =	swait.ge [sflag:s25], $0x2000  }
0x1d6: {  	[sflag:s25] =	ssyncset.done $0x0  }
0x1d7: {  	[sflag:s25] =	ssyncadd.s32 $0xFFFFE000  }
0x1d8: {  	[tilespmem:s21], [sflag:$0x2] =	stream.indirect.gather [spmem:s3], $0x40, s11, s20, $0xb8;
	[tilespmem:$0x19000] =	vst v63  }
0x1d9: {  	_ =	swait.ge [sflag:s16], $0x2000  }
0x1da: {  	[sflag:s16] =	ssyncset.done $0x0  }
0x1db: {  	[sflag:s16] =	ssyncadd.s32 $0xFFFFE000  }
0x1dc: {  	[spmem:s2] =	stream.indirect.scatter.add.f32 [tilespmem:s12], [sflag:$0x3], $0x40, s17, s20, $0xb8;
	[tilespmem:$0x19000] =	vst v63  }
0x1dd: {  	_ =	swait.ge [sflag:s23], $0x2000  }
0x1de: {  	[sflag:s23] =	ssyncset.done $0x0  }
0x1df: {  	[sflag:s23] =	ssyncadd.s32 $0xFFFFE000  }
0x1e0: {  	[spmem:s2] =	stream.indirect.scatter.add.f32 [tilespmem:s21], [sflag:$0x4], $0x40, s18, s20, $0xb8;
	[tilespmem:$0x19000] =	vst v63  }
0x1e1: {  	_ =	swait.ge [sflag:s22], $0x2000  }
0x1e2: {  	[sflag:s22] =	ssyncset.done $0x0  }
0x1e3: {  	[sflag:s22] =	ssyncadd.s32 $0xFFFFE000  }
0x1e4: {  	_ =	swait.ge [sflag:s25], $0x2000  }
0x1e5: {  	[sflag:s25] =	ssyncset.done $0x0  }
0x1e6: {  	[sflag:s25] =	ssyncadd.s32 $0xFFFFE000  }
0x1e7: {  	[bflag:$0x0] =	sbarrier.arrive $0xFFFF  }
0x1e8: {  	s15 =	rddreg [dreg:$0x15]  }
0x1e9: {  	s24 =	simm.s32 $0x8;
	s14 =	rddreg [dreg:$0x1c]  }
0x1ea: {  	s26 =	simm.s32 $0x10;
	s5 =	sshrl.u32 s15, $0x3;
	s15 =	rddreg [dreg:$0x1e]  }
0x1eb: {  	[hbm:s15@s26], [sflag:s14] =	dma.strided [spmem:s5@s24], $0x1400, s16, $0x8   }
0x1ec: {  	_ =	swait.ge [sflag:s13], $0x1400  }
0x1ed: {  	s24 =	rddreg [dreg:$0x1f]  }
0x1ee: {  	s26 =	rddreg [dreg:$0x16];
	s14 =	sadd.s32 $0x1, s24  }
0x1ef: {  	p0 =	sne.s32 s14, s26  }
.Ltmp2:
0x1f0: {  	_ = 	snop;
	(pc) =	sbr.rel @p0 .LBB2_1-.Ltmp2, $3  }
0x1f1: {  	_ =	sdelay $0x1  }
0x1f2: {  	[sflag:s13] =	ssyncset.done $0x0  }
0x1f3: {  	[sflag:s13] =	ssyncadd.s32 $0xFFFFEC00  }
0x1f4: {  	_ =	sfence.sel $0x180000  }
0x1f5: {  	[bflag:$0x0] =	sbarrier.arrive $0xFFFF  }
0x1f6: {  	_ =	strace $0x9000004A  }
0x1f7: {  	s0 =	stileid.u32;
	[bflag:$0x2] =	sbarrier.arrive $0xFFFF  }
0x1f8: {  	p0 =	sne.s32 s0, $0x0;
	s0 =	rddreg [dreg:$0x4]  }
0x1f9: {  	s0 =	sadd.s32 @!p0 $0x100000, s0  }
0x1fa: {  	[sflag:s0] =	ssyncadd.tile.s32 @!p0 $0x1;
	_ =	shalt  }
.Lfunc_end2:
_tile_overlayer_lowered:
.L_overlay_start_2:
0x1fb: {  	(tag) =	ssettag $0x2  }
0x1fc: {  	s0 =	rddreg [dreg:$0x0];
	s2 =	stileid.u32  }
0x1fd: {  	s1 =	rddreg [dreg:$0x1];
	p0 =	sne.s32 s2, $0x0  }
0x1fe: {  	s3 =	rddreg [dreg:$0x2];
	[bflag:$0x3] =	sbarrier.arrive $0xFFFF;
	s2 =	simm.s32 @!p0 $0x1C05  }
0x1ff: {  	[timem:s3], [sflag:s2] =	dma.local @!p0 [hbm:s0], s1  }
0x200: {  	s0 =	simm.s32 @!p0 $0x5  }
0x201: {  	_ =	swait.ge @!p0 [sflag:s0], s1  }
0x202: {  	s1 =	ssub.s32 @!p0 $0x0, s1;
	[sflag:s0] =	ssyncset.done @!p0 $0x0  }
0x203: {  	[sflag:s0] =	ssyncadd.s32 @!p0 s1  }
0x204: {  	[bflag:$0x3] =	sbarrier.arrive $0xFFFF  }
0x205: {  	_ =	shalt  }

// kernel: kernel.14.cloned.1.call-start
scs
__scs_entry_jumppad:
0x0: {  	(pc) =	sbr.rel $0x88, $3  }
0x1: {  	(tag) =	ssettag $0x0;
	lr =	simm.s32 $0x1  }
0x2: {  	[smem:$0x3F9B] =	sst lr;
	_ =	strace $0xD0000000  }
0x3: {  	_ = 	snop  }
0x4: {  	_ = 	snop  }
0x5: {  	_ = 	snop  }
0x6: {  	_ = 	snop  }
0x7: {  	_ = 	snop  }
__scs_overlays_trampoline_lowered:
0x8: {  	[smem:$0x3FAA] =	sst s0  }
0x9: {  	[smem:$0x3FAB] =	sst s1  }
0xa: {  	[smem:$0x3FAC] =	sst s2  }
0xb: {  	[smem:$0x3FAD] =	sst s3  }
0xc: {  	[smem:$0x3FAE] =	sst s4  }
0xd: {  	[smem:$0x3FAF] =	sst s5  }
0xe: {  	[smem:$0x3FB0] =	sst s6  }
0xf: {  	[smem:$0x3FB1] =	sst s7  }
0x10: {  	[smem:$0x3FB2] =	sst s8  }
0x11: {  	[smem:$0x3FB3] =	sst s9;
	s0 =	simm.s32 @!p0 $0x0  }
0x12: {  	s1 =	sld [smem:$0x3F99];
	s0 =	simm.s32 @p0 $0x1  }
0x13: {  	[smem:$0x3FB4] =	sst s0;
	s0 =	simm.s32 @!p1 $0x0  }
0x14: {  	s2 =	sld [smem:$0x3F98];
	s0 =	simm.s32 @p1 $0x1  }
0x15: {  	[smem:$0x3FB5] =	sst s0;
	s0 =	simm.s32 @!p2 $0x0  }
0x16: {  	s3 =	sld [smem:$0x3FDB];
	s0 =	simm.s32 @p2 $0x1  }
0x17: {  	s4 =	simm.s32 $0x1BF5;
	[smem:$0x3FB7] =	sst s0  }
0x18: {  	s0 =	sld [smem:$0x3F9A];
	_ =	swait.ge [sflag:s4], $0x0  }
0x19: {  	s7 =	sld [smem:$0x3F9B]  }
0x1a: {  	s8 =	sadd.s32 $0xFFFFE003, lr  }
0x1b: {  	s9 =	sadd.s32 $0xFFFFFEF7, lr;
	s5 =	simm.s32 $0xFFFFFFFF;
	p2 =	slt.u32 s8, $0xFFFFF086  }
0x1c: {  	p1 =	slt.u32 s9, $0xF7A;
	s5 =	simm.s32 @!p2 $0x0  }
0x1d: {  	s5 =	simm.s32 @p1 $0x1;
	p0 =	seq.s32 s7, s2  }
0x1e: {  	s7 =	smul.u32 @!p0 $0xF7A, s2;
	p2 =	seq.s32 @!p0 s5, $0x0  }
0x1f: {  	s9 =	smul.u32 $0xF7A, s1;
	s8 =	simm.s32 @!p0 $0x1BF5;
	p2 =	por !p2, p0  }
0x20: {  	[sflag:s8] =	ssyncset.s32 @!p0 $0xFFFFF086;
	s6 =	sadd.s32 @!p0 s3, s7;
	s7 =	simm.s32 @!p0 $0x108  }
0x21: {  	s3 =	sadd.s32 s3, s9;
	s6 =	sadd.s32 @!p0 $0x88, s6;
	s7 =	simm.s32 @p2 $0x1082  }
0x22: {  	[simem:s7], [sflag:s8] =	dma.local @!p0 [hbm:s6], $0xF7A  }
0x23: {  	s9 =	sor.u32 $0xD0000000, s2;
	s6 =	simm.s32 $0x108;
	_ =	swait.ge @!p0 [sflag:s8], $0x0  }
0x24: {  	s3 =	sadd.s32 $0x88, s3;
	s6 =	simm.s32 @!p1 $0x1082;
	[sflag:s4] =	ssyncset.s32 $0xFFFFF086  }
0x25: {  	[simem:s6], [sflag:s4] =	dma.local [hbm:s3], $0xF7A  }
0x26: {  	[smem:$0x3F9B] =	sst s1;
	(tag) =	ssettag s2;
	_ =	strace s9  }
0x27: {  	s1 =	sld [smem:$0x3FAB]  }
0x28: {  	s2 =	sld [smem:$0x3FAC]  }
0x29: {  	s4 =	sld [smem:$0x3FAE]  }
0x2a: {  	p0 =	seq.s32 s5, $0x0;
	s5 =	sld [smem:$0x3FAF]  }
0x2b: {  	s6 =	sld [smem:$0x3FB0]  }
0x2c: {  	s7 =	sld [smem:$0x3FB1]  }
0x2d: {  	s3 =	simm.s32 $0x108;
	s8 =	sld [smem:$0x3FB2]  }
0x2e: {  	s3 =	simm.s32 @!p0 $0x1082;
	s9 =	sld [smem:$0x3FB3]  }
0x2f: {  	lr =	sadd.s32 s0, s3;
	s0 =	sld [smem:$0x3FAA]  }
0x30: {  	s3 =	sld [smem:$0x3FAD]  }
0x31: {  	[smem:$0x3FB6] =	sst s10  }
0x32: {  	s10 =	sld [smem:$0x3FB4];
	_ =	sdelay $0x3  }
0x33: {  	p0 =	seq.s32 s10, $0x1;
	s10 =	sld [smem:$0x3FB6];
	_ =	sdelay $0x3  }
0x34: {  	[smem:$0x3FB6] =	sst s10  }
0x35: {  	s10 =	sld [smem:$0x3FB5];
	_ =	sdelay $0x3  }
0x36: {  	p1 =	seq.s32 s10, $0x1;
	s10 =	sld [smem:$0x3FB6];
	_ =	sdelay $0x3  }
0x37: {  	[smem:$0x3FB6] =	sst s10  }
0x38: {  	s10 =	sld [smem:$0x3FB7]  }
0x39: {  	_ = 	snop;
	(pc) =	sbr.ind lr, $3  }
0x3a: {  	_ = 	snop  }
0x3b: {  	_ = 	snop  }
0x3c: {  	p2 =	seq.s32 s10, $0x1;
	s10 =	sld [smem:$0x3FB6]  }
0x3d: {  	_ =	shalt  }
0x3e: {  	_ =	shalt  }
0x3f: {  	_ =	shalt  }
0x40: {  	_ =	shalt  }
0x41: {  	_ =	shalt  }
0x42: {  	_ =	shalt  }
0x43: {  	_ =	shalt  }
0x44: {  	_ =	shalt  }
0x45: {  	_ =	shalt  }
0x46: {  	_ =	shalt  }
0x47: {  	_ =	shalt  }
0x48: {  	_ =	shalt  }
0x49: {  	_ =	shalt  }
0x4a: {  	_ =	shalt  }
0x4b: {  	_ =	shalt  }
0x4c: {  	_ =	shalt  }
0x4d: {  	_ =	shalt  }
0x4e: {  	_ =	shalt  }
0x4f: {  	_ =	shalt  }
0x50: {  	_ =	shalt  }
0x51: {  	_ =	shalt  }
0x52: {  	_ =	shalt  }
0x53: {  	_ =	shalt  }
0x54: {  	_ =	shalt  }
0x55: {  	_ =	shalt  }
0x56: {  	_ =	shalt  }
0x57: {  	_ =	shalt  }
0x58: {  	_ =	shalt  }
0x59: {  	_ =	shalt  }
0x5a: {  	_ =	shalt  }
0x5b: {  	_ =	shalt  }
0x5c: {  	_ =	shalt  }
0x5d: {  	_ =	shalt  }
0x5e: {  	_ =	shalt  }
0x5f: {  	_ =	shalt  }
0x60: {  	_ =	shalt  }
0x61: {  	_ =	shalt  }
0x62: {  	_ =	shalt  }
0x63: {  	_ =	shalt  }
0x64: {  	_ =	shalt  }
0x65: {  	_ =	shalt  }
0x66: {  	_ =	shalt  }
0x67: {  	_ =	shalt  }
0x68: {  	_ =	shalt  }
0x69: {  	_ =	shalt  }
0x6a: {  	_ =	shalt  }
0x6b: {  	_ =	shalt  }
0x6c: {  	_ =	shalt  }
0x6d: {  	_ =	shalt  }
0x6e: {  	_ =	shalt  }
0x6f: {  	_ =	shalt  }
0x70: {  	_ =	shalt  }
0x71: {  	_ =	shalt  }
0x72: {  	_ =	shalt  }
0x73: {  	_ =	shalt  }
0x74: {  	_ =	shalt  }
0x75: {  	_ =	shalt  }
0x76: {  	_ =	shalt  }
0x77: {  	_ =	shalt  }
0x78: {  	_ =	shalt  }
0x79: {  	_ =	shalt  }
0x7a: {  	_ =	shalt  }
0x7b: {  	_ =	shalt  }
0x7c: {  	_ =	shalt  }
0x7d: {  	_ =	shalt  }
0x7e: {  	_ =	shalt  }
0x7f: {  	_ =	shalt  }
0x80: {  	_ =	shalt  }
0x81: {  	_ =	shalt  }
0x82: {  	_ =	shalt  }
0x83: {  	_ =	shalt  }
0x84: {  	_ =	shalt  }
0x85: {  	_ =	shalt  }
0x86: {  	_ =	shalt  }
0x87: {  	_ =	shalt  }
.Lfunc_end0:
.L_simem_size_0:
called_computation.2_lowered:
.L_overlay_start_0:
0x88: {  	s2 =	sld [smem:$0x3FD9]  }
0x89: {  	s3 =	sld [smem:$0x3FFE];
	_ =	sdelay $0x1  }
0x8a: {  	s1 =	srdreg.scid  }
0x8b: {  	s0 =	sand.u32 $0x1, s1  }
0x8c: {  	s17 =	sshll.u32 s0, $0xA;
	s2 =	sadd.s32 s3, s2  }
0x8d: {  	s2 =	sadd.s32 s2, s17  }
0x8e: {  	[smem:$0x3FC2] =	sst s2  }
0x8f: {  	_ = 	snop  }
0x90: {  	s2 =	sld [smem:$0x3FD0];
	(tm) =	ssettm $0x1  }
0x91: {  	s18 =	sld [smem:$0x3FFB];
	_ =	sdelay $0x3  }
0x92: {  	_ =	strace s18  }
0x93: {  	s3 =	sld [smem:$0x3FFC];
	_ =	sdelay $0x3  }
0x94: {  	_ =	strace s3  }
0x95: {  	s3 =	sld [smem:$0x3FFD];
	_ =	sdelay $0x3  }
0x96: {  	_ =	strace s3  }
0x97: {  	_ =	strace $0x8FFFFFFF  }
0x98: {  	s19 =	sld [smem:$0x3FDB];
	_ =	sdelay $0x1  }
0x99: {  	s4 =	simm.s32 $_scs_section_size  }
0x9a: {  	s5 =	simm.s32 $_size__tile_overlayer_lowered;
	s6 =	simm.s32 $_tile_overlayer_lowered  }
0x9b: {  	s22 =	simm.s32 $0x1BFF;
	s21 =	sshll.u32 s6, $0x1;
	s3 =	sadd.s32 s4, s19  }
0x9c: {  	s7 =	simm.s32 $0x0;
	s20 =	sshll.u32 s5, $0x1;
	s5 =	sadd.s32 s21, s3  }
0x9d: {  	[timem:s7], [sflag:s22] =	dma.local [hbm:s5], s20  }
0x9e: {  	_ =	swait.ge [sflag:s22], s20  }
0x9f: {  	s4 =	ssub.s32 $0x0, s20;
	[sflag:s22] =	ssyncset.done $0x0  }
0xa0: {  	[sflag:s22] =	ssyncadd.s32 s4;
	_ =	sdelay $0x1  }
0xa1: {  	s23 =	simm.s32 $0x1B8B  }
0xa2: {  	_ =	swait.ge [sflag:s23], $0x1  }
0xa3: {  	[sflag:s23] =	ssyncset.done $0x0  }
0xa4: {  	s25 =	simm.s32 $0x1B8E;
	s24 =	sld [smem:$0x3FFE];
	[sflag:s23] =	ssyncadd.s32 $0xFFFFFFFF  }
0xa5: {  	s26 =	simm.s32 $execute0_lowered;
	[smem:$0x3FD2] =	sst s25  }
0xa6: {  	s5 =	sshll.u32 s26, $0x1;
	_ =	strace $0x8000004C;
	[dreg:$0x1] =	wrdreg $0xFFFFFFFF  }
0xa7: {  	s28 =	simm.s32 $_size_execute0_lowered;
	s3 =	sadd.s32 s3, s5;
	[dreg:$0x0] =	wrdreg $0x0  }
0xa8: {  	s5 =	sshll.u32 s28, $0x1;
	[dreg:$0x2] =	wrdreg s3  }
0xa9: {  	[dreg:$0x3] =	wrdreg s5  }
0xaa: {  	[dreg:$0x4] =	wrdreg $0xC0  }
0xab: {  	_ =	task [dreg:s7], $0x5FFFF  }
0xac: {  	[dreg:$0x1] =	wrdreg $0xFFFFFFFF  }
0xad: {  	[dreg:$0x0] =	wrdreg $0x60  }
0xae: {  	[dreg:$0x2] =	wrdreg s24  }
0xaf: {  	[dreg:$0x3] =	wrdreg s2  }
0xb0: {  	[dreg:$0x4] =	wrdreg $0xB8000  }
0xb1: {  	[dreg:$0x5] =	wrdreg $0x40000  }
0xb2: {  	[dreg:$0x6] =	wrdreg $0x9  }
0xb3: {  	_ =	task.clear_ibuf [dreg:s7], $0x7FFFF;
	_ =	strace $0x9000004C  }
0xb4: {  	s29 =	simm.s32 $0x9;
	_ =	strace $0x8000004E  }
0xb5: {  	_ =	swait.ge [sflag:s29], $0x1  }
0xb6: {  	[sflag:s29] =	ssyncadd.s32 $0xFFFFFFFF  }
0xb7: {  	_ =	strace $0x9000004E  }
0xb8: {  	_ =	sfence  }
0xb9: {  	s30 =	sld [smem:$0x0];
	_ =	sdelay $0x2  }
0xba: {  	s31 =	sshll.u32 s1, $0xD;
	s1 =	sshrl.u32 s1, $0x2  }
0xbb: {  	s3 =	sand.u32 $0x4000, s31;
	s1 =	sadd.s32 s1, s30  }
0xbc: {  	s0 =	sor.u32 s3, s0;
	s1 =	sshll.u32 s1, $0x11  }
0xbd: {  	s0 =	sor.u32 s1, s0  }
0xbe: {  	s0 =	sadd.s32 $0x8F2B, s0  }
0xbf: {  	[sflag:s0] =	ssyncadd.remote.s32 $0x1  }
0xc0: {  	_ =	sfence.sel $0xFFFF  }
0xc1: {  	[dreg:$0x0] =	wrdreg $0xFFFFFFFF;
	(pc) =	sbr.abs _section_cstart, $3  }
0xc2: {  	[dreg:$0x1] =	wrdreg $0xFFFFFFFF  }
0xc3: {  	_ =	task.clear_ibuf [dreg:s7], $0x2FFFF;
	_ =	strace $0x9FFFFFFF  }
0xc4: {  	(tm) =	ssettm $0x7FFFFFFF  }
0xc5: {  	_ =	shalt  }
tec
execute0_lowered:
.L_overlay_start_1:
0x0: {  	(tag) =	ssettag $0x1  }
0x1: {  	s1 =	rddreg [dreg:$0x0]  }
0x2: {  	s5 =	rddreg [dreg:$0x1]  }
0x3: {  	s2 =	rddreg [dreg:$0x2];
	s12 =	stileid.u32  }
0x4: {  	s4 =	srdreg.scid;
	s3 =	rddreg [dreg:$0x3]  }
0x5: {  	s26 =	simm.s32 $0x100;
	s13 =	simm.s32 $0x180;
	s14 =	simm.s32 $0x900  }
0x6: {  	s15 =	simm.s32 $0x200;
	s16 =	simm.s32 $0x980;
	s18 =	simm.s32 $0x280  }
0x7: {  	s19 =	simm.s32 $0xA00;
	s6 =	sand.u32 $0x1, s4;
	s4 =	simm.s32 $0x0  }
0x8: {  	s20 =	simm.s32 $0x300;
	s28 =	simm.s32 $0xC00;
	[smem:$0x7FF] =	sst s4  }
0x9: {  	s0 =	smul.u32 $0x2800, s12;
	_ =	strace $0x8000004D;
	[dreg:$0x7] =	wrdreg s26  }
0xa: {  	s29 =	simm.s32 $0x500;
	s10 =	smul.u32 $0x7800, s12;
	[dreg:$0x9] =	wrdreg s13  }
0xb: {  	s30 =	simm.s32 $0xC80;
	s12 =	smul.u32 $0x1E000, s12;
	[dreg:$0xa] =	wrdreg s14  }
0xc: {  	s31 =	simm.s32 $0x580;
	s7 =	smul.u32 $0x28000, s6;
	[dreg:$0xb] =	wrdreg s15  }
0xd: {  	s6 =	ssub.s32 $0x2, s6;
	s8 =	sadd.s32 s0, s1;
	[dreg:$0xc] =	wrdreg s16  }
0xe: {  	s21 =	sshrl.u32 s6, $0x1;
	s22 =	sadd.s32 s10, s3;
	[dreg:$0xd] =	wrdreg s18  }
0xf: {  	s23 =	sshrl.u32 s12, $0x2;
	s13 =	simm.s32 $0x5;
	[dreg:$0xe] =	wrdreg s19  }
0x10: {  	s15 =	simm.s32 $0x1;
	[dreg:$0xf] =	wrdreg s20;
	s18 =	simm.s32 $0x800  }
0x11: {  	s19 =	simm.s32 $0x80;
	s20 =	simm.s32 $0x2800;
	s8 =	sadd.s32 $0xC800, s8  }
0x12: {  	s16 =	simm.s32 $0xF00;
	s17 =	sshrl.u32 s22, $0x3;
	[dreg:$0x15] =	wrdreg s8  }
0x13: {  	s6 =	ssub.s32 s6, s21;
	s21 =	simm.s32 $0xA80;
	[dreg:$0x1c] =	wrdreg s17  }
0x14: {  	s9 =	sadd.s32 s0, s7;
	s22 =	simm.s32 $0x380;
	[dreg:$0x10] =	wrdreg s21  }
0x15: {  	s9 =	sshrl.u32 s9, $0x3;
	s6 =	smax.u32 s6, $0x1;
	[dreg:$0x11] =	wrdreg s22  }
0x16: {  	s14 =	simm.s32 $0x0;
	[dreg:$0x16] =	wrdreg s6;
	s5 =	sadd.s32 s9, s5  }
0x17: {  	s8 =	sadd.s32 s10, s2;
	s6 =	sadd.s32 s23, s2;
	[dreg:$0x5] =	wrdreg s5  }
0x18: {  	s21 =	simm.s32 $0x3;
	s23 =	simm.s32 $0xB00;
	[dreg:$0x17] =	wrdreg s6  }
0x19: {  	s22 =	simm.s32 $0x2;
	s26 =	sshrl.u32 s8, $0x3;
	[dreg:$0x12] =	wrdreg s23  }
0x1a: {  	s11 =	sadd.s32 s9, s1;
	s25 =	sadd.s32 $0x1800, s6;
	[dreg:$0x1e] =	wrdreg s26  }
0x1b: {  	s17 =	simm.s32 $0xF80;
	s24 =	sadd.s32 $0x2800, s11;
	[dreg:$0x18] =	wrdreg s25  }
0x1c: {  	s1 =	sadd.s32 s7, s1;
	s10 =	sadd.s32 $0x3000, s6;
	[dreg:$0x6] =	wrdreg s24  }
0x1d: {  	s8 =	simm.s32 $0xE00;
	s12 =	sadd.s32 $0x4800, s6;
	[dreg:$0x19] =	wrdreg s10  }
0x1e: {  	s9 =	simm.s32 $0x700;
	s11 =	simm.s32 $0x880;
	[dreg:$0x1a] =	wrdreg s12  }
0x1f: {  	s1 =	sadd.s32 $0x34800, s1;
	s6 =	sadd.s32 $0x6000, s6;
	[dreg:$0x8] =	wrdreg s11  }
0x20: {  	s5 =	simm.s32 $0xD80;
	[dreg:$0x1b] =	wrdreg s6;
	s12 =	simm.s32 $0x1000  }
0x21: {  	s24 =	simm.s32 $0x400;
	s25 =	simm.s32 $0xB80;
	s0 =	sadd.s32 s0, s1  }
0x22: {  	s1 =	simm.s32 $0xD00;
	s6 =	simm.s32 $0x680;
	[dreg:$0x13] =	wrdreg s24  }
0x23: {  	s10 =	simm.s32 $0xE80;
	s11 =	simm.s32 $0x780;
	[dreg:$0x14] =	wrdreg s25  }
0x24: {  	v0 =	vimm.f32 $0.0e+00;
	[dreg:$0x1d] =	wrdreg s0;
	s24 =	simm.s32 $0x4;
	s0 =	simm.s32 $0x600  }
.LBB2_1:
0x25: {  	[dreg:$0x1f] =	wrdreg s14;
	s7 =	simm.s32 $0xC0;
	s23 =	simm.s32 $0x0  }
.LBB2_2:
0x26: {  	p0 =	sne.s32 s7, $0x5F40;
	[tilespmem:s23+$0x1020] =	vst v0;
	s25 =	smov.u32 s7;
	s7 =	sadd.s32 $0xC0, s7  }
.Ltmp0:
0x27: {  	[tilespmem:s23+$0x1000] =	vst v0;
	(pc) =	sbr.rel @p0 .LBB2_2-.Ltmp0, $2  }
0x28: {  	[tilespmem:s23+$0x1010] =	vst v0;
	_ =	sdelay $0x2  }
0x29: {  	s23 =	sshra.s32 s25, $0x2  }
0x2a: {  	[tilespmem:s23+$0x1020] =	vst v0  }
0x2b: {  	[tilespmem:s23+$0x1000] =	vst v0  }
0x2c: {  	[tilespmem:s23+$0x1010] =	vst v0;
	s7 =	rddreg [dreg:$0x17]  }
0x2d: {  	[spmem:s7] =	stream.linear.scatter [tilespmem:s12], [sflag:$0x5], $0x1800, $0x38;
	[tilespmem:$0x13000] =	vst v63  }
0x2e: {  	_ =	swait.ge [sflag:s13], $0x1800  }
0x2f: {  	[sflag:s13] =	ssyncset.done $0x0  }
0x30: {  	s26 =	rddreg [dreg:$0x18];
	[sflag:s13] =	ssyncadd.s32 $0xFFFFE800  }
0x31: {  	[spmem:s26] =	stream.linear.scatter [tilespmem:s12], [sflag:$0x5], $0x1800, $0x38;
	[tilespmem:$0x13000] =	vst v63  }
0x32: {  	_ =	swait.ge [sflag:s13], $0x1800  }
0x33: {  	[sflag:s13] =	ssyncset.done $0x0  }
0x34: {  	s14 =	rddreg [dreg:$0x19];
	[sflag:s13] =	ssyncadd.s32 $0xFFFFE800  }
0x35: {  	[spmem:s14] =	stream.linear.scatter [tilespmem:s12], [sflag:$0x5], $0x1800, $0x38;
	[tilespmem:$0x13000] =	vst v63  }
0x36: {  	_ =	swait.ge [sflag:s13], $0x1800  }
0x37: {  	[sflag:s13] =	ssyncset.done $0x0  }
0x38: {  	s23 =	rddreg [dreg:$0x1a];
	[sflag:s13] =	ssyncadd.s32 $0xFFFFE800  }
0x39: {  	[spmem:s23] =	stream.linear.scatter [tilespmem:s12], [sflag:$0x5], $0x1800, $0x38;
	[tilespmem:$0x13000] =	vst v63  }
0x3a: {  	_ =	swait.ge [sflag:s13], $0x1800  }
0x3b: {  	[sflag:s13] =	ssyncset.done $0x0  }
0x3c: {  	s26 =	stileid.u32;
	s25 =	rddreg [dreg:$0x1b];
	[sflag:s13] =	ssyncadd.s32 $0xFFFFE800  }
0x3d: {  	[spmem:s25] =	stream.linear.scatter [tilespmem:s12], [sflag:$0x5], $0x1800, $0x38;
	[tilespmem:$0x13000] =	vst v63  }
0x3e: {  	s7 =	sshll.u32 s26, $0x6;
	_ =	swait.ge [sflag:s13], $0x1800  }
0x3f: {  	s26 =	sor.u32 $0x1C05, s7;
	s7 =	rddreg [dreg:$0x15]  }
0x40: {  	s23 =	simm.s32 $0x6;
	[sflag:s13] =	ssyncset.done $0x0;
	s14 =	rddreg [dreg:$0x1c]  }
0x41: {  	s25 =	simm.s32 $0x10;
	[smem:$0x7FD] =	sst s26;
	[sflag:s13] =	ssyncadd.s32 $0xFFFFE800  }
0x42: {  	[spmem:s14@s23], [sflag:s26] =	dma.strided [hbm:s7@s25], $0xF00, s15, $0x6   }
0x43: {  	_ =	swait.ge [sflag:s13], $0xF00  }
0x44: {  	[sflag:s13] =	ssyncset.done $0x0  }
0x45: {  	[sflag:s13] =	ssyncadd.s32 $0xFFFFF100  }
0x46: {  	[bflag:$0x0] =	sbarrier.arrive $0xFFFF  }
0x47: {  	s14 =	rddreg [dreg:$0x6]  }
0x48: {  	s7 =	sadd.s32 $0x0, s14  }
0x49: {  	[tilespmem:s4], [sflag:$0x5] =	stream.linear.gather [hbm4b:s7+s4], $0x800, $0x38;
	[tilespmem:$0x13000] =	vst v63  }
0x4a: {  	_ =	swait.ge [sflag:s13], $0x800  }
0x4b: {  	s23 =	rddreg [dreg:$0x5];
	[sflag:s13] =	ssyncset.done $0x0  }
0x4c: {  	[sflag:s13] =	ssyncadd.s32 $0xFFFFF800;
	s7 =	sadd.s32 $0x0, s23  }
0x4d: {  	[tilespmem:s18], [sflag:$0x5] =	stream.linear.gather [hbm4b:s7+s4], $0x800, $0x38;
	[tilespmem:$0x13000] =	vst v63  }
0x4e: {  	_ =	swait.ge [sflag:s13], $0x800  }
0x4f: {  	[sflag:s13] =	ssyncset.done $0x0  }
0x50: {  	[sflag:s13] =	ssyncadd.s32 $0xFFFFF800  }
0x51: {  	[tilespmem:s12], [sflag:$0x1] =	stream.indirect.gather [spmem:s3], $0x30, s4, s19, $0xb8;
	[tilespmem:$0x13000] =	vst v63  }
0x52: {  	_ = 	snop  }
0x53: {  	[tilespmem:s20], [sflag:$0x2] =	stream.indirect.gather [spmem:s3], $0x30, s19, s19, $0xb8;
	[tilespmem:$0x13000] =	vst v63  }
0x54: {  	_ =	swait.ge [sflag:s15], $0x1800  }
0x55: {  	[sflag:s15] =	ssyncset.done $0x0  }
0x56: {  	[sflag:s15] =	ssyncadd.s32 $0xFFFFE800  }
0x57: {  	[spmem:s2] =	stream.indirect.scatter.add.f32 [tilespmem:s12], [sflag:$0x3], $0x30, s18, s19, $0xb8;
	[tilespmem:$0x13000] =	vst v63  }
0x58: {  	_ =	swait.ge [sflag:s21], $0x1800  }
0x59: {  	[sflag:s21] =	ssyncset.done $0x0  }
0x5a: {  	s25 =	rddreg [dreg:$0x7];
	[sflag:s21] =	ssyncadd.s32 $0xFFFFE800  }
0x5b: {  	[tilespmem:s12], [sflag:$0x1] =	stream.indirect.gather [spmem:s3], $0x30, s25, s19, $0xb8;
	[tilespmem:$0x13000] =	vst v63  }
0x5c: {  	_ =	swait.ge [sflag:s22], $0x1800  }
0x5d: {  	[sflag:s22] =	ssyncset.done $0x0  }
0x5e: {  	s26 =	rddreg [dreg:$0x8];
	[sflag:s22] =	ssyncadd.s32 $0xFFFFE800  }
0x5f: {  	[spmem:s2] =	stream.indirect.scatter.add.f32 [tilespmem:s20], [sflag:$0x4], $0x30, s26, s19, $0xb8;
	[tilespmem:$0x13000] =	vst v63  }
0x60: {  	_ =	swait.ge [sflag:s24], $0x1800  }
0x61: {  	[sflag:s24] =	ssyncset.done $0x0  }
0x62: {  	s14 =	rddreg [dreg:$0x9];
	[sflag:s24] =	ssyncadd.s32 $0xFFFFE800  }
0x63: {  	[tilespmem:s20], [sflag:$0x2] =	stream.indirect.gather [spmem:s3], $0x30, s14, s19, $0xb8;
	[tilespmem:$0x13000] =	vst v63  }
0x64: {  	_ =	swait.ge [sflag:s15], $0x1800  }
0x65: {  	[sflag:s15] =	ssyncset.done $0x0  }
0x66: {  	s23 =	rddreg [dreg:$0xa];
	[sflag:s15] =	ssyncadd.s32 $0xFFFFE800  }
0x67: {  	[spmem:s2] =	stream.indirect.scatter.add.f32 [tilespmem:s12], [sflag:$0x3], $0x30, s23, s19, $0xb8;
	[tilespmem:$0x13000] =	vst v63  }
0x68: {  	_ =	swait.ge [sflag:s21], $0x1800  }
0x69: {  	[sflag:s21] =	ssyncset.done $0x0  }
0x6a: {  	s25 =	rddreg [dreg:$0xb];
	[sflag:s21] =	ssyncadd.s32 $0xFFFFE800  }
0x6b: {  	[tilespmem:s12], [sflag:$0x1] =	stream.indirect.gather [spmem:s3], $0x30, s25, s19, $0xb8;
	[tilespmem:$0x13000] =	vst v63  }
0x6c: {  	_ =	swait.ge [sflag:s22], $0x1800  }
0x6d: {  	[sflag:s22] =	ssyncset.done $0x0  }
0x6e: {  	s26 =	rddreg [dreg:$0xc];
	[sflag:s22] =	ssyncadd.s32 $0xFFFFE800  }
0x6f: {  	[spmem:s2] =	stream.indirect.scatter.add.f32 [tilespmem:s20], [sflag:$0x4], $0x30, s26, s19, $0xb8;
	[tilespmem:$0x13000] =	vst v63  }
0x70: {  	_ =	swait.ge [sflag:s24], $0x1800  }
0x71: {  	[sflag:s24] =	ssyncset.done $0x0  }
0x72: {  	s14 =	rddreg [dreg:$0xd];
	[sflag:s24] =	ssyncadd.s32 $0xFFFFE800  }
0x73: {  	[tilespmem:s20], [sflag:$0x2] =	stream.indirect.gather [spmem:s3], $0x30, s14, s19, $0xb8;
	[tilespmem:$0x13000] =	vst v63  }
0x74: {  	_ =	swait.ge [sflag:s15], $0x1800  }
0x75: {  	[sflag:s15] =	ssyncset.done $0x0  }
0x76: {  	s23 =	rddreg [dreg:$0xe];
	[sflag:s15] =	ssyncadd.s32 $0xFFFFE800  }
0x77: {  	[spmem:s2] =	stream.indirect.scatter.add.f32 [tilespmem:s12], [sflag:$0x3], $0x30, s23, s19, $0xb8;
	[tilespmem:$0x13000] =	vst v63  }
0x78: {  	_ =	swait.ge [sflag:s21], $0x1800  }
0x79: {  	[sflag:s21] =	ssyncset.done $0x0  }
0x7a: {  	s25 =	rddreg [dreg:$0xf];
	[sflag:s21] =	ssyncadd.s32 $0xFFFFE800  }
0x7b: {  	[tilespmem:s12], [sflag:$0x1] =	stream.indirect.gather [spmem:s3], $0x30, s25, s19, $0xb8;
	[tilespmem:$0x13000] =	vst v63  }
0x7c: {  	_ =	swait.ge [sflag:s22], $0x1800  }
0x7d: {  	[sflag:s22] =	ssyncset.done $0x0  }
0x7e: {  	s26 =	rddreg [dreg:$0x10];
	[sflag:s22] =	ssyncadd.s32 $0xFFFFE800  }
0x7f: {  	[spmem:s2] =	stream.indirect.scatter.add.f32 [tilespmem:s20], [sflag:$0x4], $0x30, s26, s19, $0xb8;
	[tilespmem:$0x13000] =	vst v63  }
0x80: {  	_ =	swait.ge [sflag:s24], $0x1800  }
0x81: {  	[sflag:s24] =	ssyncset.done $0x0  }
0x82: {  	s14 =	rddreg [dreg:$0x11];
	[sflag:s24] =	ssyncadd.s32 $0xFFFFE800  }
0x83: {  	[tilespmem:s20], [sflag:$0x2] =	stream.indirect.gather [spmem:s3], $0x30, s14, s19, $0xb8;
	[tilespmem:$0x13000] =	vst v63  }
0x84: {  	_ =	swait.ge [sflag:s15], $0x1800  }
0x85: {  	[sflag:s15] =	ssyncset.done $0x0  }
0x86: {  	s23 =	rddreg [dreg:$0x12];
	[sflag:s15] =	ssyncadd.s32 $0xFFFFE800  }
0x87: {  	[spmem:s2] =	stream.indirect.scatter.add.f32 [tilespmem:s12], [sflag:$0x3], $0x30, s23, s19, $0xb8;
	[tilespmem:$0x13000] =	vst v63  }
0x88: {  	_ =	swait.ge [sflag:s21], $0x1800  }
0x89: {  	[sflag:s21] =	ssyncset.done $0x0  }
0x8a: {  	s25 =	rddreg [dreg:$0x13];
	[sflag:s21] =	ssyncadd.s32 $0xFFFFE800  }
0x8b: {  	[tilespmem:s12], [sflag:$0x1] =	stream.indirect.gather [spmem:s3], $0x30, s25, s19, $0xb8;
	[tilespmem:$0x13000] =	vst v63  }
0x8c: {  	_ =	swait.ge [sflag:s22], $0x1800  }
0x8d: {  	[sflag:s22] =	ssyncset.done $0x0  }
0x8e: {  	s26 =	rddreg [dreg:$0x14];
	[sflag:s22] =	ssyncadd.s32 $0xFFFFE800  }
0x8f: {  	[spmem:s2] =	stream.indirect.scatter.add.f32 [tilespmem:s20], [sflag:$0x4], $0x30, s26, s19, $0xb8;
	[tilespmem:$0x13000] =	vst v63  }
0x90: {  	_ =	swait.ge [sflag:s24], $0x1800  }
0x91: {  	[sflag:s24] =	ssyncset.done $0x0  }
0x92: {  	s26 =	simm.s32 $0x480;
	[sflag:s24] =	ssyncadd.s32 $0xFFFFE800  }
0x93: {  	[tilespmem:s20], [sflag:$0x2] =	stream.indirect.gather [spmem:s3], $0x30, s26, s19, $0xb8;
	[tilespmem:$0x13000] =	vst v63  }
0x94: {  	_ =	swait.ge [sflag:s15], $0x1800  }
0x95: {  	[sflag:s15] =	ssyncset.done $0x0  }
0x96: {  	[sflag:s15] =	ssyncadd.s32 $0xFFFFE800  }
0x97: {  	[spmem:s2] =	stream.indirect.scatter.add.f32 [tilespmem:s12], [sflag:$0x3], $0x30, s28, s19, $0xb8;
	[tilespmem:$0x13000] =	vst v63  }
0x98: {  	_ =	swait.ge [sflag:s21], $0x1800  }
0x99: {  	[sflag:s21] =	ssyncset.done $0x0  }
0x9a: {  	[sflag:s21] =	ssyncadd.s32 $0xFFFFE800  }
0x9b: {  	[tilespmem:s12], [sflag:$0x1] =	stream.indirect.gather [spmem:s3], $0x30, s29, s19, $0xb8;
	[tilespmem:$0x13000] =	vst v63  }
0x9c: {  	_ =	swait.ge [sflag:s22], $0x1800  }
0x9d: {  	[sflag:s22] =	ssyncset.done $0x0  }
0x9e: {  	[sflag:s22] =	ssyncadd.s32 $0xFFFFE800  }
0x9f: {  	[spmem:s2] =	stream.indirect.scatter.add.f32 [tilespmem:s20], [sflag:$0x4], $0x30, s30, s19, $0xb8;
	[tilespmem:$0x13000] =	vst v63  }
0xa0: {  	_ =	swait.ge [sflag:s24], $0x1800  }
0xa1: {  	[sflag:s24] =	ssyncset.done $0x0  }
0xa2: {  	[sflag:s24] =	ssyncadd.s32 $0xFFFFE800  }
0xa3: {  	[tilespmem:s20], [sflag:$0x2] =	stream.indirect.gather [spmem:s3], $0x30, s31, s19, $0xb8;
	[tilespmem:$0x13000] =	vst v63  }
0xa4: {  	_ =	swait.ge [sflag:s15], $0x1800  }
0xa5: {  	[sflag:s15] =	ssyncset.done $0x0  }
0xa6: {  	[sflag:s15] =	ssyncadd.s32 $0xFFFFE800  }
0xa7: {  	[spmem:s2] =	stream.indirect.scatter.add.f32 [tilespmem:s12], [sflag:$0x3], $0x30, s1, s19, $0xb8;
	[tilespmem:$0x13000] =	vst v63  }
0xa8: {  	_ =	swait.ge [sflag:s21], $0x1800  }
0xa9: {  	[sflag:s21] =	ssyncset.done $0x0  }
0xaa: {  	[sflag:s21] =	ssyncadd.s32 $0xFFFFE800  }
0xab: {  	[tilespmem:s12], [sflag:$0x1] =	stream.indirect.gather [spmem:s3], $0x30, s0, s19, $0xb8;
	[tilespmem:$0x13000] =	vst v63  }
0xac: {  	_ =	swait.ge [sflag:s22], $0x1800  }
0xad: {  	[sflag:s22] =	ssyncset.done $0x0  }
0xae: {  	[sflag:s22] =	ssyncadd.s32 $0xFFFFE800  }
0xaf: {  	[spmem:s2] =	stream.indirect.scatter.add.f32 [tilespmem:s20], [sflag:$0x4], $0x30, s5, s19, $0xb8;
	[tilespmem:$0x13000] =	vst v63  }
0xb0: {  	_ =	swait.ge [sflag:s24], $0x1800  }
0xb1: {  	[sflag:s24] =	ssyncset.done $0x0  }
0xb2: {  	[sflag:s24] =	ssyncadd.s32 $0xFFFFE800  }
0xb3: {  	[tilespmem:s20], [sflag:$0x2] =	stream.indirect.gather [spmem:s3], $0x30, s6, s19, $0xb8;
	[tilespmem:$0x13000] =	vst v63  }
0xb4: {  	_ =	swait.ge [sflag:s15], $0x1800  }
0xb5: {  	[sflag:s15] =	ssyncset.done $0x0  }
0xb6: {  	[sflag:s15] =	ssyncadd.s32 $0xFFFFE800  }
0xb7: {  	[spmem:s2] =	stream.indirect.scatter.add.f32 [tilespmem:s12], [sflag:$0x3], $0x30, s8, s19, $0xb8;
	[tilespmem:$0x13000] =	vst v63  }
0xb8: {  	_ =	swait.ge [sflag:s21], $0x1800  }
0xb9: {  	[sflag:s21] =	ssyncset.done $0x0  }
0xba: {  	[sflag:s21] =	ssyncadd.s32 $0xFFFFE800  }
0xbb: {  	[tilespmem:s12], [sflag:$0x1] =	stream.indirect.gather [spmem:s3], $0x30, s9, s19, $0xb8;
	[tilespmem:$0x13000] =	vst v63  }
0xbc: {  	_ =	swait.ge [sflag:s22], $0x1800  }
0xbd: {  	[sflag:s22] =	ssyncset.done $0x0  }
0xbe: {  	[sflag:s22] =	ssyncadd.s32 $0xFFFFE800  }
0xbf: {  	[spmem:s2] =	stream.indirect.scatter.add.f32 [tilespmem:s20], [sflag:$0x4], $0x30, s10, s19, $0xb8;
	[tilespmem:$0x13000] =	vst v63  }
0xc0: {  	_ =	swait.ge [sflag:s24], $0x1800  }
0xc1: {  	[sflag:s24] =	ssyncset.done $0x0  }
0xc2: {  	[sflag:s24] =	ssyncadd.s32 $0xFFFFE800  }
0xc3: {  	[tilespmem:s20], [sflag:$0x2] =	stream.indirect.gather [spmem:s3], $0x30, s11, s19, $0xb8;
	[tilespmem:$0x13000] =	vst v63  }
0xc4: {  	_ =	swait.ge [sflag:s15], $0x1800  }
0xc5: {  	[sflag:s15] =	ssyncset.done $0x0  }
0xc6: {  	[sflag:s15] =	ssyncadd.s32 $0xFFFFE800  }
0xc7: {  	[spmem:s2] =	stream.indirect.scatter.add.f32 [tilespmem:s12], [sflag:$0x3], $0x30, s16, s19, $0xb8;
	[tilespmem:$0x13000] =	vst v63  }
0xc8: {  	_ =	swait.ge [sflag:s22], $0x1800  }
0xc9: {  	[sflag:s22] =	ssyncset.done $0x0  }
0xca: {  	[sflag:s22] =	ssyncadd.s32 $0xFFFFE800  }
0xcb: {  	[spmem:s2] =	stream.indirect.scatter.add.f32 [tilespmem:s20], [sflag:$0x4], $0x30, s17, s19, $0xb8;
	[tilespmem:$0x13000] =	vst v63  }
0xcc: {  	_ =	swait.ge [sflag:s21], $0x1800  }
0xcd: {  	[sflag:s21] =	ssyncset.done $0x0  }
0xce: {  	[sflag:s21] =	ssyncadd.s32 $0xFFFFE800  }
0xcf: {  	s7 =	simm.s32 $0x200;
	_ =	swait.ge [sflag:s24], $0x1800  }
0xd0: {  	s25 =	simm.s32 $0x100;
	s23 =	rddreg [dreg:$0x6];
	[sflag:s24] =	ssyncset.done $0x0  }
.LBB2_4:
0xd1: {  	[sflag:s24] =	ssyncadd.s32 $0xFFFFE800;
	s23 =	sadd.s32 s25, s23  }
0xd2: {  	[tilespmem:s4], [sflag:$0x5] =	stream.linear.gather [hbm4b:s23+s4], $0x800, $0x38;
	[tilespmem:$0x13000] =	vst v63  }
0xd3: {  	_ =	swait.ge [sflag:s13], $0x800  }
0xd4: {  	s23 =	rddreg [dreg:$0x5];
	[sflag:s13] =	ssyncset.done $0x0  }
0xd5: {  	[sflag:s13] =	ssyncadd.s32 $0xFFFFF800;
	s23 =	sadd.s32 s25, s23  }
0xd6: {  	[tilespmem:s18], [sflag:$0x5] =	stream.linear.gather [hbm4b:s23+s4], $0x800, $0x38;
	[tilespmem:$0x13000] =	vst v63  }
0xd7: {  	_ =	swait.ge [sflag:s13], $0x800  }
0xd8: {  	[sflag:s13] =	ssyncset.done $0x0  }
0xd9: {  	[sflag:s13] =	ssyncadd.s32 $0xFFFFF800  }
0xda: {  	[tilespmem:s12], [sflag:$0x1] =	stream.indirect.gather [spmem:s3], $0x30, s4, s19, $0xb8;
	[tilespmem:$0x13000] =	vst v63  }
0xdb: {  	_ = 	snop  }
0xdc: {  	[tilespmem:s20], [sflag:$0x2] =	stream.indirect.gather [spmem:s3], $0x30, s19, s19, $0xb8;
	[tilespmem:$0x13000] =	vst v63  }
0xdd: {  	_ =	swait.ge [sflag:s15], $0x1800  }
0xde: {  	[sflag:s15] =	ssyncset.done $0x0  }
0xdf: {  	[sflag:s15] =	ssyncadd.s32 $0xFFFFE800  }
0xe0: {  	[spmem:s2] =	stream.indirect.scatter.add.f32 [tilespmem:s12], [sflag:$0x3], $0x30, s18, s19, $0xb8;
	[tilespmem:$0x13000] =	vst v63  }
0xe1: {  	_ =	swait.ge [sflag:s21], $0x1800  }
0xe2: {  	[sflag:s21] =	ssyncset.done $0x0  }
0xe3: {  	s23 =	rddreg [dreg:$0x7];
	[sflag:s21] =	ssyncadd.s32 $0xFFFFE800  }
0xe4: {  	[tilespmem:s12], [sflag:$0x1] =	stream.indirect.gather [spmem:s3], $0x30, s23, s19, $0xb8;
	[tilespmem:$0x13000] =	vst v63  }
0xe5: {  	_ =	swait.ge [sflag:s22], $0x1800  }
0xe6: {  	[sflag:s22] =	ssyncset.done $0x0  }
0xe7: {  	s23 =	rddreg [dreg:$0x8];
	[sflag:s22] =	ssyncadd.s32 $0xFFFFE800  }
0xe8: {  	[spmem:s2] =	stream.indirect.scatter.add.f32 [tilespmem:s20], [sflag:$0x4], $0x30, s23, s19, $0xb8;
	[tilespmem:$0x13000] =	vst v63  }
0xe9: {  	_ =	swait.ge [sflag:s24], $0x1800  }
0xea: {  	[sflag:s24] =	ssyncset.done $0x0  }
0xeb: {  	s23 =	rddreg [dreg:$0x9];
	[sflag:s24] =	ssyncadd.s32 $0xFFFFE800  }
0xec: {  	[tilespmem:s20], [sflag:$0x2] =	stream.indirect.gather [spmem:s3], $0x30, s23, s19, $0xb8;
	[tilespmem:$0x13000] =	vst v63  }
0xed: {  	_ =	swait.ge [sflag:s15], $0x1800  }
0xee: {  	[sflag:s15] =	ssyncset.done $0x0  }
0xef: {  	s23 =	rddreg [dreg:$0xa];
	[sflag:s15] =	ssyncadd.s32 $0xFFFFE800  }
0xf0: {  	[spmem:s2] =	stream.indirect.scatter.add.f32 [tilespmem:s12], [sflag:$0x3], $0x30, s23, s19, $0xb8;
	[tilespmem:$0x13000] =	vst v63  }
0xf1: {  	_ =	swait.ge [sflag:s21], $0x1800  }
0xf2: {  	[sflag:s21] =	ssyncset.done $0x0  }
0xf3: {  	s23 =	rddreg [dreg:$0xb];
	[sflag:s21] =	ssyncadd.s32 $0xFFFFE800  }
0xf4: {  	[tilespmem:s12], [sflag:$0x1] =	stream.indirect.gather [spmem:s3], $0x30, s23, s19, $0xb8;
	[tilespmem:$0x13000] =	vst v63  }
0xf5: {  	_ =	swait.ge [sflag:s22], $0x1800  }
0xf6: {  	[sflag:s22] =	ssyncset.done $0x0  }
0xf7: {  	s23 =	rddreg [dreg:$0xc];
	[sflag:s22] =	ssyncadd.s32 $0xFFFFE800  }
0xf8: {  	[spmem:s2] =	stream.indirect.scatter.add.f32 [tilespmem:s20], [sflag:$0x4], $0x30, s23, s19, $0xb8;
	[tilespmem:$0x13000] =	vst v63  }
0xf9: {  	_ =	swait.ge [sflag:s24], $0x1800  }
0xfa: {  	[sflag:s24] =	ssyncset.done $0x0  }
0xfb: {  	s23 =	rddreg [dreg:$0xd];
	[sflag:s24] =	ssyncadd.s32 $0xFFFFE800  }
0xfc: {  	[tilespmem:s20], [sflag:$0x2] =	stream.indirect.gather [spmem:s3], $0x30, s23, s19, $0xb8;
	[tilespmem:$0x13000] =	vst v63  }
0xfd: {  	_ =	swait.ge [sflag:s15], $0x1800  }
0xfe: {  	[sflag:s15] =	ssyncset.done $0x0  }
0xff: {  	s23 =	rddreg [dreg:$0xe];
	[sflag:s15] =	ssyncadd.s32 $0xFFFFE800  }
0x100: {  	[spmem:s2] =	stream.indirect.scatter.add.f32 [tilespmem:s12], [sflag:$0x3], $0x30, s23, s19, $0xb8;
	[tilespmem:$0x13000] =	vst v63  }
0x101: {  	_ =	swait.ge [sflag:s21], $0x1800  }
0x102: {  	[sflag:s21] =	ssyncset.done $0x0  }
0x103: {  	s23 =	rddreg [dreg:$0xf];
	[sflag:s21] =	ssyncadd.s32 $0xFFFFE800  }
0x104: {  	[tilespmem:s12], [sflag:$0x1] =	stream.indirect.gather [spmem:s3], $0x30, s23, s19, $0xb8;
	[tilespmem:$0x13000] =	vst v63  }
0x105: {  	_ =	swait.ge [sflag:s22], $0x1800  }
0x106: {  	[sflag:s22] =	ssyncset.done $0x0  }
0x107: {  	s23 =	rddreg [dreg:$0x10];
	[sflag:s22] =	ssyncadd.s32 $0xFFFFE800  }
0x108: {  	[spmem:s2] =	stream.indirect.scatter.add.f32 [tilespmem:s20], [sflag:$0x4], $0x30, s23, s19, $0xb8;
	[tilespmem:$0x13000] =	vst v63  }
0x109: {  	_ =	swait.ge [sflag:s24], $0x1800  }
0x10a: {  	[sflag:s24] =	ssyncset.done $0x0  }
0x10b: {  	s23 =	rddreg [dreg:$0x11];
	[sflag:s24] =	ssyncadd.s32 $0xFFFFE800  }
0x10c: {  	[tilespmem:s20], [sflag:$0x2] =	stream.indirect.gather [spmem:s3], $0x30, s23, s19, $0xb8;
	[tilespmem:$0x13000] =	vst v63  }
0x10d: {  	_ =	swait.ge [sflag:s15], $0x1800  }
0x10e: {  	[sflag:s15] =	ssyncset.done $0x0  }
0x10f: {  	s23 =	rddreg [dreg:$0x12];
	[sflag:s15] =	ssyncadd.s32 $0xFFFFE800  }
0x110: {  	[spmem:s2] =	stream.indirect.scatter.add.f32 [tilespmem:s12], [sflag:$0x3], $0x30, s23, s19, $0xb8;
	[tilespmem:$0x13000] =	vst v63  }
0x111: {  	_ =	swait.ge [sflag:s21], $0x1800  }
0x112: {  	[sflag:s21] =	ssyncset.done $0x0  }
0x113: {  	s23 =	rddreg [dreg:$0x13];
	[sflag:s21] =	ssyncadd.s32 $0xFFFFE800  }
0x114: {  	[tilespmem:s12], [sflag:$0x1] =	stream.indirect.gather [spmem:s3], $0x30, s23, s19, $0xb8;
	[tilespmem:$0x13000] =	vst v63  }
0x115: {  	_ =	swait.ge [sflag:s22], $0x1800  }
0x116: {  	[sflag:s22] =	ssyncset.done $0x0  }
0x117: {  	s23 =	rddreg [dreg:$0x14];
	[sflag:s22] =	ssyncadd.s32 $0xFFFFE800  }
0x118: {  	[spmem:s2] =	stream.indirect.scatter.add.f32 [tilespmem:s20], [sflag:$0x4], $0x30, s23, s19, $0xb8;
	[tilespmem:$0x13000] =	vst v63  }
0x119: {  	_ =	swait.ge [sflag:s24], $0x1800  }
0x11a: {  	[sflag:s24] =	ssyncset.done $0x0  }
0x11b: {  	[sflag:s24] =	ssyncadd.s32 $0xFFFFE800  }
0x11c: {  	[tilespmem:s20], [sflag:$0x2] =	stream.indirect.gather [spmem:s3], $0x30, s26, s19, $0xb8;
	[tilespmem:$0x13000] =	vst v63  }
0x11d: {  	_ =	swait.ge [sflag:s15], $0x1800  }
0x11e: {  	[sflag:s15] =	ssyncset.done $0x0  }
0x11f: {  	[sflag:s15] =	ssyncadd.s32 $0xFFFFE800  }
0x120: {  	[spmem:s2] =	stream.indirect.scatter.add.f32 [tilespmem:s12], [sflag:$0x3], $0x30, s28, s19, $0xb8;
	[tilespmem:$0x13000] =	vst v63  }
0x121: {  	_ =	swait.ge [sflag:s21], $0x1800  }
0x122: {  	[sflag:s21] =	ssyncset.done $0x0  }
0x123: {  	[sflag:s21] =	ssyncadd.s32 $0xFFFFE800  }
0x124: {  	[tilespmem:s12], [sflag:$0x1] =	stream.indirect.gather [spmem:s3], $0x30, s29, s19, $0xb8;
	[tilespmem:$0x13000] =	vst v63  }
0x125: {  	_ =	swait.ge [sflag:s22], $0x1800  }
0x126: {  	[sflag:s22] =	ssyncset.done $0x0  }
0x127: {  	[sflag:s22] =	ssyncadd.s32 $0xFFFFE800  }
0x128: {  	[spmem:s2] =	stream.indirect.scatter.add.f32 [tilespmem:s20], [sflag:$0x4], $0x30, s30, s19, $0xb8;
	[tilespmem:$0x13000] =	vst v63  }
0x129: {  	_ =	swait.ge [sflag:s24], $0x1800  }
0x12a: {  	[sflag:s24] =	ssyncset.done $0x0  }
0x12b: {  	[sflag:s24] =	ssyncadd.s32 $0xFFFFE800  }
0x12c: {  	[tilespmem:s20], [sflag:$0x2] =	stream.indirect.gather [spmem:s3], $0x30, s31, s19, $0xb8;
	[tilespmem:$0x13000] =	vst v63  }
0x12d: {  	_ =	swait.ge [sflag:s15], $0x1800  }
0x12e: {  	[sflag:s15] =	ssyncset.done $0x0  }
0x12f: {  	[sflag:s15] =	ssyncadd.s32 $0xFFFFE800  }
0x130: {  	[spmem:s2] =	stream.indirect.scatter.add.f32 [tilespmem:s12], [sflag:$0x3], $0x30, s1, s19, $0xb8;
	[tilespmem:$0x13000] =	vst v63  }
0x131: {  	_ =	swait.ge [sflag:s21], $0x1800  }
0x132: {  	[sflag:s21] =	ssyncset.done $0x0  }
0x133: {  	[sflag:s21] =	ssyncadd.s32 $0xFFFFE800  }
0x134: {  	[tilespmem:s12], [sflag:$0x1] =	stream.indirect.gather [spmem:s3], $0x30, s0, s19, $0xb8;
	[tilespmem:$0x13000] =	vst v63  }
0x135: {  	_ =	swait.ge [sflag:s22], $0x1800  }
0x136: {  	[sflag:s22] =	ssyncset.done $0x0  }
0x137: {  	[sflag:s22] =	ssyncadd.s32 $0xFFFFE800  }
0x138: {  	[spmem:s2] =	stream.indirect.scatter.add.f32 [tilespmem:s20], [sflag:$0x4], $0x30, s5, s19, $0xb8;
	[tilespmem:$0x13000] =	vst v63  }
0x139: {  	_ =	swait.ge [sflag:s24], $0x1800  }
0x13a: {  	[sflag:s24] =	ssyncset.done $0x0  }
0x13b: {  	[sflag:s24] =	ssyncadd.s32 $0xFFFFE800  }
0x13c: {  	[tilespmem:s20], [sflag:$0x2] =	stream.indirect.gather [spmem:s3], $0x30, s6, s19, $0xb8;
	[tilespmem:$0x13000] =	vst v63  }
0x13d: {  	_ =	swait.ge [sflag:s15], $0x1800  }
0x13e: {  	[sflag:s15] =	ssyncset.done $0x0  }
0x13f: {  	[sflag:s15] =	ssyncadd.s32 $0xFFFFE800  }
0x140: {  	[spmem:s2] =	stream.indirect.scatter.add.f32 [tilespmem:s12], [sflag:$0x3], $0x30, s8, s19, $0xb8;
	[tilespmem:$0x13000] =	vst v63  }
0x141: {  	_ =	swait.ge [sflag:s21], $0x1800  }
0x142: {  	[sflag:s21] =	ssyncset.done $0x0  }
0x143: {  	[sflag:s21] =	ssyncadd.s32 $0xFFFFE800  }
0x144: {  	[tilespmem:s12], [sflag:$0x1] =	stream.indirect.gather [spmem:s3], $0x30, s9, s19, $0xb8;
	[tilespmem:$0x13000] =	vst v63  }
0x145: {  	_ =	swait.ge [sflag:s22], $0x1800  }
0x146: {  	[sflag:s22] =	ssyncset.done $0x0  }
0x147: {  	[sflag:s22] =	ssyncadd.s32 $0xFFFFE800  }
0x148: {  	[spmem:s2] =	stream.indirect.scatter.add.f32 [tilespmem:s20], [sflag:$0x4], $0x30, s10, s19, $0xb8;
	[tilespmem:$0x13000] =	vst v63  }
0x149: {  	_ =	swait.ge [sflag:s24], $0x1800  }
0x14a: {  	[sflag:s24] =	ssyncset.done $0x0  }
0x14b: {  	[sflag:s24] =	ssyncadd.s32 $0xFFFFE800  }
0x14c: {  	[tilespmem:s20], [sflag:$0x2] =	stream.indirect.gather [spmem:s3], $0x30, s11, s19, $0xb8;
	[tilespmem:$0x13000] =	vst v63  }
0x14d: {  	_ =	swait.ge [sflag:s15], $0x1800  }
0x14e: {  	[sflag:s15] =	ssyncset.done $0x0  }
0x14f: {  	[sflag:s15] =	ssyncadd.s32 $0xFFFFE800  }
0x150: {  	[spmem:s2] =	stream.indirect.scatter.add.f32 [tilespmem:s12], [sflag:$0x3], $0x30, s16, s19, $0xb8;
	[tilespmem:$0x13000] =	vst v63  }
0x151: {  	_ =	swait.ge [sflag:s22], $0x1800  }
0x152: {  	[sflag:s22] =	ssyncset.done $0x0  }
0x153: {  	p0 =	sne.s32 s7, $0x400;
	[sflag:s22] =	ssyncadd.s32 $0xFFFFE800  }
0x154: {  	[spmem:s2] =	stream.indirect.scatter.add.f32 [tilespmem:s20], [sflag:$0x4], $0x30, s17, s19, $0xb8;
	[tilespmem:$0x13000] =	vst v63  }
.Ltmp1:
0x155: {  	_ =	swait.ge [sflag:s21], $0x1800;
	(pc) =	sbr.rel @p0 .LBB2_4-.Ltmp1, $4  }
0x156: {  	[sflag:s21] =	ssyncset.done $0x0  }
0x157: {  	[sflag:s21] =	ssyncadd.s32 $0xFFFFE800  }
0x158: {  	s14 =	smov.u32 s7;
	s7 =	sadd.s32 $0x100, s7;
	_ =	swait.ge [sflag:s24], $0x1800  }
0x159: {  	s25 =	smov.u32 s14;
	s23 =	rddreg [dreg:$0x6];
	[sflag:s24] =	ssyncset.done $0x0  }
0x15a: {  	[sflag:s24] =	ssyncadd.s32 $0xFFFFE800;
	s7 =	sadd.s32 s25, s23  }
0x15b: {  	[tilespmem:s4], [sflag:$0x5] =	stream.linear.gather [hbm4b:s7+s4], $0x800, $0x38;
	[tilespmem:$0x13000] =	vst v63  }
0x15c: {  	_ =	swait.ge [sflag:s13], $0x800  }
0x15d: {  	s23 =	rddreg [dreg:$0x5];
	[sflag:s13] =	ssyncset.done $0x0  }
0x15e: {  	s7 =	sadd.s32 s25, s23;
	[sflag:s13] =	ssyncadd.s32 $0xFFFFF800  }
0x15f: {  	[tilespmem:s18], [sflag:$0x5] =	stream.linear.gather [hbm4b:s7+s4], $0x800, $0x38;
	[tilespmem:$0x13000] =	vst v63  }
0x160: {  	_ =	swait.ge [sflag:s13], $0x800  }
0x161: {  	[sflag:s13] =	ssyncset.done $0x0  }
0x162: {  	[sflag:s13] =	ssyncadd.s32 $0xFFFFF800  }
0x163: {  	[tilespmem:s12], [sflag:$0x1] =	stream.indirect.gather [spmem:s3], $0x30, s4, s19, $0xb8;
	[tilespmem:$0x13000] =	vst v63  }
0x164: {  	_ = 	snop  }
0x165: {  	[tilespmem:s20], [sflag:$0x2] =	stream.indirect.gather [spmem:s3], $0x30, s19, s19, $0xb8;
	[tilespmem:$0x13000] =	vst v63  }
0x166: {  	_ =	swait.ge [sflag:s15], $0x1800  }
0x167: {  	[sflag:s15] =	ssyncset.done $0x0  }
0x168: {  	[sflag:s15] =	ssyncadd.s32 $0xFFFFE800  }
0x169: {  	[spmem:s2] =	stream.indirect.scatter.add.f32 [tilespmem:s12], [sflag:$0x3], $0x30, s18, s19, $0xb8;
	[tilespmem:$0x13000] =	vst v63  }
0x16a: {  	_ =	swait.ge [sflag:s21], $0x1800  }
0x16b: {  	[sflag:s21] =	ssyncset.done $0x0  }
0x16c: {  	s14 =	rddreg [dreg:$0x7];
	[sflag:s21] =	ssyncadd.s32 $0xFFFFE800  }
0x16d: {  	[tilespmem:s12], [sflag:$0x1] =	stream.indirect.gather [spmem:s3], $0x30, s14, s19, $0xb8;
	[tilespmem:$0x13000] =	vst v63  }
0x16e: {  	_ =	swait.ge [sflag:s22], $0x1800  }
0x16f: {  	[sflag:s22] =	ssyncset.done $0x0  }
0x170: {  	s23 =	rddreg [dreg:$0x8];
	[sflag:s22] =	ssyncadd.s32 $0xFFFFE800  }
0x171: {  	[spmem:s2] =	stream.indirect.scatter.add.f32 [tilespmem:s20], [sflag:$0x4], $0x30, s23, s19, $0xb8;
	[tilespmem:$0x13000] =	vst v63  }
0x172: {  	_ =	swait.ge [sflag:s24], $0x1800  }
0x173: {  	[sflag:s24] =	ssyncset.done $0x0  }
0x174: {  	s25 =	rddreg [dreg:$0x9];
	[sflag:s24] =	ssyncadd.s32 $0xFFFFE800  }
0x175: {  	[tilespmem:s20], [sflag:$0x2] =	stream.indirect.gather [spmem:s3], $0x30, s25, s19, $0xb8;
	[tilespmem:$0x13000] =	vst v63  }
0x176: {  	_ =	swait.ge [sflag:s15], $0x1800  }
0x177: {  	[sflag:s15] =	ssyncset.done $0x0  }
0x178: {  	s14 =	rddreg [dreg:$0xa];
	[sflag:s15] =	ssyncadd.s32 $0xFFFFE800  }
0x179: {  	[spmem:s2] =	stream.indirect.scatter.add.f32 [tilespmem:s12], [sflag:$0x3], $0x30, s14, s19, $0xb8;
	[tilespmem:$0x13000] =	vst v63  }
0x17a: {  	_ =	swait.ge [sflag:s21], $0x1800  }
0x17b: {  	[sflag:s21] =	ssyncset.done $0x0  }
0x17c: {  	s23 =	rddreg [dreg:$0xb];
	[sflag:s21] =	ssyncadd.s32 $0xFFFFE800  }
0x17d: {  	[tilespmem:s12], [sflag:$0x1] =	stream.indirect.gather [spmem:s3], $0x30, s23, s19, $0xb8;
	[tilespmem:$0x13000] =	vst v63  }
0x17e: {  	_ =	swait.ge [sflag:s22], $0x1800  }
0x17f: {  	[sflag:s22] =	ssyncset.done $0x0  }
0x180: {  	s25 =	rddreg [dreg:$0xc];
	[sflag:s22] =	ssyncadd.s32 $0xFFFFE800  }
0x181: {  	[spmem:s2] =	stream.indirect.scatter.add.f32 [tilespmem:s20], [sflag:$0x4], $0x30, s25, s19, $0xb8;
	[tilespmem:$0x13000] =	vst v63  }
0x182: {  	_ =	swait.ge [sflag:s24], $0x1800  }
0x183: {  	[sflag:s24] =	ssyncset.done $0x0  }
0x184: {  	s14 =	rddreg [dreg:$0xd];
	[sflag:s24] =	ssyncadd.s32 $0xFFFFE800  }
0x185: {  	[tilespmem:s20], [sflag:$0x2] =	stream.indirect.gather [spmem:s3], $0x30, s14, s19, $0xb8;
	[tilespmem:$0x13000] =	vst v63  }
0x186: {  	_ =	swait.ge [sflag:s15], $0x1800  }
0x187: {  	[sflag:s15] =	ssyncset.done $0x0  }
0x188: {  	s23 =	rddreg [dreg:$0xe];
	[sflag:s15] =	ssyncadd.s32 $0xFFFFE800  }
0x189: {  	[spmem:s2] =	stream.indirect.scatter.add.f32 [tilespmem:s12], [sflag:$0x3], $0x30, s23, s19, $0xb8;
	[tilespmem:$0x13000] =	vst v63  }
0x18a: {  	_ =	swait.ge [sflag:s21], $0x1800  }
0x18b: {  	[sflag:s21] =	ssyncset.done $0x0  }
0x18c: {  	s25 =	rddreg [dreg:$0xf];
	[sflag:s21] =	ssyncadd.s32 $0xFFFFE800  }
0x18d: {  	[tilespmem:s12], [sflag:$0x1] =	stream.indirect.gather [spmem:s3], $0x30, s25, s19, $0xb8;
	[tilespmem:$0x13000] =	vst v63  }
0x18e: {  	_ =	swait.ge [sflag:s22], $0x1800  }
0x18f: {  	[sflag:s22] =	ssyncset.done $0x0  }
0x190: {  	s14 =	rddreg [dreg:$0x10];
	[sflag:s22] =	ssyncadd.s32 $0xFFFFE800  }
0x191: {  	[spmem:s2] =	stream.indirect.scatter.add.f32 [tilespmem:s20], [sflag:$0x4], $0x30, s14, s19, $0xb8;
	[tilespmem:$0x13000] =	vst v63  }
0x192: {  	_ =	swait.ge [sflag:s24], $0x1800  }
0x193: {  	[sflag:s24] =	ssyncset.done $0x0  }
0x194: {  	s23 =	rddreg [dreg:$0x11];
	[sflag:s24] =	ssyncadd.s32 $0xFFFFE800  }
0x195: {  	[tilespmem:s20], [sflag:$0x2] =	stream.indirect.gather [spmem:s3], $0x30, s23, s19, $0xb8;
	[tilespmem:$0x13000] =	vst v63  }
0x196: {  	_ =	swait.ge [sflag:s15], $0x1800  }
0x197: {  	[sflag:s15] =	ssyncset.done $0x0  }
0x198: {  	s25 =	rddreg [dreg:$0x12];
	[sflag:s15] =	ssyncadd.s32 $0xFFFFE800  }
0x199: {  	[spmem:s2] =	stream.indirect.scatter.add.f32 [tilespmem:s12], [sflag:$0x3], $0x30, s25, s19, $0xb8;
	[tilespmem:$0x13000] =	vst v63  }
0x19a: {  	_ =	swait.ge [sflag:s21], $0x1800  }
0x19b: {  	[sflag:s21] =	ssyncset.done $0x0  }
0x19c: {  	s14 =	rddreg [dreg:$0x13];
	[sflag:s21] =	ssyncadd.s32 $0xFFFFE800  }
0x19d: {  	[tilespmem:s12], [sflag:$0x1] =	stream.indirect.gather [spmem:s3], $0x30, s14, s19, $0xb8;
	[tilespmem:$0x13000] =	vst v63  }
0x19e: {  	_ =	swait.ge [sflag:s22], $0x1800  }
0x19f: {  	[sflag:s22] =	ssyncset.done $0x0  }
0x1a0: {  	s23 =	rddreg [dreg:$0x14];
	[sflag:s22] =	ssyncadd.s32 $0xFFFFE800  }
0x1a1: {  	[spmem:s2] =	stream.indirect.scatter.add.f32 [tilespmem:s20], [sflag:$0x4], $0x30, s23, s19, $0xb8;
	[tilespmem:$0x13000] =	vst v63  }
0x1a2: {  	_ =	swait.ge [sflag:s24], $0x1800  }
0x1a3: {  	[sflag:s24] =	ssyncset.done $0x0  }
0x1a4: {  	[sflag:s24] =	ssyncadd.s32 $0xFFFFE800  }
0x1a5: {  	[tilespmem:s20], [sflag:$0x2] =	stream.indirect.gather [spmem:s3], $0x30, s26, s19, $0xb8;
	[tilespmem:$0x13000] =	vst v63  }
0x1a6: {  	_ =	swait.ge [sflag:s15], $0x1800  }
0x1a7: {  	[sflag:s15] =	ssyncset.done $0x0  }
0x1a8: {  	[sflag:s15] =	ssyncadd.s32 $0xFFFFE800  }
0x1a9: {  	[spmem:s2] =	stream.indirect.scatter.add.f32 [tilespmem:s12], [sflag:$0x3], $0x30, s28, s19, $0xb8;
	[tilespmem:$0x13000] =	vst v63  }
0x1aa: {  	_ =	swait.ge [sflag:s21], $0x1800  }
0x1ab: {  	[sflag:s21] =	ssyncset.done $0x0  }
0x1ac: {  	[sflag:s21] =	ssyncadd.s32 $0xFFFFE800  }
0x1ad: {  	[tilespmem:s12], [sflag:$0x1] =	stream.indirect.gather [spmem:s3], $0x30, s29, s19, $0xb8;
	[tilespmem:$0x13000] =	vst v63  }
0x1ae: {  	_ =	swait.ge [sflag:s22], $0x1800  }
0x1af: {  	[sflag:s22] =	ssyncset.done $0x0  }
0x1b0: {  	[sflag:s22] =	ssyncadd.s32 $0xFFFFE800  }
0x1b1: {  	[spmem:s2] =	stream.indirect.scatter.add.f32 [tilespmem:s20], [sflag:$0x4], $0x30, s30, s19, $0xb8;
	[tilespmem:$0x13000] =	vst v63  }
0x1b2: {  	_ =	swait.ge [sflag:s24], $0x1800  }
0x1b3: {  	[sflag:s24] =	ssyncset.done $0x0  }
0x1b4: {  	[sflag:s24] =	ssyncadd.s32 $0xFFFFE800  }
0x1b5: {  	[tilespmem:s20], [sflag:$0x2] =	stream.indirect.gather [spmem:s3], $0x30, s31, s19, $0xb8;
	[tilespmem:$0x13000] =	vst v63  }
0x1b6: {  	_ =	swait.ge [sflag:s15], $0x1800  }
0x1b7: {  	[sflag:s15] =	ssyncset.done $0x0  }
0x1b8: {  	[sflag:s15] =	ssyncadd.s32 $0xFFFFE800  }
0x1b9: {  	[spmem:s2] =	stream.indirect.scatter.add.f32 [tilespmem:s12], [sflag:$0x3], $0x30, s1, s19, $0xb8;
	[tilespmem:$0x13000] =	vst v63  }
0x1ba: {  	_ =	swait.ge [sflag:s21], $0x1800  }
0x1bb: {  	[sflag:s21] =	ssyncset.done $0x0  }
0x1bc: {  	[sflag:s21] =	ssyncadd.s32 $0xFFFFE800  }
0x1bd: {  	[tilespmem:s12], [sflag:$0x1] =	stream.indirect.gather [spmem:s3], $0x30, s0, s19, $0xb8;
	[tilespmem:$0x13000] =	vst v63  }
0x1be: {  	_ =	swait.ge [sflag:s22], $0x1800  }
0x1bf: {  	[sflag:s22] =	ssyncset.done $0x0  }
0x1c0: {  	[sflag:s22] =	ssyncadd.s32 $0xFFFFE800  }
0x1c1: {  	[spmem:s2] =	stream.indirect.scatter.add.f32 [tilespmem:s20], [sflag:$0x4], $0x30, s5, s19, $0xb8;
	[tilespmem:$0x13000] =	vst v63  }
0x1c2: {  	_ =	swait.ge [sflag:s24], $0x1800  }
0x1c3: {  	[sflag:s24] =	ssyncset.done $0x0  }
0x1c4: {  	[sflag:s24] =	ssyncadd.s32 $0xFFFFE800  }
0x1c5: {  	[tilespmem:s20], [sflag:$0x2] =	stream.indirect.gather [spmem:s3], $0x30, s6, s19, $0xb8;
	[tilespmem:$0x13000] =	vst v63  }
0x1c6: {  	_ =	swait.ge [sflag:s15], $0x1800  }
0x1c7: {  	[sflag:s15] =	ssyncset.done $0x0  }
0x1c8: {  	[sflag:s15] =	ssyncadd.s32 $0xFFFFE800  }
0x1c9: {  	[spmem:s2] =	stream.indirect.scatter.add.f32 [tilespmem:s12], [sflag:$0x3], $0x30, s8, s19, $0xb8;
	[tilespmem:$0x13000] =	vst v63  }
0x1ca: {  	_ =	swait.ge [sflag:s21], $0x1800  }
0x1cb: {  	[sflag:s21] =	ssyncset.done $0x0  }
0x1cc: {  	[sflag:s21] =	ssyncadd.s32 $0xFFFFE800  }
0x1cd: {  	[tilespmem:s12], [sflag:$0x1] =	stream.indirect.gather [spmem:s3], $0x30, s9, s19, $0xb8;
	[tilespmem:$0x13000] =	vst v63  }
0x1ce: {  	_ =	swait.ge [sflag:s22], $0x1800  }
0x1cf: {  	[sflag:s22] =	ssyncset.done $0x0  }
0x1d0: {  	[sflag:s22] =	ssyncadd.s32 $0xFFFFE800  }
0x1d1: {  	[spmem:s2] =	stream.indirect.scatter.add.f32 [tilespmem:s20], [sflag:$0x4], $0x30, s10, s19, $0xb8;
	[tilespmem:$0x13000] =	vst v63  }
0x1d2: {  	_ =	swait.ge [sflag:s24], $0x1800  }
0x1d3: {  	[sflag:s24] =	ssyncset.done $0x0  }
0x1d4: {  	[sflag:s24] =	ssyncadd.s32 $0xFFFFE800  }
0x1d5: {  	[tilespmem:s20], [sflag:$0x2] =	stream.indirect.gather [spmem:s3], $0x30, s11, s19, $0xb8;
	[tilespmem:$0x13000] =	vst v63  }
0x1d6: {  	_ =	swait.ge [sflag:s15], $0x1800  }
0x1d7: {  	[sflag:s15] =	ssyncset.done $0x0  }
0x1d8: {  	[sflag:s15] =	ssyncadd.s32 $0xFFFFE800  }
0x1d9: {  	[spmem:s2] =	stream.indirect.scatter.add.f32 [tilespmem:s12], [sflag:$0x3], $0x30, s16, s19, $0xb8;
	[tilespmem:$0x13000] =	vst v63  }
0x1da: {  	_ =	swait.ge [sflag:s22], $0x1800  }
0x1db: {  	[sflag:s22] =	ssyncset.done $0x0  }
0x1dc: {  	[sflag:s22] =	ssyncadd.s32 $0xFFFFE800  }
0x1dd: {  	[spmem:s2] =	stream.indirect.scatter.add.f32 [tilespmem:s20], [sflag:$0x4], $0x30, s17, s19, $0xb8;
	[tilespmem:$0x13000] =	vst v63  }
0x1de: {  	_ =	swait.ge [sflag:s21], $0x1800  }
0x1df: {  	[sflag:s21] =	ssyncset.done $0x0  }
0x1e0: {  	[sflag:s21] =	ssyncadd.s32 $0xFFFFE800  }
0x1e1: {  	_ =	swait.ge [sflag:s24], $0x1800  }
0x1e2: {  	[sflag:s24] =	ssyncset.done $0x0  }
0x1e3: {  	[sflag:s24] =	ssyncadd.s32 $0xFFFFE800  }
0x1e4: {  	[bflag:$0x0] =	sbarrier.arrive $0xFFFF  }
0x1e5: {  	s26 =	sld [smem:$0x7FD]  }
0x1e6: {  	s23 =	rddreg [dreg:$0x1d]  }
0x1e7: {  	s7 =	simm.s32 $0x6;
	s14 =	simm.s32 $0x10;
	s25 =	rddreg [dreg:$0x1e]  }
0x1e8: {  	[hbm:s23@s14], [sflag:s26] =	dma.strided [spmem:s25@s7], $0xF00, s15, $0x6   }
0x1e9: {  	_ =	swait.ge [sflag:s13], $0xF00  }
0x1ea: {  	s25 =	rddreg [dreg:$0x1f]  }
0x1eb: {  	s26 =	rddreg [dreg:$0x16];
	s14 =	sadd.s32 $0x1, s25  }
0x1ec: {  	p0 =	sne.s32 s14, s26  }
.Ltmp2:
0x1ed: {  	_ = 	snop;
	(pc) =	sbr.rel @p0 .LBB2_1-.Ltmp2, $3  }
0x1ee: {  	_ =	sdelay $0x1  }
0x1ef: {  	[sflag:s13] =	ssyncset.done $0x0  }
0x1f0: {  	[sflag:s13] =	ssyncadd.s32 $0xFFFFF100  }
0x1f1: {  	_ =	sfence.sel $0x180000  }
0x1f2: {  	[bflag:$0x0] =	sbarrier.arrive $0xFFFF  }
0x1f3: {  	_ =	strace $0x9000004D  }
0x1f4: {  	s0 =	stileid.u32;
	[bflag:$0x2] =	sbarrier.arrive $0xFFFF  }
0x1f5: {  	p0 =	sne.s32 s0, $0x0;
	s0 =	rddreg [dreg:$0x4]  }
0x1f6: {  	s0 =	sadd.s32 @!p0 $0x100000, s0  }
0x1f7: {  	[sflag:s0] =	ssyncadd.tile.s32 @!p0 $0x1;
	_ =	shalt  }
.Lfunc_end2:
_tile_overlayer_lowered:
.L_overlay_start_2:
0x1f8: {  	(tag) =	ssettag $0x2  }
0x1f9: {  	s0 =	rddreg [dreg:$0x0];
	s2 =	stileid.u32  }
0x1fa: {  	s1 =	rddreg [dreg:$0x1];
	p0 =	sne.s32 s2, $0x0  }
0x1fb: {  	s3 =	rddreg [dreg:$0x2];
	[bflag:$0x3] =	sbarrier.arrive $0xFFFF;
	s2 =	simm.s32 @!p0 $0x1C05  }
0x1fc: {  	[timem:s3], [sflag:s2] =	dma.local @!p0 [hbm:s0], s1  }
0x1fd: {  	s0 =	simm.s32 @!p0 $0x5  }
0x1fe: {  	_ =	swait.ge @!p0 [sflag:s0], s1  }
0x1ff: {  	s1 =	ssub.s32 @!p0 $0x0, s1;
	[sflag:s0] =	ssyncset.done @!p0 $0x0  }
0x200: {  	[sflag:s0] =	ssyncadd.s32 @!p0 s1  }
0x201: {  	[bflag:$0x3] =	sbarrier.arrive $0xFFFF  }
0x202: {  	_ =	shalt  }

// kernel: kernel.8.cloned.1.call-start
scs
__scs_entry_jumppad:
0x0: {  	(pc) =	sbr.rel $0x88, $3  }
0x1: {  	(tag) =	ssettag $0x0;
	lr =	simm.s32 $0x1  }
0x2: {  	[smem:$0x3F9B] =	sst lr;
	_ =	strace $0xD0000000  }
0x3: {  	_ = 	snop  }
0x4: {  	_ = 	snop  }
0x5: {  	_ = 	snop  }
0x6: {  	_ = 	snop  }
0x7: {  	_ = 	snop  }
__scs_overlays_trampoline_lowered:
0x8: {  	[smem:$0x3FAA] =	sst s0  }
0x9: {  	[smem:$0x3FAB] =	sst s1  }
0xa: {  	[smem:$0x3FAC] =	sst s2  }
0xb: {  	[smem:$0x3FAD] =	sst s3  }
0xc: {  	[smem:$0x3FAE] =	sst s4  }
0xd: {  	[smem:$0x3FAF] =	sst s5  }
0xe: {  	[smem:$0x3FB0] =	sst s6  }
0xf: {  	[smem:$0x3FB1] =	sst s7  }
0x10: {  	[smem:$0x3FB2] =	sst s8  }
0x11: {  	[smem:$0x3FB3] =	sst s9;
	s0 =	simm.s32 @!p0 $0x0  }
0x12: {  	s1 =	sld [smem:$0x3F99];
	s0 =	simm.s32 @p0 $0x1  }
0x13: {  	[smem:$0x3FB4] =	sst s0;
	s0 =	simm.s32 @!p1 $0x0  }
0x14: {  	s2 =	sld [smem:$0x3F98];
	s0 =	simm.s32 @p1 $0x1  }
0x15: {  	[smem:$0x3FB5] =	sst s0;
	s0 =	simm.s32 @!p2 $0x0  }
0x16: {  	s3 =	sld [smem:$0x3FDB];
	s0 =	simm.s32 @p2 $0x1  }
0x17: {  	s4 =	simm.s32 $0x1BF5;
	[smem:$0x3FB7] =	sst s0  }
0x18: {  	s0 =	sld [smem:$0x3F9A];
	_ =	swait.ge [sflag:s4], $0x0  }
0x19: {  	s7 =	sld [smem:$0x3F9B]  }
0x1a: {  	s8 =	sadd.s32 $0xFFFFE003, lr  }
0x1b: {  	s9 =	sadd.s32 $0xFFFFFEF7, lr;
	s5 =	simm.s32 $0xFFFFFFFF;
	p2 =	slt.u32 s8, $0xFFFFF086  }
0x1c: {  	p1 =	slt.u32 s9, $0xF7A;
	s5 =	simm.s32 @!p2 $0x0  }
0x1d: {  	s5 =	simm.s32 @p1 $0x1;
	p0 =	seq.s32 s7, s2  }
0x1e: {  	s7 =	smul.u32 @!p0 $0xF7A, s2;
	p2 =	seq.s32 @!p0 s5, $0x0  }
0x1f: {  	s9 =	smul.u32 $0xF7A, s1;
	s8 =	simm.s32 @!p0 $0x1BF5;
	p2 =	por !p2, p0  }
0x20: {  	[sflag:s8] =	ssyncset.s32 @!p0 $0xFFFFF086;
	s6 =	sadd.s32 @!p0 s3, s7;
	s7 =	simm.s32 @!p0 $0x108  }
0x21: {  	s3 =	sadd.s32 s3, s9;
	s6 =	sadd.s32 @!p0 $0x88, s6;
	s7 =	simm.s32 @p2 $0x1082  }
0x22: {  	[simem:s7], [sflag:s8] =	dma.local @!p0 [hbm:s6], $0xF7A  }
0x23: {  	s9 =	sor.u32 $0xD0000000, s2;
	s6 =	simm.s32 $0x108;
	_ =	swait.ge @!p0 [sflag:s8], $0x0  }
0x24: {  	s3 =	sadd.s32 $0x88, s3;
	s6 =	simm.s32 @!p1 $0x1082;
	[sflag:s4] =	ssyncset.s32 $0xFFFFF086  }
0x25: {  	[simem:s6], [sflag:s4] =	dma.local [hbm:s3], $0xF7A  }
0x26: {  	[smem:$0x3F9B] =	sst s1;
	(tag) =	ssettag s2;
	_ =	strace s9  }
0x27: {  	s1 =	sld [smem:$0x3FAB]  }
0x28: {  	s2 =	sld [smem:$0x3FAC]  }
0x29: {  	s4 =	sld [smem:$0x3FAE]  }
0x2a: {  	p0 =	seq.s32 s5, $0x0;
	s5 =	sld [smem:$0x3FAF]  }
0x2b: {  	s6 =	sld [smem:$0x3FB0]  }
0x2c: {  	s7 =	sld [smem:$0x3FB1]  }
0x2d: {  	s3 =	simm.s32 $0x108;
	s8 =	sld [smem:$0x3FB2]  }
0x2e: {  	s3 =	simm.s32 @!p0 $0x1082;
	s9 =	sld [smem:$0x3FB3]  }
0x2f: {  	lr =	sadd.s32 s0, s3;
	s0 =	sld [smem:$0x3FAA]  }
0x30: {  	s3 =	sld [smem:$0x3FAD]  }
0x31: {  	[smem:$0x3FB6] =	sst s10  }
0x32: {  	s10 =	sld [smem:$0x3FB4];
	_ =	sdelay $0x3  }
0x33: {  	p0 =	seq.s32 s10, $0x1;
	s10 =	sld [smem:$0x3FB6];
	_ =	sdelay $0x3  }
0x34: {  	[smem:$0x3FB6] =	sst s10  }
0x35: {  	s10 =	sld [smem:$0x3FB5];
	_ =	sdelay $0x3  }
0x36: {  	p1 =	seq.s32 s10, $0x1;
	s10 =	sld [smem:$0x3FB6];
	_ =	sdelay $0x3  }
0x37: {  	[smem:$0x3FB6] =	sst s10  }
0x38: {  	s10 =	sld [smem:$0x3FB7]  }
0x39: {  	_ = 	snop;
	(pc) =	sbr.ind lr, $3  }
0x3a: {  	_ = 	snop  }
0x3b: {  	_ = 	snop  }
0x3c: {  	p2 =	seq.s32 s10, $0x1;
	s10 =	sld [smem:$0x3FB6]  }
0x3d: {  	_ =	shalt  }
0x3e: {  	_ =	shalt  }
0x3f: {  	_ =	shalt  }
0x40: {  	_ =	shalt  }
0x41: {  	_ =	shalt  }
0x42: {  	_ =	shalt  }
0x43: {  	_ =	shalt  }
0x44: {  	_ =	shalt  }
0x45: {  	_ =	shalt  }
0x46: {  	_ =	shalt  }
0x47: {  	_ =	shalt  }
0x48: {  	_ =	shalt  }
0x49: {  	_ =	shalt  }
0x4a: {  	_ =	shalt  }
0x4b: {  	_ =	shalt  }
0x4c: {  	_ =	shalt  }
0x4d: {  	_ =	shalt  }
0x4e: {  	_ =	shalt  }
0x4f: {  	_ =	shalt  }
0x50: {  	_ =	shalt  }
0x51: {  	_ =	shalt  }
0x52: {  	_ =	shalt  }
0x53: {  	_ =	shalt  }
0x54: {  	_ =	shalt  }
0x55: {  	_ =	shalt  }
0x56: {  	_ =	shalt  }
0x57: {  	_ =	shalt  }
0x58: {  	_ =	shalt  }
0x59: {  	_ =	shalt  }
0x5a: {  	_ =	shalt  }
0x5b: {  	_ =	shalt  }
0x5c: {  	_ =	shalt  }
0x5d: {  	_ =	shalt  }
0x5e: {  	_ =	shalt  }
0x5f: {  	_ =	shalt  }
0x60: {  	_ =	shalt  }
0x61: {  	_ =	shalt  }
0x62: {  	_ =	shalt  }
0x63: {  	_ =	shalt  }
0x64: {  	_ =	shalt  }
0x65: {  	_ =	shalt  }
0x66: {  	_ =	shalt  }
0x67: {  	_ =	shalt  }
0x68: {  	_ =	shalt  }
0x69: {  	_ =	shalt  }
0x6a: {  	_ =	shalt  }
0x6b: {  	_ =	shalt  }
0x6c: {  	_ =	shalt  }
0x6d: {  	_ =	shalt  }
0x6e: {  	_ =	shalt  }
0x6f: {  	_ =	shalt  }
0x70: {  	_ =	shalt  }
0x71: {  	_ =	shalt  }
0x72: {  	_ =	shalt  }
0x73: {  	_ =	shalt  }
0x74: {  	_ =	shalt  }
0x75: {  	_ =	shalt  }
0x76: {  	_ =	shalt  }
0x77: {  	_ =	shalt  }
0x78: {  	_ =	shalt  }
0x79: {  	_ =	shalt  }
0x7a: {  	_ =	shalt  }
0x7b: {  	_ =	shalt  }
0x7c: {  	_ =	shalt  }
0x7d: {  	_ =	shalt  }
0x7e: {  	_ =	shalt  }
0x7f: {  	_ =	shalt  }
0x80: {  	_ =	shalt  }
0x81: {  	_ =	shalt  }
0x82: {  	_ =	shalt  }
0x83: {  	_ =	shalt  }
0x84: {  	_ =	shalt  }
0x85: {  	_ =	shalt  }
0x86: {  	_ =	shalt  }
0x87: {  	_ =	shalt  }
.Lfunc_end0:
.L_simem_size_0:
called_computation_lowered:
.L_overlay_start_0:
0x88: {  	s2 =	sld [smem:$0x3FD9]  }
0x89: {  	s3 =	sld [smem:$0x3FFE];
	_ =	sdelay $0x1  }
0x8a: {  	s1 =	srdreg.scid  }
0x8b: {  	s0 =	sand.u32 $0x1, s1  }
0x8c: {  	s17 =	sshll.u32 s0, $0xA;
	s2 =	sadd.s32 s3, s2  }
0x8d: {  	s2 =	sadd.s32 s2, s17  }
0x8e: {  	[smem:$0x3FC2] =	sst s2  }
0x8f: {  	_ = 	snop  }
0x90: {  	s2 =	sld [smem:$0x3FD0];
	(tm) =	ssettm $0x1  }
0x91: {  	s18 =	sld [smem:$0x3FFB];
	_ =	sdelay $0x3  }
0x92: {  	_ =	strace s18  }
0x93: {  	s3 =	sld [smem:$0x3FFC];
	_ =	sdelay $0x3  }
0x94: {  	_ =	strace s3  }
0x95: {  	s3 =	sld [smem:$0x3FFD];
	_ =	sdelay $0x3  }
0x96: {  	_ =	strace s3  }
0x97: {  	_ =	strace $0x8FFFFFFF  }
0x98: {  	s19 =	sld [smem:$0x3FDB];
	_ =	sdelay $0x1  }
0x99: {  	s4 =	simm.s32 $_scs_section_size  }
0x9a: {  	s5 =	simm.s32 $_size__tile_overlayer_lowered;
	s6 =	simm.s32 $_tile_overlayer_lowered  }
0x9b: {  	s22 =	simm.s32 $0x1BFF;
	s21 =	sshll.u32 s6, $0x1;
	s3 =	sadd.s32 s4, s19  }
0x9c: {  	s7 =	simm.s32 $0x0;
	s20 =	sshll.u32 s5, $0x1;
	s5 =	sadd.s32 s21, s3  }
0x9d: {  	[timem:s7], [sflag:s22] =	dma.local [hbm:s5], s20  }
0x9e: {  	_ =	swait.ge [sflag:s22], s20  }
0x9f: {  	s4 =	ssub.s32 $0x0, s20;
	[sflag:s22] =	ssyncset.done $0x0  }
0xa0: {  	[sflag:s22] =	ssyncadd.s32 s4;
	_ =	sdelay $0x1  }
0xa1: {  	s23 =	simm.s32 $0x1B8B  }
0xa2: {  	_ =	swait.ge [sflag:s23], $0x1  }
0xa3: {  	[sflag:s23] =	ssyncset.done $0x0  }
0xa4: {  	s25 =	simm.s32 $0x1B8E;
	s24 =	sld [smem:$0x3FFE];
	[sflag:s23] =	ssyncadd.s32 $0xFFFFFFFF  }
0xa5: {  	s26 =	simm.s32 $execute0_lowered;
	[smem:$0x3FD2] =	sst s25  }
0xa6: {  	s5 =	sshll.u32 s26, $0x1;
	_ =	strace $0x80000046;
	[dreg:$0x1] =	wrdreg $0xFFFFFFFF  }
0xa7: {  	s28 =	simm.s32 $_size_execute0_lowered;
	s3 =	sadd.s32 s3, s5;
	[dreg:$0x0] =	wrdreg $0x0  }
0xa8: {  	s5 =	sshll.u32 s28, $0x1;
	[dreg:$0x2] =	wrdreg s3  }
0xa9: {  	[dreg:$0x3] =	wrdreg s5  }
0xaa: {  	[dreg:$0x4] =	wrdreg $0xC0  }
0xab: {  	_ =	task [dreg:s7], $0x5FFFF  }
0xac: {  	[dreg:$0x1] =	wrdreg $0xFFFFFFFF  }
0xad: {  	[dreg:$0x0] =	wrdreg $0x60  }
0xae: {  	[dreg:$0x2] =	wrdreg s24  }
0xaf: {  	[dreg:$0x3] =	wrdreg s2  }
0xb0: {  	[dreg:$0x4] =	wrdreg $0x60000  }
0xb1: {  	[dreg:$0x5] =	wrdreg $0x88000  }
0xb2: {  	[dreg:$0x6] =	wrdreg $0x9  }
0xb3: {  	_ =	task.clear_ibuf [dreg:s7], $0x7FFFF;
	_ =	strace $0x90000046  }
0xb4: {  	s29 =	simm.s32 $0x9;
	_ =	strace $0x80000048  }
0xb5: {  	_ =	swait.ge [sflag:s29], $0x1  }
0xb6: {  	[sflag:s29] =	ssyncadd.s32 $0xFFFFFFFF  }
0xb7: {  	_ =	strace $0x90000048  }
0xb8: {  	_ =	sfence  }
0xb9: {  	s30 =	sld [smem:$0x0];
	_ =	sdelay $0x2  }
0xba: {  	s31 =	sshll.u32 s1, $0xD;
	s1 =	sshrl.u32 s1, $0x2  }
0xbb: {  	s3 =	sand.u32 $0x4000, s31;
	s1 =	sadd.s32 s1, s30  }
0xbc: {  	s0 =	sor.u32 s3, s0;
	s1 =	sshll.u32 s1, $0x11  }
0xbd: {  	s0 =	sor.u32 s1, s0  }
0xbe: {  	s0 =	sadd.s32 $0x8F2B, s0  }
0xbf: {  	[sflag:s0] =	ssyncadd.remote.s32 $0x1  }
0xc0: {  	_ =	sfence.sel $0xFFFF  }
0xc1: {  	[dreg:$0x0] =	wrdreg $0xFFFFFFFF;
	(pc) =	sbr.abs _section_cstart, $3  }
0xc2: {  	[dreg:$0x1] =	wrdreg $0xFFFFFFFF  }
0xc3: {  	_ =	task.clear_ibuf [dreg:s7], $0x2FFFF;
	_ =	strace $0x9FFFFFFF  }
0xc4: {  	(tm) =	ssettm $0x7FFFFFFF  }
0xc5: {  	_ =	shalt  }
tec
execute0_lowered:
.L_overlay_start_1:
0x0: {  	(tag) =	ssettag $0x1  }
0x1: {  	s5 =	rddreg [dreg:$0x0]  }
0x2: {  	s6 =	rddreg [dreg:$0x1]  }
0x3: {  	s2 =	rddreg [dreg:$0x2]  }
0x4: {  	s0 =	srdreg.scid;
	s3 =	rddreg [dreg:$0x3];
	s4 =	simm.s32 $0x0  }
0x5: {  	s18 =	simm.s32 $0x5800;
	s19 =	simm.s32 $0x3;
	s20 =	simm.s32 $0x2800  }
0x6: {  	s21 =	simm.s32 $0x80;
	s22 =	simm.s32 $0x5000;
	s23 =	simm.s32 $0x1  }
0x7: {  	s26 =	simm.s32 $0x10;
	s7 =	sand.u32 $0x1, s0;
	s0 =	stileid.u32  }
0x8: {  	[smem:$0x7FF] =	sst s4;
	s1 =	sshll.u32 s7, $0x4;
	s9 =	smul.u32 $0x50000, s7  }
0x9: {  	s7 =	ssub.s32 $0x2, s7;
	s24 =	smul.u32 $0x2800, s0;
	s8 =	sor.u32 s0, s1  }
0xa: {  	s1 =	rddreg [dreg:$0x4];
	_ =	strace $0x80000047;
	s11 =	sshrl.u32 s7, $0x1  }
0xb: {  	s8 =	smul.u32 $0x500, s8;
	s9 =	sadd.s32 s9, s5;
	s11 =	ssub.s32 s7, s11  }
0xc: {  	s7 =	sadd.s32 s24, s2;
	s12 =	sadd.s32 $0x800, s24;
	s13 =	sadd.s32 $0x1000, s24  }
0xd: {  	s15 =	sadd.s32 $0x1800, s24;
	s17 =	sadd.s32 $0x2000, s24;
	s25 =	sadd.s32 $0xC800, s9  }
0xe: {  	s9 =	smax.u32 s11, $0x1;
	s11 =	sadd.s32 s12, s3;
	s14 =	sadd.s32 s15, s2  }
0xf: {  	s15 =	sadd.s32 s15, s3;
	s16 =	sadd.s32 s17, s2;
	s17 =	sadd.s32 s17, s3  }
0x10: {  	s10 =	sadd.s32 s8, s5;
	s6 =	sadd.s32 s6, s8;
	s8 =	sadd.s32 s24, s3  }
0x11: {  	s24 =	sadd.s32 s24, s25;
	s25 =	simm.s32 $0x2;
	s5 =	sadd.s32 $0x2800, s10  }
0x12: {  	v0 =	vimm.f32 $1.000000000e+00;
	v1 =	vimm.f32 $0.0e+00;
	s10 =	sadd.s32 s12, s2;
	s12 =	sadd.s32 s13, s2;
	s13 =	sadd.s32 s13, s3  }
.LBB2_1:
0x13: {  	s28 =	simm.s32 $0x40;
	s29 =	simm.s32 $0x0  }
.LBB2_2:
0x14: {  	p0 =	sne.s32 s28, $0x1FC0;
	[tilespmem:s29+$0x5000] =	vst v0;
	s30 =	smov.u32 s28;
	s28 =	sadd.s32 $0x40, s28  }
.Ltmp0:
0x15: {  	[tilespmem:s29+$0x5800] =	vst v1;
	(pc) =	sbr.rel @p0 .LBB2_2-.Ltmp0, $2  }
0x16: {  	_ =	sdelay $0x2  }
0x17: {  	s29 =	sshra.s32 s30, $0x2  }
0x18: {  	[tilespmem:s29+$0x5000] =	vst v0  }
0x19: {  	[tilespmem:s29+$0x5800] =	vst v1  }
0x1a: {  	[spmem:s7] =	stream.linear.scatter [tilespmem:s18], [sflag:$0x3], $0x800, $0x38;
	[tilespmem:$0xB000] =	vst v63  }
0x1b: {  	_ =	swait.ge [sflag:s19], $0x800  }
0x1c: {  	[sflag:s19] =	ssyncset.done $0x0  }
0x1d: {  	[sflag:s19] =	ssyncadd.s32 $0xFFFFF800  }
0x1e: {  	[spmem:s8] =	stream.linear.scatter [tilespmem:s18], [sflag:$0x3], $0x800, $0x38;
	[tilespmem:$0xB000] =	vst v63  }
0x1f: {  	_ =	swait.ge [sflag:s19], $0x800  }
0x20: {  	[sflag:s19] =	ssyncset.done $0x0  }
0x21: {  	[sflag:s19] =	ssyncadd.s32 $0xFFFFF800  }
0x22: {  	[spmem:s10] =	stream.linear.scatter [tilespmem:s18], [sflag:$0x3], $0x800, $0x38;
	[tilespmem:$0xB000] =	vst v63  }
0x23: {  	_ =	swait.ge [sflag:s19], $0x800  }
0x24: {  	[sflag:s19] =	ssyncset.done $0x0  }
0x25: {  	[sflag:s19] =	ssyncadd.s32 $0xFFFFF800  }
0x26: {  	[spmem:s11] =	stream.linear.scatter [tilespmem:s18], [sflag:$0x3], $0x800, $0x38;
	[tilespmem:$0xB000] =	vst v63  }
0x27: {  	_ =	swait.ge [sflag:s19], $0x800  }
0x28: {  	[sflag:s19] =	ssyncset.done $0x0  }
0x29: {  	[sflag:s19] =	ssyncadd.s32 $0xFFFFF800  }
0x2a: {  	[spmem:s12] =	stream.linear.scatter [tilespmem:s18], [sflag:$0x3], $0x800, $0x38;
	[tilespmem:$0xB000] =	vst v63  }
0x2b: {  	_ =	swait.ge [sflag:s19], $0x800  }
0x2c: {  	[sflag:s19] =	ssyncset.done $0x0  }
0x2d: {  	[sflag:s19] =	ssyncadd.s32 $0xFFFFF800  }
0x2e: {  	[spmem:s13] =	stream.linear.scatter [tilespmem:s18], [sflag:$0x3], $0x800, $0x38;
	[tilespmem:$0xB000] =	vst v63  }
0x2f: {  	_ =	swait.ge [sflag:s19], $0x800  }
0x30: {  	[sflag:s19] =	ssyncset.done $0x0  }
0x31: {  	[sflag:s19] =	ssyncadd.s32 $0xFFFFF800  }
0x32: {  	[spmem:s14] =	stream.linear.scatter [tilespmem:s18], [sflag:$0x3], $0x800, $0x38;
	[tilespmem:$0xB000] =	vst v63  }
0x33: {  	_ =	swait.ge [sflag:s19], $0x800  }
0x34: {  	[sflag:s19] =	ssyncset.done $0x0  }
0x35: {  	[sflag:s19] =	ssyncadd.s32 $0xFFFFF800  }
0x36: {  	[spmem:s15] =	stream.linear.scatter [tilespmem:s18], [sflag:$0x3], $0x800, $0x38;
	[tilespmem:$0xB000] =	vst v63  }
0x37: {  	_ =	swait.ge [sflag:s19], $0x800  }
0x38: {  	[sflag:s19] =	ssyncset.done $0x0  }
0x39: {  	[sflag:s19] =	ssyncadd.s32 $0xFFFFF800  }
0x3a: {  	[spmem:s16] =	stream.linear.scatter [tilespmem:s18], [sflag:$0x3], $0x800, $0x38;
	[tilespmem:$0xB000] =	vst v63  }
0x3b: {  	_ =	swait.ge [sflag:s19], $0x800  }
0x3c: {  	[sflag:s19] =	ssyncset.done $0x0  }
0x3d: {  	[sflag:s19] =	ssyncadd.s32 $0xFFFFF800  }
0x3e: {  	[spmem:s17] =	stream.linear.scatter [tilespmem:s18], [sflag:$0x3], $0x800, $0x38;
	[tilespmem:$0xB000] =	vst v63  }
0x3f: {  	_ =	swait.ge [sflag:s19], $0x800  }
0x40: {  	[sflag:s19] =	ssyncset.done $0x0  }
0x41: {  	s28 =	simm.s32 $0x0;
	[sflag:s19] =	ssyncadd.s32 $0xFFFFF800  }
0x42: {  	[tilespmem:s28], [sflag:$0x3] =	stream.linear.gather [hbm4b:s5+s28], $0x2800, $0x38;
	[tilespmem:$0xB000] =	vst v63  }
0x43: {  	_ =	swait.ge [sflag:s19], $0x2800  }
0x44: {  	[sflag:s19] =	ssyncset.done $0x0  }
0x45: {  	[sflag:s19] =	ssyncadd.s32 $0xFFFFD800  }
0x46: {  	[tilespmem:s20], [sflag:$0x3] =	stream.linear.gather [hbm4b:s6+s28], $0x2800, $0x38;
	[tilespmem:$0xB000] =	vst v63  }
0x47: {  	_ =	swait.ge [sflag:s19], $0x2800  }
0x48: {  	[sflag:s19] =	ssyncset.done $0x0  }
0x49: {  	[sflag:s19] =	ssyncadd.s32 $0xFFFFD800  }
0x4a: {  	s28 =	simm.s32 $0x0;
	[bflag:$0x0] =	sbarrier.arrive $0xFFFF  }
0x4b: {  	[spmem:s2] =	stream.indirect.scatter.add.f32 [tilespmem:s22], [sflag:$0x1], $0x10, s28, s21, $0xb8;
	[tilespmem:$0xB000] =	vst v63  }
0x4c: {  	s28 =	simm.s32 $0x2800  }
0x4d: {  	[spmem:s3] =	stream.indirect.scatter.add.f32 [tilespmem:s22], [sflag:$0x2], $0x10, s28, s21, $0xb8;
	[tilespmem:$0xB000] =	vst v63  }
0x4e: {  	_ =	swait.ge [sflag:s23], $0x800  }
0x4f: {  	[sflag:s23] =	ssyncset.done $0x0  }
0x50: {  	[sflag:s23] =	ssyncadd.s32 $0xFFFFF800  }
0x51: {  	_ =	swait.ge [sflag:s25], $0x800  }
0x52: {  	s29 =	simm.s32 $0x400;
	s28 =	simm.s32 $0x200;
	[sflag:s25] =	ssyncset.done $0x0  }
.LBB2_4:
0x53: {  	s30 =	sshra.s32 s28, $0x2  }
0x54: {  	[sflag:s25] =	ssyncadd.s32 $0xFFFFF800;
	s28 =	smov.u32 s29;
	s31 =	sadd.s32 $0x200, s29  }
0x55: {  	[spmem:s2] =	stream.indirect.scatter.add.f32 [tilespmem:s22], [sflag:$0x1], $0x10, s30, s21, $0xb8;
	[tilespmem:$0xB000] =	vst v63  }
0x56: {  	p0 =	sne.s32 s29, $0x9E00;
	s29 =	sadd.s32 $0x2800, s30  }
0x57: {  	[spmem:s3] =	stream.indirect.scatter.add.f32 [tilespmem:s22], [sflag:$0x2], $0x10, s29, s21, $0xb8;
	[tilespmem:$0xB000] =	vst v63  }
.Ltmp1:
0x58: {  	_ =	swait.ge [sflag:s23], $0x800;
	(pc) =	sbr.rel @p0 .LBB2_4-.Ltmp1, $4  }
0x59: {  	[sflag:s23] =	ssyncset.done $0x0  }
0x5a: {  	[sflag:s23] =	ssyncadd.s32 $0xFFFFF800  }
0x5b: {  	_ =	swait.ge [sflag:s25], $0x800  }
0x5c: {  	s29 =	smov.u32 s31;
	[sflag:s25] =	ssyncset.done $0x0  }
0x5d: {  	s28 =	sshra.s32 s28, $0x2;
	[sflag:s25] =	ssyncadd.s32 $0xFFFFF800  }
0x5e: {  	[spmem:s2] =	stream.indirect.scatter.add.f32 [tilespmem:s22], [sflag:$0x1], $0x10, s28, s21, $0xb8;
	[tilespmem:$0xB000] =	vst v63  }
0x5f: {  	s28 =	sadd.s32 $0x2800, s28  }
0x60: {  	[spmem:s3] =	stream.indirect.scatter.add.f32 [tilespmem:s22], [sflag:$0x2], $0x10, s28, s21, $0xb8;
	[tilespmem:$0xB000] =	vst v63  }
0x61: {  	_ =	swait.ge [sflag:s23], $0x800  }
0x62: {  	[sflag:s23] =	ssyncset.done $0x0  }
0x63: {  	[sflag:s23] =	ssyncadd.s32 $0xFFFFF800  }
0x64: {  	_ =	swait.ge [sflag:s25], $0x800  }
0x65: {  	[sflag:s25] =	ssyncset.done $0x0  }
0x66: {  	s30 =	sshll.u32 s0, $0x6;
	[sflag:s25] =	ssyncadd.s32 $0xFFFFF800  }
0x67: {  	s29 =	sshrl.u32 s7, $0x3;
	s28 =	sor.u32 $0x1C03, s30;
	[bflag:$0x0] =	sbarrier.arrive $0xFFFF  }
0x68: {  	[hbm:s24@s26], [sflag:s28] =	dma.strided [spmem:s29@s25], $0x500, s23, $0x2   }
0x69: {  	s4 =	sadd.s32 $0x1, s4;
	_ =	swait.ge [sflag:s19], $0x500  }
0x6a: {  	s31 =	sadd.s32 $0x28000, s24;
	p0 =	sne.s32 s4, s9;
	[sflag:s19] =	ssyncset.done $0x0  }
.Ltmp2:
0x6b: {  	s30 =	sshrl.u32 s8, $0x3;
	[sflag:s19] =	ssyncadd.s32 $0xFFFFFB00;
	(pc) =	sbr.rel @p0 .LBB2_1-.Ltmp2, $4  }
0x6c: {  	[hbm:s31@s26], [sflag:s28] =	dma.strided [spmem:s30@s25], $0x500, s23, $0x2   }
0x6d: {  	_ =	swait.ge [sflag:s19], $0x500  }
0x6e: {  	[sflag:s19] =	ssyncset.done $0x0  }
0x6f: {  	[sflag:s19] =	ssyncadd.s32 $0xFFFFFB00  }
0x70: {  	_ =	sfence.sel $0x180000  }
0x71: {  	[bflag:$0x0] =	sbarrier.arrive $0xFFFF  }
0x72: {  	p0 =	sne.s32 s0, $0x0;
	_ =	strace $0x90000047  }
0x73: {  	s0 =	sadd.s32 @!p0 $0x100000, s1;
	[bflag:$0x2] =	sbarrier.arrive $0xFFFF  }
0x74: {  	[sflag:s0] =	ssyncadd.tile.s32 @!p0 $0x1;
	_ =	shalt  }
.Lfunc_end2:
_tile_overlayer_lowered:
.L_overlay_start_2:
0x75: {  	(tag) =	ssettag $0x2  }
0x76: {  	s0 =	rddreg [dreg:$0x0];
	s2 =	stileid.u32  }
0x77: {  	s1 =	rddreg [dreg:$0x1];
	p0 =	sne.s32 s2, $0x0  }
0x78: {  	s3 =	rddreg [dreg:$0x2];
	[bflag:$0x3] =	sbarrier.arrive $0xFFFF;
	s2 =	simm.s32 @!p0 $0x1C03  }
0x79: {  	[timem:s3], [sflag:s2] =	dma.local @!p0 [hbm:s0], s1  }
0x7a: {  	s0 =	simm.s32 @!p0 $0x3  }
0x7b: {  	_ =	swait.ge @!p0 [sflag:s0], s1  }
0x7c: {  	s1 =	ssub.s32 @!p0 $0x0, s1;
	[sflag:s0] =	ssyncset.done @!p0 $0x0  }
0x7d: {  	[sflag:s0] =	ssyncadd.s32 @!p0 s1  }
0x7e: {  	[bflag:$0x3] =	sbarrier.arrive $0xFFFF  }
0x7f: {  	_ =	shalt  }

</sc_bundles>
